<compile_context>
chip_gen: v7x
topology: tpu7x:2x2x1
jax: 0.10.2.dev20260603
libtpu: 0.0.44.dev20260713+nightly
codegen_flags: <defaults>
</compile_context>

<pallas_src>
import functools

import jax
import jax.numpy as jnp
from jax import lax
from jax.experimental import pallas as pl
from jax.experimental.pallas import tpu as pltpu
from jax.experimental.pallas import tpu_sc as plsc

N = 10000
D_IN = 128
H1, C1 = 2, 64
H2, C2 = 1, 4

NP = 10240
NSC, NTILE = 2, 16
NW = NSC * NTILE
B = 128
NT2 = NP // 16
RPT = NP // NTILE



def _proj1_body(x_ref, wl_ref, bl_ref, wr_ref, br_ref, xlr_ref):
    rows = lax.broadcasted_iota(jnp.int32, (NP, 1), 0)
    valid = rows < N
    x = x_ref[...]
    xl = jnp.dot(x, wl_ref[...], preferred_element_type=jnp.float32) + bl_ref[...]
    xr = jnp.dot(x, wr_ref[...], preferred_element_type=jnp.float32) + br_ref[...]
    xlr_ref[pl.ds(0, NP), :] = jnp.where(valid, xl, 0.0)
    xlr_ref[pl.ds(NP, NP), :] = jnp.where(valid, xr, 0.0)


def _mid_body(accn_ref, accd_ref, b1_ref, w2_ref, b2_ref, t2_ref):
    numer = accn_ref[0] + accn_ref[1]
    accd = accd_ref[0] + accd_ref[1]
    d0 = accd[:, 0:1]
    d1 = accd[:, C1:C1 + 1]
    d0 = jnp.where(d0 != 0.0, d0, 1.0)
    d1 = jnp.where(d1 != 0.0, d1, 1.0)
    div = jnp.concatenate([jnp.broadcast_to(d0, (NP, C1)),
                           jnp.broadcast_to(d1, (NP, C1))], axis=1)
    h = numer / div + b1_ref[...]
    h = jnp.maximum(h, 0.01 * h)
    t2t = lax.dot_general(w2_ref[...], h, (((0,), (1,)), ((), ())),
                          preferred_element_type=jnp.float32)
    t2t = t2t + b2_ref[...]
    cols = lax.broadcasted_iota(jnp.int32, (1, NP), 1)
    t2_ref[...] = jnp.where(cols < N, t2t, 0.0)


def _final_body(acc_ref, b2_ref, out_ref):
    a = acc_ref[0] + acc_ref[1]
    parts = []
    for sl in range(16):
        sub = a[:, 8 * sl:8 * sl + C2]
        den = a[:, 8 * sl + C2:8 * sl + C2 + 1]
        den = jnp.where(den != 0.0, den, 1.0)
        o = sub / den + b2_ref[...]
        m = jnp.max(o, axis=1, keepdims=True)
        e = jnp.exp(o - m)
        parts.append(e / jnp.sum(e, axis=1, keepdims=True))
    p = jnp.stack(parts, axis=1)
    out_ref[...] = p.reshape(NP, C2)[:N]


def _bc15(v):
    return v.at[jnp.full((16,), 15, jnp.int32)].get(mode="promise_in_bounds")


def _bc_lane(v, i):
    return v.at[jnp.full((16,), i, jnp.int32)].get(mode="promise_in_bounds")



def _make_edge1(ep, weighted):
    epw = ep // NW
    nchunk = epw // B
    mesh = plsc.VectorSubcoreMesh(core_axis_name="c", subcore_axis_name="s",
                                  num_cores=NSC, num_subcores=NTILE)

    @functools.partial(
        pl.kernel,
        out_type=jax.ShapeDtypeStruct((NSC, NP, 128), jnp.float32),
        mesh=mesh,
        scratch_types=[
            pltpu.VMEM((B,), jnp.int32),
            pltpu.VMEM((B,), jnp.int32),
            pltpu.VMEM((B,), jnp.int32),
            pltpu.VMEM((B, 128), jnp.float32),
            pltpu.VMEM((B, 128), jnp.float32),
            pltpu.VMEM((H1 * C1,), jnp.float32),
            pltpu.VMEM_SHARED((NP, 128), jnp.float32),
            pltpu.SemaphoreType.DMA,
            pltpu.SemaphoreType.DMA,
        ],
        compiler_params=pltpu.CompilerParams(needs_layout_passes=False),
    )
    def edge1(xlr_hbm, src_hbm, dst_hbm, att_hbm, acc_hbm,
              src_idx, dst_idx, dsg_idx, xl_rows, xr_rows, att_v, acc_sh,
              sem_a, sem_b):
        cid = lax.axis_index("c")
        sid = lax.axis_index("s")
        wid = cid * NTILE + sid

        def _zinit(g, cc):
            src_idx[pl.ds(g * 16, 16)] = jnp.full((16,), N, jnp.int32)
            return cc

        lax.fori_loop(0, B // 16, _zinit, 0)
        pltpu.sync_copy(att_hbm, att_v)
        pltpu.async_copy(xlr_hbm.at[src_idx], xl_rows, sem_a).wait()
        for i in range(RPT // B):
            pltpu.sync_copy(xl_rows, acc_sh.at[pl.ds(sid * RPT + i * B, B)])
        plsc.subcore_barrier()

        def _chunk(t, c):
            base = wid * epw + t * B
            ci1 = pltpu.async_copy(src_hbm.at[pl.ds(base, B)], src_idx, sem_a)
            ci2 = pltpu.async_copy(dst_hbm.at[pl.ds(base, B)], dst_idx, sem_b)
            ci1.wait()
            ci2.wait()

            def _pidx(g, cc):
                dst_v = dst_idx[pl.ds(g * 16, 16)]
                dsg_idx[pl.ds(g * 16, 16)] = dst_v + NP
                return cc

            lax.fori_loop(0, B // 16, _pidx, 0)
            cpa = pltpu.async_copy(xlr_hbm.at[src_idx], xl_rows, sem_a)
            cpb = pltpu.async_copy(xlr_hbm.at[dsg_idx], xr_rows, sem_b)
            cpa.wait()
            cpb.wait()

            def _edge(e, cc):
                xl = [xl_rows[e, pl.ds(16 * k, 16)] for k in range(8)]
                xr = [xr_rows[e, pl.ds(16 * k, 16)] for k in range(8)]
                attv = [att_v[pl.ds(16 * k, 16)] for k in range(8)]
                p = []
                for k in range(8):
                    m = xl[k] + xr[k]
                    ek = jnp.maximum(m, 0.2 * m)
                    p.append(ek * attv[k])
                h0 = (p[0] + p[1]) + (p[2] + p[3])
                h1 = (p[4] + p[5]) + (p[6] + p[7])
                w0 = jnp.exp(_bc15(plsc.cumsum(h0)))
                w1 = jnp.exp(_bc15(plsc.cumsum(h1)))
                if weighted:
                    for k in range(4):
                        xl_rows[e, pl.ds(16 * k, 16)] = w0 * xl[k]
                    for k in range(4, 8):
                        xl_rows[e, pl.ds(16 * k, 16)] = w1 * xl[k]
                else:
                    for k in range(4):
                        xl_rows[e, pl.ds(16 * k, 16)] = w0
                    for k in range(4, 8):
                        xl_rows[e, pl.ds(16 * k, 16)] = w1
                return cc

            lax.fori_loop(0, B, _edge, 0, unroll=2)
            pltpu.sync_copy(xl_rows, acc_sh.at[dst_idx], add=True)
            return c

        lax.fori_loop(0, nchunk, _chunk, 0)
        plsc.subcore_barrier()
        pltpu.sync_copy(acc_sh.at[pl.ds(sid * RPT, RPT)],
                        acc_hbm.at[cid, pl.ds(sid * RPT, RPT)])

    return edge1



def _make_edge2(ep):
    epw = ep // NW
    nchunk = epw // B
    mesh = plsc.VectorSubcoreMesh(core_axis_name="c", subcore_axis_name="s",
                                  num_cores=NSC, num_subcores=NTILE)

    @functools.partial(
        pl.kernel,
        out_type=jax.ShapeDtypeStruct((NSC, NT2, 128), jnp.float32),
        mesh=mesh,
        scratch_types=[
            pltpu.VMEM((B,), jnp.int32),
            pltpu.VMEM((B,), jnp.int32),
            pltpu.VMEM((B,), jnp.int32),
            pltpu.VMEM((8, NP), jnp.float32),
            pltpu.VMEM((B, 128), jnp.float32),
            pltpu.VMEM((16,), jnp.float32),
            pltpu.VMEM_SHARED((NT2, 128), jnp.float32),
        ],
        compiler_params=pltpu.CompilerParams(needs_layout_passes=False),
    )
    def edge2(t2_hbm, src_hbm, dst_hbm, att_hbm, acc_hbm,
              src_idx, dst_idx, acr_idx, t2_tile, out_rows, att_v, acc_sh):
        cid = lax.axis_index("c")
        sid = lax.axis_index("s")
        wid = cid * NTILE + sid
        zv = jnp.zeros((16,), jnp.float32)

        def _zrow(r, c):
            for k in range(8):
                out_rows[r, pl.ds(16 * k, 16)] = zv
            return c

        lax.fori_loop(0, B, _zrow, 0)
        rpt = NT2 // NTILE
        pltpu.sync_copy(out_rows.at[pl.ds(0, rpt)],
                        acc_sh.at[pl.ds(sid * rpt, rpt)])
        pltpu.sync_copy(t2_hbm, t2_tile)
        pltpu.sync_copy(att_hbm, att_v)
        plsc.subcore_barrier()

        def _chunk(t, c):
            base = wid * epw + t * B
            pltpu.sync_copy(src_hbm.at[pl.ds(base, B)], src_idx)
            pltpu.sync_copy(dst_hbm.at[pl.ds(base, B)], dst_idx)

            def _group(g, cc):
                att_all = att_v[pl.ds(0, 16)]
                attc = [_bc_lane(att_all, ci) for ci in range(C2)]
                rows16 = lax.iota(jnp.int32, 16) + g * 16
                src_v = src_idx[pl.ds(g * 16, 16)]
                dst_v = dst_idx[pl.ds(g * 16, 16)]
                drow = jnp.right_shift(dst_v, 4)
                dcol = jnp.bitwise_and(dst_v, 15) * 8
                acr_idx[pl.ds(g * 16, 16)] = drow
                xlc = []
                acc = jnp.zeros((16,), jnp.float32)
                for ci in range(C2):
                    a = plsc.load_gather(
                        t2_tile, [jnp.full((16,), ci, jnp.int32), src_v])
                    b = plsc.load_gather(
                        t2_tile, [jnp.full((16,), 4 + ci, jnp.int32), dst_v])
                    xlc.append(a)
                    m = a + b
                    ek = jnp.maximum(m, 0.2 * m)
                    acc = acc + attc[ci] * ek
                w = jnp.exp(acc)
                for ci in range(C2):
                    plsc.store_scatter(out_rows, [rows16, dcol + ci],
                                       w * xlc[ci])
                plsc.store_scatter(out_rows, [rows16, dcol + 4], w)
                return cc

            lax.fori_loop(0, B // 16, _group, 0)
            pltpu.sync_copy(out_rows, acc_sh.at[acr_idx], add=True)

            def _clr(g, cc):
                rows16 = lax.iota(jnp.int32, 16) + g * 16
                dst_v = dst_idx[pl.ds(g * 16, 16)]
                dcol = jnp.bitwise_and(dst_v, 15) * 8
                zz = jnp.zeros((16,), jnp.float32)
                for ci in range(C2 + 1):
                    plsc.store_scatter(out_rows, [rows16, dcol + ci], zz)
                return cc

            lax.fori_loop(0, B // 16, _clr, 0)
            return c

        lax.fori_loop(0, nchunk, _chunk, 0)
        plsc.subcore_barrier()
        rpt2 = NT2 // NTILE
        pltpu.sync_copy(acc_sh.at[pl.ds(sid * rpt2, rpt2)],
                        acc_hbm.at[cid, pl.ds(sid * rpt2, rpt2)])

    return edge2


def kernel(x, edge_index, weights, W1l, b1l, W1r, b1r, att1, bias1,
           W2l, b2l, W2r, b2r, att2, bias2):
    del weights
    n = x.shape[0]
    e_raw = edge_index.shape[1]
    et = e_raw + n
    ep = ((et + NW * B - 1) // (NW * B)) * (NW * B)
    loop = jnp.arange(n, dtype=edge_index.dtype)
    pad = jnp.full((ep - et,), n, jnp.int32)
    src = jnp.concatenate([edge_index[0], loop, pad])
    dst = jnp.concatenate([edge_index[1], loop, pad])
    xp = jnp.pad(x, ((0, NP - n), (0, 0)))
    xlr = pl.pallas_call(
        _proj1_body,
        out_shape=jax.ShapeDtypeStruct((2 * NP, H1 * C1), jnp.float32),
    )(xp, W1l, b1l, W1r, b1r)

    att1f = att1.reshape(H1 * C1)
    accn = _make_edge1(ep, True)(xlr, src, dst, att1f)
    accd = _make_edge1(ep, False)(xlr, src, dst, att1f)

    W2 = jnp.concatenate([W2l, W2r], axis=1)
    b2 = jnp.concatenate([b2l, b2r])
    t2p = pl.pallas_call(
        _mid_body,
        out_shape=jax.ShapeDtypeStruct((8, NP), jnp.float32),
    )(accn, accd, bias1, W2, b2.reshape(8, 1))

    att2f = jnp.pad(att2.reshape(H2 * C2), (0, 16 - H2 * C2))
    acc2 = _make_edge2(ep)(t2p, src, dst, att2f)

    out = pl.pallas_call(
        _final_body,
        out_shape=jax.ShapeDtypeStruct((N, C2), jnp.float32),
    )(acc2, bias2)
    return out

# --- scband reference (transcript-rebuilt; emitter-appended) ---
"""Pipeline reference for scband-att-gcnn-23948737642597 (READ-ONLY COPY).

The authoritative reference and input builder live on the scoring server;
editing this copy changes nothing except your own understanding.
"""

import jax, jax.numpy as jnp
import numpy as np

N = 10000
E = 320000
D_IN = 128
H1, C1 = 2, 64
H2, C2 = 1, 4

def _leaky(x, slope):
    return jnp.where(x >= 0, x, slope * x)

def _gatv2(x, src, dst, Wl, bl, Wr, br, att, bias, heads, out_c, concat, n_nodes):
    xl = (x @ Wl + bl).reshape(n_nodes, heads, out_c)
    xr = (x @ Wr + br).reshape(n_nodes, heads, out_c)
    m = xl[src] + xr[dst]
    e = _leaky(m, 0.2)
    alpha = jnp.sum(e * att[None, :, :], axis=-1)
    amax = jax.ops.segment_max(alpha, dst, num_segments=n_nodes)
    alpha = jnp.exp(alpha - amax[dst])
    denom = jax.ops.segment_sum(alpha, dst, num_segments=n_nodes)
    alpha = alpha / denom[dst]
    out = jax.ops.segment_sum(xl[src] * alpha[:, :, None], dst, num_segments=n_nodes)
    if concat:
        out = out.reshape(n_nodes, heads * out_c)
    else:
        out = out.mean(axis=1)
    return out + bias

def setup_inputs(seed: int = 0):
    key = jax.random.key(seed)
    ks = jax.random.split(key, 16)
    x = jax.random.normal(ks[0], (N, D_IN), jnp.float32)
    edge_index = jax.random.randint(ks[1], (2, E), 0, N, jnp.int32)
    weights = jax.random.normal(ks[2], (E,), jnp.float32)
    s1 = 1.0 / np.sqrt(D_IN)
    W1l = jax.random.normal(ks[3], (D_IN, H1 * C1), jnp.float32) * s1
    b1l = jnp.zeros((H1 * C1,), jnp.float32)
    W1r = jax.random.normal(ks[4], (D_IN, H1 * C1), jnp.float32) * s1
    b1r = jnp.zeros((H1 * C1,), jnp.float32)
    att1 = jax.random.normal(ks[5], (H1, C1), jnp.float32) * (1.0 / np.sqrt(C1))
    bias1 = jnp.zeros((H1 * C1,), jnp.float32)
    s2 = 1.0 / np.sqrt(H1 * C1)
    W2l = jax.random.normal(ks[6], (H1 * C1, H2 * C2), jnp.float32) * s2
    b2l = jnp.zeros((H2 * C2,), jnp.float32)
    W2r = jax.random.normal(ks[7], (H1 * C1, H2 * C2), jnp.float32) * s2
    b2r = jnp.zeros((H2 * C2,), jnp.float32)
    att2 = jax.random.normal(ks[8], (H2, C2), jnp.float32) * (1.0 / np.sqrt(C2))
    bias2 = jnp.zeros((C2,), jnp.float32)
    return {"x": x, "edge_index": edge_index, "weights": weights,
            "W1l": W1l, "b1l": b1l, "W1r": W1r, "b1r": b1r, "att1": att1, "bias1": bias1,
            "W2l": W2l, "b2l": b2l, "W2r": W2r, "b2r": b2r, "att2": att2, "bias2": bias2}

def reference(x, edge_index, weights, W1l, b1l, W1r, b1r, att1, bias1, W2l, b2l, W2r, b2r, att2, bias2):
    # eval mode: all F.dropout calls are identity (training=False)
    n_nodes = x.shape[0]
    loop = jnp.arange(n_nodes, dtype=edge_index.dtype)
    src = jnp.concatenate([edge_index[0], loop])
    dst = jnp.concatenate([edge_index[1], loop])
    h = _gatv2(x, src, dst, W1l, b1l, W1r, b1r, att1, bias1, H1, C1, True, n_nodes)
    h = _leaky(h, 0.01)  # nn.LeakyReLU default negative_slope
    out = _gatv2(h, src, dst, W2l, b2l, W2r, b2r, att2, bias2, H2, C2, False, n_nodes)
    return jax.nn.softmax(out, axis=1)

if __name__ == "__main__":
    import jax
    _d = setup_inputs()
    print(jax.jit(kernel)(*tuple(_d.values())))

</pallas_src>

<mosaic_0001>
#map = affine_map<(d0, d1) -> (0, 0)>
#map1 = affine_map<(d0, d1) -> (0)>
#map2 = affine_map<(d0, d1) -> (0, 0, 0)>
module attributes {stable_mosaic.version = 14 : i64} {
  func.func @edge2(%arg0: i32, %arg1: i32, %arg2: memref<8x10240xf32, #tpu.memory_space<hbm>>, %arg3: memref<331776xi32, #tpu.memory_space<hbm>>, %arg4: memref<331776xi32, #tpu.memory_space<hbm>>, %arg5: memref<16xf32, #tpu.memory_space<hbm>>, %arg6: memref<2x640x128xf32, #tpu.memory_space<hbm>>, %arg7: memref<128xi32, #tpu.memory_space<vmem>>, %arg8: memref<128xi32, #tpu.memory_space<vmem>>, %arg9: memref<128xi32, #tpu.memory_space<vmem>>, %arg10: memref<8x10240xf32, #tpu.memory_space<vmem>>, %arg11: memref<128x128xf32, #tpu.memory_space<vmem>>, %arg12: memref<16xf32, #tpu.memory_space<vmem>>, %arg13: memref<640x128xf32, #tpu.memory_space<vmem_shared>>) attributes {dimension_semantics = [#tpu.dimension_semantics<core_parallel>, #tpu.dimension_semantics<subcore_parallel>], iteration_bounds = array<i64: 2, 16>, scalar_prefetch = 0 : i64, scratch_operands = 7 : i64, tpu.core_type = #tpu.core_type<sc_vector_subcore>, window_params = [{transform_indices = #map}, {transform_indices = #map1}, {transform_indices = #map1}, {transform_indices = #map1}, {transform_indices = #map2}]} {
    %mul3A = arith.constant 16 : i32
    %mul3A_0 = arith.muli %arg0, %mul3A : i32
    %add3A = arith.addi %mul3A_0, %arg1 : i32
    %broadcast_in_dim3A = arith.constant 0.000000e+00 : f32
    %broadcast_in_dim3A_1 = vector.broadcast %broadcast_in_dim3A : f32 to vector<16xf32>
    %scan3A = arith.constant 0 : i32
    %scan3A_2 = arith.constant 0 : i32
    %scan3A_3 = arith.constant 128 : i32
    %scan3A_4 = arith.addi %scan3A_2, %scan3A_3 : i32
    %scan3A_5 = arith.constant 1 : i32
    scf.for %scan3A_20 = %scan3A_2 to %scan3A_4 step %scan3A_5  : i32 {
      %swap3A = arith.index_cast %scan3A_20 : i32 to index
      %swap3A_21 = arith.constant 0 : index
      %swap3A_22 = tpu.vector_load %arg11[%swap3A, %swap3A_21] {strides = array<i32>} : memref<128x128xf32, #tpu.memory_space<vmem>>, vector<16xf32>,
      tpu.vector_store %arg11[%swap3A, %swap3A_21], %broadcast_in_dim3A_1 {strides = array<i32>} : memref<128x128xf32, #tpu.memory_space<vmem>>, vector<16xf32>,
      %swap3A_23 = arith.index_cast %scan3A_20 : i32 to index
      %swap3A_24 = arith.constant 16 : index
      %swap3A_25 = tpu.vector_load %arg11[%swap3A_23, %swap3A_24] {strides = array<i32>} : memref<128x128xf32, #tpu.memory_space<vmem>>, vector<16xf32>,
      tpu.vector_store %arg11[%swap3A_23, %swap3A_24], %broadcast_in_dim3A_1 {strides = array<i32>} : memref<128x128xf32, #tpu.memory_space<vmem>>, vector<16xf32>,
      %swap3A_26 = arith.index_cast %scan3A_20 : i32 to index
      %swap3A_27 = arith.constant 32 : index
      %swap3A_28 = tpu.vector_load %arg11[%swap3A_26, %swap3A_27] {strides = array<i32>} : memref<128x128xf32, #tpu.memory_space<vmem>>, vector<16xf32>,
      tpu.vector_store %arg11[%swap3A_26, %swap3A_27], %broadcast_in_dim3A_1 {strides = array<i32>} : memref<128x128xf32, #tpu.memory_space<vmem>>, vector<16xf32>,
      %swap3A_29 = arith.index_cast %scan3A_20 : i32 to index
      %swap3A_30 = arith.constant 48 : index
      %swap3A_31 = tpu.vector_load %arg11[%swap3A_29, %swap3A_30] {strides = array<i32>} : memref<128x128xf32, #tpu.memory_space<vmem>>, vector<16xf32>,
      tpu.vector_store %arg11[%swap3A_29, %swap3A_30], %broadcast_in_dim3A_1 {strides = array<i32>} : memref<128x128xf32, #tpu.memory_space<vmem>>, vector<16xf32>,
      %swap3A_32 = arith.index_cast %scan3A_20 : i32 to index
      %swap3A_33 = arith.constant 64 : index
      %swap3A_34 = tpu.vector_load %arg11[%swap3A_32, %swap3A_33] {strides = array<i32>} : memref<128x128xf32, #tpu.memory_space<vmem>>, vector<16xf32>,
      tpu.vector_store %arg11[%swap3A_32, %swap3A_33], %broadcast_in_dim3A_1 {strides = array<i32>} : memref<128x128xf32, #tpu.memory_space<vmem>>, vector<16xf32>,
      %swap3A_35 = arith.index_cast %scan3A_20 : i32 to index
      %swap3A_36 = arith.constant 80 : index
      %swap3A_37 = tpu.vector_load %arg11[%swap3A_35, %swap3A_36] {strides = array<i32>} : memref<128x128xf32, #tpu.memory_space<vmem>>, vector<16xf32>,
      tpu.vector_store %arg11[%swap3A_35, %swap3A_36], %broadcast_in_dim3A_1 {strides = array<i32>} : memref<128x128xf32, #tpu.memory_space<vmem>>, vector<16xf32>,
      %swap3A_38 = arith.index_cast %scan3A_20 : i32 to index
      %swap3A_39 = arith.constant 96 : index
      %swap3A_40 = tpu.vector_load %arg11[%swap3A_38, %swap3A_39] {strides = array<i32>} : memref<128x128xf32, #tpu.memory_space<vmem>>, vector<16xf32>,
      tpu.vector_store %arg11[%swap3A_38, %swap3A_39], %broadcast_in_dim3A_1 {strides = array<i32>} : memref<128x128xf32, #tpu.memory_space<vmem>>, vector<16xf32>,
      %swap3A_41 = arith.index_cast %scan3A_20 : i32 to index
      %swap3A_42 = arith.constant 112 : index
      %swap3A_43 = tpu.vector_load %arg11[%swap3A_41, %swap3A_42] {strides = array<i32>} : memref<128x128xf32, #tpu.memory_space<vmem>>, vector<16xf32>,
      tpu.vector_store %arg11[%swap3A_41, %swap3A_42], %broadcast_in_dim3A_1 {strides = array<i32>} : memref<128x128xf32, #tpu.memory_space<vmem>>, vector<16xf32>,
    }
    %scan3A_6 = arith.constant 128 : i32
    %mul3A_7 = arith.constant 40 : i32
    %mul3A_8 = arith.muli %arg1, %mul3A_7 : i32
    "tpu.region"() ({
      %run_scoped3A = tpu.sem_alloc : memref<!tpu.dma_semaphore, #tpu.memory_space<semaphore_mem>>
      %dma_start3A = arith.constant 0 : i32
      %dma_start3A_20 = arith.constant 0 : i32
      %dma_start3A_21 = tpu.memref_slice %arg11[%dma_start3A, %dma_start3A_20] : memref<128x128xf32, #tpu.memory_space<vmem>> -> memref<40x128xf32, #tpu.memory_space<vmem>>
      %dma_start3A_22 = arith.constant 0 : i32
      %dma_start3A_23 = tpu.memref_slice %arg13[%mul3A_8, %dma_start3A_22] : memref<640x128xf32, #tpu.memory_space<vmem_shared>> -> memref<40x128xf32, #tpu.memory_space<vmem_shared>>
      %dma_start3A_24 = arith.constant 0 : i32
      %dma_start3A_25 = tpu.memref_slice %arg13[%mul3A_8, %dma_start3A_24] : memref<640x128xf32, #tpu.memory_space<vmem_shared>> -> memref<40x128xf32, #tpu.memory_space<vmem_shared>>
      %dma_start3A_26 = arith.constant 0 : i32
      %dma_start3A_27 = arith.constant 0 : i32
      %dma_start3A_28 = tpu.memref_slice %arg11[%dma_start3A_26, %dma_start3A_27] : memref<128x128xf32, #tpu.memory_space<vmem>> -> memref<40x128xf32, #tpu.memory_space<vmem>>
      tpu.enqueue_dma source(%dma_start3A_28 : memref<40x128xf32, #tpu.memory_space<vmem>>) target(%dma_start3A_25 : memref<40x128xf32, #tpu.memory_space<vmem_shared>>) target_semaphore(%run_scoped3A : memref<!tpu.dma_semaphore, #tpu.memory_space<semaphore_mem>>)
      %dma_wait3A = arith.constant 0 : i32
      %dma_wait3A_29 = arith.constant 0 : i32
      %dma_wait3A_30 = tpu.memref_slice %arg11[%dma_wait3A, %dma_wait3A_29] : memref<128x128xf32, #tpu.memory_space<vmem>> -> memref<40x128xf32, #tpu.memory_space<vmem>>
      %dma_wait3A_31 = arith.constant 0 : i32
      %dma_wait3A_32 = tpu.memref_slice %arg13[%mul3A_8, %dma_wait3A_31] : memref<640x128xf32, #tpu.memory_space<vmem_shared>> -> memref<40x128xf32, #tpu.memory_space<vmem_shared>>
      %dma_wait3A_33 = arith.constant 0 : i32
      %dma_wait3A_34 = tpu.memref_slice %arg13[%mul3A_8, %dma_wait3A_33] : memref<640x128xf32, #tpu.memory_space<vmem_shared>> -> memref<40x128xf32, #tpu.memory_space<vmem_shared>>
      %dma_wait3A_35 = arith.constant 0 : i32
      %dma_wait3A_36 = arith.constant 0 : i32
      %dma_wait3A_37 = tpu.memref_slice %arg11[%dma_wait3A_35, %dma_wait3A_36] : memref<128x128xf32, #tpu.memory_space<vmem>> -> memref<40x128xf32, #tpu.memory_space<vmem>>
      tpu.wait_dma2 semaphore(%run_scoped3A : memref<!tpu.dma_semaphore, #tpu.memory_space<semaphore_mem>>) src(%dma_wait3A_37 : memref<40x128xf32, #tpu.memory_space<vmem>>) dst(%dma_wait3A_34 : memref<40x128xf32, #tpu.memory_space<vmem_shared>>)
      tpu.yield
    }) : () -> ()
    "tpu.region"() ({
      %run_scoped3A = tpu.sem_alloc : memref<!tpu.dma_semaphore, #tpu.memory_space<semaphore_mem>>
      tpu.enqueue_dma source(%arg2 : memref<8x10240xf32, #tpu.memory_space<hbm>>) target(%arg10 : memref<8x10240xf32, #tpu.memory_space<vmem>>) target_semaphore(%run_scoped3A : memref<!tpu.dma_semaphore, #tpu.memory_space<semaphore_mem>>)
      tpu.wait_dma2 semaphore(%run_scoped3A : memref<!tpu.dma_semaphore, #tpu.memory_space<semaphore_mem>>) src(%arg2 : memref<8x10240xf32, #tpu.memory_space<hbm>>) dst(%arg10 : memref<8x10240xf32, #tpu.memory_space<vmem>>)
      tpu.yield
    }) : () -> ()
    "tpu.region"() ({
      %run_scoped3A = tpu.sem_alloc : memref<!tpu.dma_semaphore, #tpu.memory_space<semaphore_mem>>
      tpu.enqueue_dma source(%arg5 : memref<16xf32, #tpu.memory_space<hbm>>) target(%arg12 : memref<16xf32, #tpu.memory_space<vmem>>) target_semaphore(%run_scoped3A : memref<!tpu.dma_semaphore, #tpu.memory_space<semaphore_mem>>)
      tpu.wait_dma2 semaphore(%run_scoped3A : memref<!tpu.dma_semaphore, #tpu.memory_space<semaphore_mem>>) src(%arg5 : memref<16xf32, #tpu.memory_space<hbm>>) dst(%arg12 : memref<16xf32, #tpu.memory_space<vmem>>)
      tpu.yield
    }) : () -> ()
    %barrier3A = arith.constant 0 : index
    tpu.barrier barrier_id(%barrier3A)
    %scan3A_9 = arith.constant 0 : i32
    %scan3A_10 = arith.constant 0 : i32
    %scan3A_11 = arith.constant 81 : i32
    %scan3A_12 = arith.addi %scan3A_10, %scan3A_11 : i32
    %scan3A_13 = arith.constant 1 : i32
    scf.for %scan3A_20 = %scan3A_10 to %scan3A_12 step %scan3A_13  : i32 {
      %mul3A_21 = arith.constant 10368 : i32
      %mul3A_22 = arith.muli %add3A, %mul3A_21 : i32
      %mul3A_23 = arith.constant 128 : i32
      %mul3A_24 = arith.muli %scan3A_20, %mul3A_23 : i32
      %add3A_25 = arith.addi %mul3A_22, %mul3A_24 : i32
      "tpu.region"() ({
        %run_scoped3A = tpu.sem_alloc : memref<!tpu.dma_semaphore, #tpu.memory_space<semaphore_mem>>
        %dma_start3A = tpu.memref_slice %arg3[%add3A_25] : memref<331776xi32, #tpu.memory_space<hbm>> -> memref<128xi32, #tpu.memory_space<hbm>>
        %dma_start3A_38 = tpu.memref_slice %arg3[%add3A_25] : memref<331776xi32, #tpu.memory_space<hbm>> -> memref<128xi32, #tpu.memory_space<hbm>>
        tpu.enqueue_dma source(%dma_start3A_38 : memref<128xi32, #tpu.memory_space<hbm>>) target(%arg7 : memref<128xi32, #tpu.memory_space<vmem>>) target_semaphore(%run_scoped3A : memref<!tpu.dma_semaphore, #tpu.memory_space<semaphore_mem>>)
        %dma_wait3A = tpu.memref_slice %arg3[%add3A_25] : memref<331776xi32, #tpu.memory_space<hbm>> -> memref<128xi32, #tpu.memory_space<hbm>>
        %dma_wait3A_39 = tpu.memref_slice %arg3[%add3A_25] : memref<331776xi32, #tpu.memory_space<hbm>> -> memref<128xi32, #tpu.memory_space<hbm>>
        tpu.wait_dma2 semaphore(%run_scoped3A : memref<!tpu.dma_semaphore, #tpu.memory_space<semaphore_mem>>) src(%dma_wait3A_39 : memref<128xi32, #tpu.memory_space<hbm>>) dst(%arg7 : memref<128xi32, #tpu.memory_space<vmem>>)
        tpu.yield
      }) : () -> ()
      "tpu.region"() ({
        %run_scoped3A = tpu.sem_alloc : memref<!tpu.dma_semaphore, #tpu.memory_space<semaphore_mem>>
        %dma_start3A = tpu.memref_slice %arg4[%add3A_25] : memref<331776xi32, #tpu.memory_space<hbm>> -> memref<128xi32, #tpu.memory_space<hbm>>
        %dma_start3A_38 = tpu.memref_slice %arg4[%add3A_25] : memref<331776xi32, #tpu.memory_space<hbm>> -> memref<128xi32, #tpu.memory_space<hbm>>
        tpu.enqueue_dma source(%dma_start3A_38 : memref<128xi32, #tpu.memory_space<hbm>>) target(%arg8 : memref<128xi32, #tpu.memory_space<vmem>>) target_semaphore(%run_scoped3A : memref<!tpu.dma_semaphore, #tpu.memory_space<semaphore_mem>>)
        %dma_wait3A = tpu.memref_slice %arg4[%add3A_25] : memref<331776xi32, #tpu.memory_space<hbm>> -> memref<128xi32, #tpu.memory_space<hbm>>
        %dma_wait3A_39 = tpu.memref_slice %arg4[%add3A_25] : memref<331776xi32, #tpu.memory_space<hbm>> -> memref<128xi32, #tpu.memory_space<hbm>>
        tpu.wait_dma2 semaphore(%run_scoped3A : memref<!tpu.dma_semaphore, #tpu.memory_space<semaphore_mem>>) src(%dma_wait3A_39 : memref<128xi32, #tpu.memory_space<hbm>>) dst(%arg8 : memref<128xi32, #tpu.memory_space<vmem>>)
        tpu.yield
      }) : () -> ()
      %scan3A_26 = arith.constant 0 : i32
      %scan3A_27 = arith.constant 0 : i32
      %scan3A_28 = arith.constant 8 : i32
      %scan3A_29 = arith.addi %scan3A_27, %scan3A_28 : i32
      %scan3A_30 = arith.constant 1 : i32
      scf.for %scan3A_38 = %scan3A_27 to %scan3A_29 step %scan3A_30  : i32 {
        %get3A = arith.constant 0 : index
        %get3A_39 = tpu.vector_load %arg12[%get3A] {strides = array<i32>} : memref<16xf32, #tpu.memory_space<vmem>>, vector<16xf32>,
        %broadcast_in_dim3A_40 = arith.constant 0 : i32
        %broadcast_in_dim3A_41 = vector.broadcast %broadcast_in_dim3A_40 : i32 to vector<16xi32>
        %lt3A = arith.constant 0 : i32
        %lt3A_42 = vector.broadcast %lt3A : i32 to vector<16xi32>
        %lt3A_43 = arith.cmpi slt, %broadcast_in_dim3A_41, %lt3A_42 : vector<16xi32>
        %add3A_44 = arith.constant 16 : i32
        %add3A_45 = vector.broadcast %add3A_44 : i32 to vector<16xi32>
        %add3A_46 = arith.addi %broadcast_in_dim3A_41, %add3A_45 : vector<16xi32>
        %select_n3A = arith.select %lt3A_43, %add3A_46, %broadcast_in_dim3A_41 : vector<16xi1>, vector<16xi32>
        %broadcast_in_dim3A_47 = vector.shape_cast %select_n3A : vector<16xi32> to vector<16x1xi32>
        %gather3A = vector.shape_cast %broadcast_in_dim3A_47 : vector<16x1xi32> to vector<16xi32>
        %gather3A_48 = tpu.dynamic_gather %get3A_39[%gather3A] in [0] : vector<16xf32>, vector<16xi32> -> vector<16xf32>
        %broadcast_in_dim3A_49 = arith.constant 1 : i32
        %broadcast_in_dim3A_50 = vector.broadcast %broadcast_in_dim3A_49 : i32 to vector<16xi32>
        %lt3A_51 = arith.constant 0 : i32
        %lt3A_52 = vector.broadcast %lt3A_51 : i32 to vector<16xi32>
        %lt3A_53 = arith.cmpi slt, %broadcast_in_dim3A_50, %lt3A_52 : vector<16xi32>
        %add3A_54 = arith.constant 16 : i32
        %add3A_55 = vector.broadcast %add3A_54 : i32 to vector<16xi32>
        %add3A_56 = arith.addi %broadcast_in_dim3A_50, %add3A_55 : vector<16xi32>
        %select_n3A_57 = arith.select %lt3A_53, %add3A_56, %broadcast_in_dim3A_50 : vector<16xi1>, vector<16xi32>
        %broadcast_in_dim3A_58 = vector.shape_cast %select_n3A_57 : vector<16xi32> to vector<16x1xi32>
        %gather3A_59 = vector.shape_cast %broadcast_in_dim3A_58 : vector<16x1xi32> to vector<16xi32>
        %gather3A_60 = tpu.dynamic_gather %get3A_39[%gather3A_59] in [0] : vector<16xf32>, vector<16xi32> -> vector<16xf32>
        %broadcast_in_dim3A_61 = arith.constant 2 : i32
        %broadcast_in_dim3A_62 = vector.broadcast %broadcast_in_dim3A_61 : i32 to vector<16xi32>
        %lt3A_63 = arith.constant 0 : i32
        %lt3A_64 = vector.broadcast %lt3A_63 : i32 to vector<16xi32>
        %lt3A_65 = arith.cmpi slt, %broadcast_in_dim3A_62, %lt3A_64 : vector<16xi32>
        %add3A_66 = arith.constant 16 : i32
        %add3A_67 = vector.broadcast %add3A_66 : i32 to vector<16xi32>
        %add3A_68 = arith.addi %broadcast_in_dim3A_62, %add3A_67 : vector<16xi32>
        %select_n3A_69 = arith.select %lt3A_65, %add3A_68, %broadcast_in_dim3A_62 : vector<16xi1>, vector<16xi32>
        %broadcast_in_dim3A_70 = vector.shape_cast %select_n3A_69 : vector<16xi32> to vector<16x1xi32>
        %gather3A_71 = vector.shape_cast %broadcast_in_dim3A_70 : vector<16x1xi32> to vector<16xi32>
        %gather3A_72 = tpu.dynamic_gather %get3A_39[%gather3A_71] in [0] : vector<16xf32>, vector<16xi32> -> vector<16xf32>
        %broadcast_in_dim3A_73 = arith.constant 3 : i32
        %broadcast_in_dim3A_74 = vector.broadcast %broadcast_in_dim3A_73 : i32 to vector<16xi32>
        %lt3A_75 = arith.constant 0 : i32
        %lt3A_76 = vector.broadcast %lt3A_75 : i32 to vector<16xi32>
        %lt3A_77 = arith.cmpi slt, %broadcast_in_dim3A_74, %lt3A_76 : vector<16xi32>
        %add3A_78 = arith.constant 16 : i32
        %add3A_79 = vector.broadcast %add3A_78 : i32 to vector<16xi32>
        %add3A_80 = arith.addi %broadcast_in_dim3A_74, %add3A_79 : vector<16xi32>
        %select_n3A_81 = arith.select %lt3A_77, %add3A_80, %broadcast_in_dim3A_74 : vector<16xi1>, vector<16xi32>
        %broadcast_in_dim3A_82 = vector.shape_cast %select_n3A_81 : vector<16xi32> to vector<16x1xi32>
        %gather3A_83 = vector.shape_cast %broadcast_in_dim3A_82 : vector<16x1xi32> to vector<16xi32>
        %gather3A_84 = tpu.dynamic_gather %get3A_39[%gather3A_83] in [0] : vector<16xf32>, vector<16xi32> -> vector<16xf32>
        %iota3A = tpu.iota {dimensions = array<i32: 0>} : vector<16xi32>
        %mul3A_85 = arith.constant 16 : i32
        %mul3A_86 = arith.muli %scan3A_38, %mul3A_85 : i32
        %add3A_87 = vector.broadcast %mul3A_86 : i32 to vector<16xi32>
        %add3A_88 = arith.addi %iota3A, %add3A_87 : vector<16xi32>
        %mul3A_89 = arith.constant 16 : i32
        %mul3A_90 = arith.muli %scan3A_38, %mul3A_89 : i32
        %get3A_91 = arith.index_cast %mul3A_90 : i32 to index
        %get3A_92 = tpu.vector_load %arg7[%get3A_91] {strides = array<i32>} : memref<128xi32, #tpu.memory_space<vmem>>, vector<16xi32>,
        %mul3A_93 = arith.constant 16 : i32
        %mul3A_94 = arith.muli %scan3A_38, %mul3A_93 : i32
        %get3A_95 = arith.index_cast %mul3A_94 : i32 to index
        %get3A_96 = tpu.vector_load %arg8[%get3A_95] {strides = array<i32>} : memref<128xi32, #tpu.memory_space<vmem>>, vector<16xi32>,
        %shift_right_arithmetic3A = arith.constant 4 : i32
        %shift_right_arithmetic3A_97 = vector.broadcast %shift_right_arithmetic3A : i32 to vector<16xi32>
        %shift_right_arithmetic3A_98 = arith.shrsi %get3A_96, %shift_right_arithmetic3A_97 : vector<16xi32>
        %and3A = arith.constant 15 : i32
        %and3A_99 = vector.broadcast %and3A : i32 to vector<16xi32>
        %and3A_100 = arith.andi %get3A_96, %and3A_99 : vector<16xi32>
        %mul3A_101 = arith.constant 8 : i32
        %mul3A_102 = vector.broadcast %mul3A_101 : i32 to vector<16xi32>
        %mul3A_103 = arith.muli %and3A_100, %mul3A_102 : vector<16xi32>
        %mul3A_104 = arith.constant 16 : i32
        %mul3A_105 = arith.muli %scan3A_38, %mul3A_104 : i32
        %swap3A = arith.index_cast %mul3A_105 : i32 to index
        %swap3A_106 = tpu.vector_load %arg9[%swap3A] {strides = array<i32>} : memref<128xi32, #tpu.memory_space<vmem>>, vector<16xi32>,
        tpu.vector_store %arg9[%swap3A], %shift_right_arithmetic3A_98 {strides = array<i32>} : memref<128xi32, #tpu.memory_space<vmem>>, vector<16xi32>,
        %broadcast_in_dim3A_107 = arith.constant 0.000000e+00 : f32
        %broadcast_in_dim3A_108 = vector.broadcast %broadcast_in_dim3A_107 : f32 to vector<16xf32>
        %broadcast_in_dim3A_109 = arith.constant 0 : i32
        %broadcast_in_dim3A_110 = vector.broadcast %broadcast_in_dim3A_109 : i32 to vector<16xi32>
        %gather3A_111 = tpu.vector_load_idx %arg10[%broadcast_in_dim3A_110, %get3A_92] : memref<8x10240xf32, #tpu.memory_space<vmem>>[vector<16xi32>, vector<16xi32>], vector<16xf32>,
        %broadcast_in_dim3A_112 = arith.constant 4 : i32
        %broadcast_in_dim3A_113 = vector.broadcast %broadcast_in_dim3A_112 : i32 to vector<16xi32>
        %gather3A_114 = tpu.vector_load_idx %arg10[%broadcast_in_dim3A_113, %get3A_96] : memref<8x10240xf32, #tpu.memory_space<vmem>>[vector<16xi32>, vector<16xi32>], vector<16xf32>,
        %add3A_115 = arith.addf %gather3A_111, %gather3A_114 : vector<16xf32>
        %mul3A_116 = arith.constant 2.000000e-01 : f32
        %mul3A_117 = vector.broadcast %mul3A_116 : f32 to vector<16xf32>
        %mul3A_118 = arith.mulf %mul3A_117, %add3A_115 : vector<16xf32>
        %max3A = arith.maximumf %add3A_115, %mul3A_118 : vector<16xf32>
        %mul3A_119 = arith.mulf %gather3A_48, %max3A : vector<16xf32>
        %add3A_120 = arith.addf %broadcast_in_dim3A_108, %mul3A_119 : vector<16xf32>
        %broadcast_in_dim3A_121 = arith.constant 1 : i32
        %broadcast_in_dim3A_122 = vector.broadcast %broadcast_in_dim3A_121 : i32 to vector<16xi32>
        %gather3A_123 = tpu.vector_load_idx %arg10[%broadcast_in_dim3A_122, %get3A_92] : memref<8x10240xf32, #tpu.memory_space<vmem>>[vector<16xi32>, vector<16xi32>], vector<16xf32>,
        %broadcast_in_dim3A_124 = arith.constant 5 : i32
        %broadcast_in_dim3A_125 = vector.broadcast %broadcast_in_dim3A_124 : i32 to vector<16xi32>
        %gather3A_126 = tpu.vector_load_idx %arg10[%broadcast_in_dim3A_125, %get3A_96] : memref<8x10240xf32, #tpu.memory_space<vmem>>[vector<16xi32>, vector<16xi32>], vector<16xf32>,
        %add3A_127 = arith.addf %gather3A_123, %gather3A_126 : vector<16xf32>
        %mul3A_128 = arith.constant 2.000000e-01 : f32
        %mul3A_129 = vector.broadcast %mul3A_128 : f32 to vector<16xf32>
        %mul3A_130 = arith.mulf %mul3A_129, %add3A_127 : vector<16xf32>
        %max3A_131 = arith.maximumf %add3A_127, %mul3A_130 : vector<16xf32>
        %mul3A_132 = arith.mulf %gather3A_60, %max3A_131 : vector<16xf32>
        %add3A_133 = arith.addf %add3A_120, %mul3A_132 : vector<16xf32>
        %broadcast_in_dim3A_134 = arith.constant 2 : i32
        %broadcast_in_dim3A_135 = vector.broadcast %broadcast_in_dim3A_134 : i32 to vector<16xi32>
        %gather3A_136 = tpu.vector_load_idx %arg10[%broadcast_in_dim3A_135, %get3A_92] : memref<8x10240xf32, #tpu.memory_space<vmem>>[vector<16xi32>, vector<16xi32>], vector<16xf32>,
        %broadcast_in_dim3A_137 = arith.constant 6 : i32
        %broadcast_in_dim3A_138 = vector.broadcast %broadcast_in_dim3A_137 : i32 to vector<16xi32>
        %gather3A_139 = tpu.vector_load_idx %arg10[%broadcast_in_dim3A_138, %get3A_96] : memref<8x10240xf32, #tpu.memory_space<vmem>>[vector<16xi32>, vector<16xi32>], vector<16xf32>,
        %add3A_140 = arith.addf %gather3A_136, %gather3A_139 : vector<16xf32>
        %mul3A_141 = arith.constant 2.000000e-01 : f32
        %mul3A_142 = vector.broadcast %mul3A_141 : f32 to vector<16xf32>
        %mul3A_143 = arith.mulf %mul3A_142, %add3A_140 : vector<16xf32>
        %max3A_144 = arith.maximumf %add3A_140, %mul3A_143 : vector<16xf32>
        %mul3A_145 = arith.mulf %gather3A_72, %max3A_144 : vector<16xf32>
        %add3A_146 = arith.addf %add3A_133, %mul3A_145 : vector<16xf32>
        %broadcast_in_dim3A_147 = arith.constant 3 : i32
        %broadcast_in_dim3A_148 = vector.broadcast %broadcast_in_dim3A_147 : i32 to vector<16xi32>
        %gather3A_149 = tpu.vector_load_idx %arg10[%broadcast_in_dim3A_148, %get3A_92] : memref<8x10240xf32, #tpu.memory_space<vmem>>[vector<16xi32>, vector<16xi32>], vector<16xf32>,
        %broadcast_in_dim3A_150 = arith.constant 7 : i32
        %broadcast_in_dim3A_151 = vector.broadcast %broadcast_in_dim3A_150 : i32 to vector<16xi32>
        %gather3A_152 = tpu.vector_load_idx %arg10[%broadcast_in_dim3A_151, %get3A_96] : memref<8x10240xf32, #tpu.memory_space<vmem>>[vector<16xi32>, vector<16xi32>], vector<16xf32>,
        %add3A_153 = arith.addf %gather3A_149, %gather3A_152 : vector<16xf32>
        %mul3A_154 = arith.constant 2.000000e-01 : f32
        %mul3A_155 = vector.broadcast %mul3A_154 : f32 to vector<16xf32>
        %mul3A_156 = arith.mulf %mul3A_155, %add3A_153 : vector<16xf32>
        %max3A_157 = arith.maximumf %add3A_153, %mul3A_156 : vector<16xf32>
        %mul3A_158 = arith.mulf %gather3A_84, %max3A_157 : vector<16xf32>
        %add3A_159 = arith.addf %add3A_146, %mul3A_158 : vector<16xf32>
        %exp3A = math.exp %add3A_159 : vector<16xf32>
        %add3A_160 = arith.constant 0 : i32
        %add3A_161 = vector.broadcast %add3A_160 : i32 to vector<16xi32>
        %add3A_162 = arith.addi %mul3A_103, %add3A_161 : vector<16xi32>
        %mul3A_163 = arith.mulf %exp3A, %gather3A_111 : vector<16xf32>
        tpu.vector_store_idx %arg11[%add3A_88, %add3A_162], %mul3A_163 : memref<128x128xf32, #tpu.memory_space<vmem>>[vector<16xi32>, vector<16xi32>], vector<16xf32>,
        %add3A_164 = arith.constant 1 : i32
        %add3A_165 = vector.broadcast %add3A_164 : i32 to vector<16xi32>
        %add3A_166 = arith.addi %mul3A_103, %add3A_165 : vector<16xi32>
        %mul3A_167 = arith.mulf %exp3A, %gather3A_123 : vector<16xf32>
        tpu.vector_store_idx %arg11[%add3A_88, %add3A_166], %mul3A_167 : memref<128x128xf32, #tpu.memory_space<vmem>>[vector<16xi32>, vector<16xi32>], vector<16xf32>,
        %add3A_168 = arith.constant 2 : i32
        %add3A_169 = vector.broadcast %add3A_168 : i32 to vector<16xi32>
        %add3A_170 = arith.addi %mul3A_103, %add3A_169 : vector<16xi32>
        %mul3A_171 = arith.mulf %exp3A, %gather3A_136 : vector<16xf32>
        tpu.vector_store_idx %arg11[%add3A_88, %add3A_170], %mul3A_171 : memref<128x128xf32, #tpu.memory_space<vmem>>[vector<16xi32>, vector<16xi32>], vector<16xf32>,
        %add3A_172 = arith.constant 3 : i32
        %add3A_173 = vector.broadcast %add3A_172 : i32 to vector<16xi32>
        %add3A_174 = arith.addi %mul3A_103, %add3A_173 : vector<16xi32>
        %mul3A_175 = arith.mulf %exp3A, %gather3A_149 : vector<16xf32>
        tpu.vector_store_idx %arg11[%add3A_88, %add3A_174], %mul3A_175 : memref<128x128xf32, #tpu.memory_space<vmem>>[vector<16xi32>, vector<16xi32>], vector<16xf32>,
        %add3A_176 = arith.constant 4 : i32
        %add3A_177 = vector.broadcast %add3A_176 : i32 to vector<16xi32>
        %add3A_178 = arith.addi %mul3A_103, %add3A_177 : vector<16xi32>
        tpu.vector_store_idx %arg11[%add3A_88, %add3A_178], %exp3A : memref<128x128xf32, #tpu.memory_space<vmem>>[vector<16xi32>, vector<16xi32>], vector<16xf32>,
      }
      %scan3A_31 = arith.constant 8 : i32
      "tpu.region"() ({
        %run_scoped3A = tpu.sem_alloc : memref<!tpu.dma_semaphore, #tpu.memory_space<semaphore_mem>>
        %dma_start3A = arith.constant 0 : i32
        %dma_start3A_38 = arith.constant 0 : i32
        %dma_start3A_39 = tpu.memref_slice %arg13[%dma_start3A, %dma_start3A_38] : memref<640x128xf32, #tpu.memory_space<vmem_shared>> -> memref<640x128xf32, #tpu.memory_space<vmem_shared>>
        tpu.enqueue_indirect_dma source(%arg11 : memref<128x128xf32, #tpu.memory_space<vmem>>) target(%dma_start3A_39 : memref<640x128xf32, #tpu.memory_space<vmem_shared>>) offsets(%arg9 : memref<128xi32, #tpu.memory_space<vmem>>) semaphore(%run_scoped3A : memref<!tpu.dma_semaphore, #tpu.memory_space<semaphore_mem>>) {add = true}
        %dma_wait3A = arith.constant 0 : i32
        %dma_wait3A_40 = arith.constant 0 : i32
        %dma_wait3A_41 = tpu.memref_slice %arg13[%dma_wait3A, %dma_wait3A_40] : memref<640x128xf32, #tpu.memory_space<vmem_shared>> -> memref<640x128xf32, #tpu.memory_space<vmem_shared>>
        tpu.wait_indirect_dma semaphore(%run_scoped3A : memref<!tpu.dma_semaphore, #tpu.memory_space<semaphore_mem>>) src(%arg11 : memref<128x128xf32, #tpu.memory_space<vmem>>) dst(%dma_wait3A_41 : memref<640x128xf32, #tpu.memory_space<vmem_shared>>)
        tpu.yield
      }) : () -> ()
      %scan3A_32 = arith.constant 0 : i32
      %scan3A_33 = arith.constant 0 : i32
      %scan3A_34 = arith.constant 8 : i32
      %scan3A_35 = arith.addi %scan3A_33, %scan3A_34 : i32
      %scan3A_36 = arith.constant 1 : i32
      scf.for %scan3A_38 = %scan3A_33 to %scan3A_35 step %scan3A_36  : i32 {
        %iota3A = tpu.iota {dimensions = array<i32: 0>} : vector<16xi32>
        %mul3A_39 = arith.constant 16 : i32
        %mul3A_40 = arith.muli %scan3A_38, %mul3A_39 : i32
        %add3A_41 = vector.broadcast %mul3A_40 : i32 to vector<16xi32>
        %add3A_42 = arith.addi %iota3A, %add3A_41 : vector<16xi32>
        %mul3A_43 = arith.constant 16 : i32
        %mul3A_44 = arith.muli %scan3A_38, %mul3A_43 : i32
        %get3A = arith.index_cast %mul3A_44 : i32 to index
        %get3A_45 = tpu.vector_load %arg8[%get3A] {strides = array<i32>} : memref<128xi32, #tpu.memory_space<vmem>>, vector<16xi32>,
        %and3A = arith.constant 15 : i32
        %and3A_46 = vector.broadcast %and3A : i32 to vector<16xi32>
        %and3A_47 = arith.andi %get3A_45, %and3A_46 : vector<16xi32>
        %mul3A_48 = arith.constant 8 : i32
        %mul3A_49 = vector.broadcast %mul3A_48 : i32 to vector<16xi32>
        %mul3A_50 = arith.muli %and3A_47, %mul3A_49 : vector<16xi32>
        %broadcast_in_dim3A_51 = arith.constant 0.000000e+00 : f32
        %broadcast_in_dim3A_52 = vector.broadcast %broadcast_in_dim3A_51 : f32 to vector<16xf32>
        %add3A_53 = arith.constant 0 : i32
        %add3A_54 = vector.broadcast %add3A_53 : i32 to vector<16xi32>
        %add3A_55 = arith.addi %mul3A_50, %add3A_54 : vector<16xi32>
        tpu.vector_store_idx %arg11[%add3A_42, %add3A_55], %broadcast_in_dim3A_52 : memref<128x128xf32, #tpu.memory_space<vmem>>[vector<16xi32>, vector<16xi32>], vector<16xf32>,
        %add3A_56 = arith.constant 1 : i32
        %add3A_57 = vector.broadcast %add3A_56 : i32 to vector<16xi32>
        %add3A_58 = arith.addi %mul3A_50, %add3A_57 : vector<16xi32>
        tpu.vector_store_idx %arg11[%add3A_42, %add3A_58], %broadcast_in_dim3A_52 : memref<128x128xf32, #tpu.memory_space<vmem>>[vector<16xi32>, vector<16xi32>], vector<16xf32>,
        %add3A_59 = arith.constant 2 : i32
        %add3A_60 = vector.broadcast %add3A_59 : i32 to vector<16xi32>
        %add3A_61 = arith.addi %mul3A_50, %add3A_60 : vector<16xi32>
        tpu.vector_store_idx %arg11[%add3A_42, %add3A_61], %broadcast_in_dim3A_52 : memref<128x128xf32, #tpu.memory_space<vmem>>[vector<16xi32>, vector<16xi32>], vector<16xf32>,
        %add3A_62 = arith.constant 3 : i32
        %add3A_63 = vector.broadcast %add3A_62 : i32 to vector<16xi32>
        %add3A_64 = arith.addi %mul3A_50, %add3A_63 : vector<16xi32>
        tpu.vector_store_idx %arg11[%add3A_42, %add3A_64], %broadcast_in_dim3A_52 : memref<128x128xf32, #tpu.memory_space<vmem>>[vector<16xi32>, vector<16xi32>], vector<16xf32>,
        %add3A_65 = arith.constant 4 : i32
        %add3A_66 = vector.broadcast %add3A_65 : i32 to vector<16xi32>
        %add3A_67 = arith.addi %mul3A_50, %add3A_66 : vector<16xi32>
        tpu.vector_store_idx %arg11[%add3A_42, %add3A_67], %broadcast_in_dim3A_52 : memref<128x128xf32, #tpu.memory_space<vmem>>[vector<16xi32>, vector<16xi32>], vector<16xf32>,
      }
      %scan3A_37 = arith.constant 8 : i32
    }
    %scan3A_14 = arith.constant 81 : i32
    %barrier3A_15 = arith.constant 0 : index
    tpu.barrier barrier_id(%barrier3A_15)
    %mul3A_16 = arith.constant 40 : i32
    %mul3A_17 = arith.muli %arg1, %mul3A_16 : i32
    %mul3A_18 = arith.constant 40 : i32
    %mul3A_19 = arith.muli %arg1, %mul3A_18 : i32
    "tpu.region"() ({
      %run_scoped3A = tpu.sem_alloc : memref<!tpu.dma_semaphore, #tpu.memory_space<semaphore_mem>>
      %dma_start3A = arith.constant 0 : i32
      %dma_start3A_20 = tpu.memref_slice %arg6[%arg0, %mul3A_19, %dma_start3A] : memref<2x640x128xf32, #tpu.memory_space<hbm>> -> memref<1x40x128xf32, #tpu.memory_space<hbm>>
      %dma_start3A_21 = tpu.memref_squeeze %dma_start3A_20 : memref<1x40x128xf32, #tpu.memory_space<hbm>> -> memref<40x128xf32, #tpu.memory_space<hbm>>
      %dma_start3A_22 = arith.constant 0 : i32
      %dma_start3A_23 = tpu.memref_slice %arg13[%mul3A_17, %dma_start3A_22] : memref<640x128xf32, #tpu.memory_space<vmem_shared>> -> memref<40x128xf32, #tpu.memory_space<vmem_shared>>
      tpu.enqueue_dma source(%dma_start3A_23 : memref<40x128xf32, #tpu.memory_space<vmem_shared>>) target(%dma_start3A_21 : memref<40x128xf32, #tpu.memory_space<hbm>>) target_semaphore(%run_scoped3A : memref<!tpu.dma_semaphore, #tpu.memory_space<semaphore_mem>>)
      %dma_wait3A = arith.constant 0 : i32
      %dma_wait3A_24 = tpu.memref_slice %arg6[%arg0, %mul3A_19, %dma_wait3A] : memref<2x640x128xf32, #tpu.memory_space<hbm>> -> memref<1x40x128xf32, #tpu.memory_space<hbm>>
      %dma_wait3A_25 = tpu.memref_squeeze %dma_wait3A_24 : memref<1x40x128xf32, #tpu.memory_space<hbm>> -> memref<40x128xf32, #tpu.memory_space<hbm>>
      %dma_wait3A_26 = arith.constant 0 : i32
      %dma_wait3A_27 = tpu.memref_slice %arg13[%mul3A_17, %dma_wait3A_26] : memref<640x128xf32, #tpu.memory_space<vmem_shared>> -> memref<40x128xf32, #tpu.memory_space<vmem_shared>>
      tpu.wait_dma2 semaphore(%run_scoped3A : memref<!tpu.dma_semaphore, #tpu.memory_space<semaphore_mem>>) src(%dma_wait3A_27 : memref<40x128xf32, #tpu.memory_space<vmem_shared>>) dst(%dma_wait3A_25 : memref<40x128xf32, #tpu.memory_space<hbm>>)
      tpu.yield
    }) : () -> ()
    return
  }
}

#map = affine_map<(d0, d1) -> (0, 0)>
#map1 = affine_map<(d0, d1) -> (0)>
#map2 = affine_map<(d0, d1) -> (0, 0, 0)>
module attributes {stable_mosaic.version = 14 : i64} {
  func.func @edge1(%arg0: i32, %arg1: i32, %arg2: memref<20480x128xf32, #tpu.memory_space<hbm>>, %arg3: memref<331776xi32, #tpu.memory_space<hbm>>, %arg4: memref<331776xi32, #tpu.memory_space<hbm>>, %arg5: memref<128xf32, #tpu.memory_space<hbm>>, %arg6: memref<2x10240x128xf32, #tpu.memory_space<hbm>>, %arg7: memref<128xi32, #tpu.memory_space<vmem>>, %arg8: memref<128xi32, #tpu.memory_space<vmem>>, %arg9: memref<128xi32, #tpu.memory_space<vmem>>, %arg10: memref<128x128xf32, #tpu.memory_space<vmem>>, %arg11: memref<128x128xf32, #tpu.memory_space<vmem>>, %arg12: memref<128xf32, #tpu.memory_space<vmem>>, %arg13: memref<10240x128xf32, #tpu.memory_space<vmem_shared>>, %arg14: memref<!tpu.dma_semaphore, #tpu.memory_space<semaphore_mem>>, %arg15: memref<!tpu.dma_semaphore, #tpu.memory_space<semaphore_mem>>) attributes {dimension_semantics = [#tpu.dimension_semantics<core_parallel>, #tpu.dimension_semantics<subcore_parallel>], iteration_bounds = array<i64: 2, 16>, scalar_prefetch = 0 : i64, scratch_operands = 9 : i64, tpu.core_type = #tpu.core_type<sc_vector_subcore>, window_params = [{transform_indices = #map}, {transform_indices = #map1}, {transform_indices = #map1}, {transform_indices = #map1}, {transform_indices = #map2}]} {
    %mul3A = arith.constant 16 : i32
    %mul3A_0 = arith.muli %arg0, %mul3A : i32
    %add3A = arith.addi %mul3A_0, %arg1 : i32
    %scan3A = arith.constant 0 : i32
    %scan3A_1 = arith.constant 0 : i32
    %scan3A_2 = arith.constant 8 : i32
    %scan3A_3 = arith.addi %scan3A_1, %scan3A_2 : i32
    %scan3A_4 = arith.constant 1 : i32
    scf.for %scan3A_41 = %scan3A_1 to %scan3A_3 step %scan3A_4  : i32 {
      %broadcast_in_dim3A = arith.constant 10000 : i32
      %broadcast_in_dim3A_42 = vector.broadcast %broadcast_in_dim3A : i32 to vector<16xi32>
      %mul3A_43 = arith.constant 16 : i32
      %mul3A_44 = arith.muli %scan3A_41, %mul3A_43 : i32
      %swap3A = arith.index_cast %mul3A_44 : i32 to index
      %swap3A_45 = tpu.vector_load %arg7[%swap3A] {strides = array<i32>} : memref<128xi32, #tpu.memory_space<vmem>>, vector<16xi32>,
      tpu.vector_store %arg7[%swap3A], %broadcast_in_dim3A_42 {strides = array<i32>} : memref<128xi32, #tpu.memory_space<vmem>>, vector<16xi32>,
    }
    %scan3A_5 = arith.constant 8 : i32
    "tpu.region"() ({
      %run_scoped3A = tpu.sem_alloc : memref<!tpu.dma_semaphore, #tpu.memory_space<semaphore_mem>>
      tpu.enqueue_dma source(%arg5 : memref<128xf32, #tpu.memory_space<hbm>>) target(%arg12 : memref<128xf32, #tpu.memory_space<vmem>>) target_semaphore(%run_scoped3A : memref<!tpu.dma_semaphore, #tpu.memory_space<semaphore_mem>>)
      tpu.wait_dma2 semaphore(%run_scoped3A : memref<!tpu.dma_semaphore, #tpu.memory_space<semaphore_mem>>) src(%arg5 : memref<128xf32, #tpu.memory_space<hbm>>) dst(%arg12 : memref<128xf32, #tpu.memory_space<vmem>>)
      tpu.yield
    }) : () -> ()
    %dma_start3A = arith.constant 0 : i32
    %dma_start3A_6 = arith.constant 0 : i32
    %dma_start3A_7 = tpu.memref_slice %arg2[%dma_start3A, %dma_start3A_6] : memref<20480x128xf32, #tpu.memory_space<hbm>> -> memref<20480x128xf32, #tpu.memory_space<hbm>>
    tpu.enqueue_indirect_dma source(%dma_start3A_7 : memref<20480x128xf32, #tpu.memory_space<hbm>>) target(%arg10 : memref<128x128xf32, #tpu.memory_space<vmem>>) offsets(%arg7 : memref<128xi32, #tpu.memory_space<vmem>>) semaphore(%arg14 : memref<!tpu.dma_semaphore, #tpu.memory_space<semaphore_mem>>)
    %dma_wait3A = arith.constant 0 : i32
    %dma_wait3A_8 = arith.constant 0 : i32
    %dma_wait3A_9 = tpu.memref_slice %arg2[%dma_wait3A, %dma_wait3A_8] : memref<20480x128xf32, #tpu.memory_space<hbm>> -> memref<20480x128xf32, #tpu.memory_space<hbm>>
    tpu.wait_indirect_dma semaphore(%arg14 : memref<!tpu.dma_semaphore, #tpu.memory_space<semaphore_mem>>) src(%dma_wait3A_9 : memref<20480x128xf32, #tpu.memory_space<hbm>>) dst(%arg10 : memref<128x128xf32, #tpu.memory_space<vmem>>)
    %mul3A_10 = arith.constant 640 : i32
    %mul3A_11 = arith.muli %arg1, %mul3A_10 : i32
    %add3A_12 = arith.constant 0 : i32
    %add3A_13 = arith.addi %mul3A_11, %add3A_12 : i32
    "tpu.region"() ({
      %run_scoped3A = tpu.sem_alloc : memref<!tpu.dma_semaphore, #tpu.memory_space<semaphore_mem>>
      %dma_start3A_41 = arith.constant 0 : i32
      %dma_start3A_42 = tpu.memref_slice %arg13[%add3A_13, %dma_start3A_41] : memref<10240x128xf32, #tpu.memory_space<vmem_shared>> -> memref<128x128xf32, #tpu.memory_space<vmem_shared>>
      %dma_start3A_43 = arith.constant 0 : i32
      %dma_start3A_44 = tpu.memref_slice %arg13[%add3A_13, %dma_start3A_43] : memref<10240x128xf32, #tpu.memory_space<vmem_shared>> -> memref<128x128xf32, #tpu.memory_space<vmem_shared>>
      tpu.enqueue_dma source(%arg10 : memref<128x128xf32, #tpu.memory_space<vmem>>) target(%dma_start3A_44 : memref<128x128xf32, #tpu.memory_space<vmem_shared>>) target_semaphore(%run_scoped3A : memref<!tpu.dma_semaphore, #tpu.memory_space<semaphore_mem>>)
      %dma_wait3A_45 = arith.constant 0 : i32
      %dma_wait3A_46 = tpu.memref_slice %arg13[%add3A_13, %dma_wait3A_45] : memref<10240x128xf32, #tpu.memory_space<vmem_shared>> -> memref<128x128xf32, #tpu.memory_space<vmem_shared>>
      %dma_wait3A_47 = arith.constant 0 : i32
      %dma_wait3A_48 = tpu.memref_slice %arg13[%add3A_13, %dma_wait3A_47] : memref<10240x128xf32, #tpu.memory_space<vmem_shared>> -> memref<128x128xf32, #tpu.memory_space<vmem_shared>>
      tpu.wait_dma2 semaphore(%run_scoped3A : memref<!tpu.dma_semaphore, #tpu.memory_space<semaphore_mem>>) src(%arg10 : memref<128x128xf32, #tpu.memory_space<vmem>>) dst(%dma_wait3A_48 : memref<128x128xf32, #tpu.memory_space<vmem_shared>>)
      tpu.yield
    }) : () -> ()
    %mul3A_14 = arith.constant 640 : i32
    %mul3A_15 = arith.muli %arg1, %mul3A_14 : i32
    %add3A_16 = arith.constant 128 : i32
    %add3A_17 = arith.addi %mul3A_15, %add3A_16 : i32
    "tpu.region"() ({
      %run_scoped3A = tpu.sem_alloc : memref<!tpu.dma_semaphore, #tpu.memory_space<semaphore_mem>>
      %dma_start3A_41 = arith.constant 0 : i32
      %dma_start3A_42 = tpu.memref_slice %arg13[%add3A_17, %dma_start3A_41] : memref<10240x128xf32, #tpu.memory_space<vmem_shared>> -> memref<128x128xf32, #tpu.memory_space<vmem_shared>>
      %dma_start3A_43 = arith.constant 0 : i32
      %dma_start3A_44 = tpu.memref_slice %arg13[%add3A_17, %dma_start3A_43] : memref<10240x128xf32, #tpu.memory_space<vmem_shared>> -> memref<128x128xf32, #tpu.memory_space<vmem_shared>>
      tpu.enqueue_dma source(%arg10 : memref<128x128xf32, #tpu.memory_space<vmem>>) target(%dma_start3A_44 : memref<128x128xf32, #tpu.memory_space<vmem_shared>>) target_semaphore(%run_scoped3A : memref<!tpu.dma_semaphore, #tpu.memory_space<semaphore_mem>>)
      %dma_wait3A_45 = arith.constant 0 : i32
      %dma_wait3A_46 = tpu.memref_slice %arg13[%add3A_17, %dma_wait3A_45] : memref<10240x128xf32, #tpu.memory_space<vmem_shared>> -> memref<128x128xf32, #tpu.memory_space<vmem_shared>>
      %dma_wait3A_47 = arith.constant 0 : i32
      %dma_wait3A_48 = tpu.memref_slice %arg13[%add3A_17, %dma_wait3A_47] : memref<10240x128xf32, #tpu.memory_space<vmem_shared>> -> memref<128x128xf32, #tpu.memory_space<vmem_shared>>
      tpu.wait_dma2 semaphore(%run_scoped3A : memref<!tpu.dma_semaphore, #tpu.memory_space<semaphore_mem>>) src(%arg10 : memref<128x128xf32, #tpu.memory_space<vmem>>) dst(%dma_wait3A_48 : memref<128x128xf32, #tpu.memory_space<vmem_shared>>)
      tpu.yield
    }) : () -> ()
    %mul3A_18 = arith.constant 640 : i32
    %mul3A_19 = arith.muli %arg1, %mul3A_18 : i32
    %add3A_20 = arith.constant 256 : i32
    %add3A_21 = arith.addi %mul3A_19, %add3A_20 : i32
    "tpu.region"() ({
      %run_scoped3A = tpu.sem_alloc : memref<!tpu.dma_semaphore, #tpu.memory_space<semaphore_mem>>
      %dma_start3A_41 = arith.constant 0 : i32
      %dma_start3A_42 = tpu.memref_slice %arg13[%add3A_21, %dma_start3A_41] : memref<10240x128xf32, #tpu.memory_space<vmem_shared>> -> memref<128x128xf32, #tpu.memory_space<vmem_shared>>
      %dma_start3A_43 = arith.constant 0 : i32
      %dma_start3A_44 = tpu.memref_slice %arg13[%add3A_21, %dma_start3A_43] : memref<10240x128xf32, #tpu.memory_space<vmem_shared>> -> memref<128x128xf32, #tpu.memory_space<vmem_shared>>
      tpu.enqueue_dma source(%arg10 : memref<128x128xf32, #tpu.memory_space<vmem>>) target(%dma_start3A_44 : memref<128x128xf32, #tpu.memory_space<vmem_shared>>) target_semaphore(%run_scoped3A : memref<!tpu.dma_semaphore, #tpu.memory_space<semaphore_mem>>)
      %dma_wait3A_45 = arith.constant 0 : i32
      %dma_wait3A_46 = tpu.memref_slice %arg13[%add3A_21, %dma_wait3A_45] : memref<10240x128xf32, #tpu.memory_space<vmem_shared>> -> memref<128x128xf32, #tpu.memory_space<vmem_shared>>
      %dma_wait3A_47 = arith.constant 0 : i32
      %dma_wait3A_48 = tpu.memref_slice %arg13[%add3A_21, %dma_wait3A_47] : memref<10240x128xf32, #tpu.memory_space<vmem_shared>> -> memref<128x128xf32, #tpu.memory_space<vmem_shared>>
      tpu.wait_dma2 semaphore(%run_scoped3A : memref<!tpu.dma_semaphore, #tpu.memory_space<semaphore_mem>>) src(%arg10 : memref<128x128xf32, #tpu.memory_space<vmem>>) dst(%dma_wait3A_48 : memref<128x128xf32, #tpu.memory_space<vmem_shared>>)
      tpu.yield
    }) : () -> ()
    %mul3A_22 = arith.constant 640 : i32
    %mul3A_23 = arith.muli %arg1, %mul3A_22 : i32
    %add3A_24 = arith.constant 384 : i32
    %add3A_25 = arith.addi %mul3A_23, %add3A_24 : i32
    "tpu.region"() ({
      %run_scoped3A = tpu.sem_alloc : memref<!tpu.dma_semaphore, #tpu.memory_space<semaphore_mem>>
      %dma_start3A_41 = arith.constant 0 : i32
      %dma_start3A_42 = tpu.memref_slice %arg13[%add3A_25, %dma_start3A_41] : memref<10240x128xf32, #tpu.memory_space<vmem_shared>> -> memref<128x128xf32, #tpu.memory_space<vmem_shared>>
      %dma_start3A_43 = arith.constant 0 : i32
      %dma_start3A_44 = tpu.memref_slice %arg13[%add3A_25, %dma_start3A_43] : memref<10240x128xf32, #tpu.memory_space<vmem_shared>> -> memref<128x128xf32, #tpu.memory_space<vmem_shared>>
      tpu.enqueue_dma source(%arg10 : memref<128x128xf32, #tpu.memory_space<vmem>>) target(%dma_start3A_44 : memref<128x128xf32, #tpu.memory_space<vmem_shared>>) target_semaphore(%run_scoped3A : memref<!tpu.dma_semaphore, #tpu.memory_space<semaphore_mem>>)
      %dma_wait3A_45 = arith.constant 0 : i32
      %dma_wait3A_46 = tpu.memref_slice %arg13[%add3A_25, %dma_wait3A_45] : memref<10240x128xf32, #tpu.memory_space<vmem_shared>> -> memref<128x128xf32, #tpu.memory_space<vmem_shared>>
      %dma_wait3A_47 = arith.constant 0 : i32
      %dma_wait3A_48 = tpu.memref_slice %arg13[%add3A_25, %dma_wait3A_47] : memref<10240x128xf32, #tpu.memory_space<vmem_shared>> -> memref<128x128xf32, #tpu.memory_space<vmem_shared>>
      tpu.wait_dma2 semaphore(%run_scoped3A : memref<!tpu.dma_semaphore, #tpu.memory_space<semaphore_mem>>) src(%arg10 : memref<128x128xf32, #tpu.memory_space<vmem>>) dst(%dma_wait3A_48 : memref<128x128xf32, #tpu.memory_space<vmem_shared>>)
      tpu.yield
    }) : () -> ()
    %mul3A_26 = arith.constant 640 : i32
    %mul3A_27 = arith.muli %arg1, %mul3A_26 : i32
    %add3A_28 = arith.constant 512 : i32
    %add3A_29 = arith.addi %mul3A_27, %add3A_28 : i32
    "tpu.region"() ({
      %run_scoped3A = tpu.sem_alloc : memref<!tpu.dma_semaphore, #tpu.memory_space<semaphore_mem>>
      %dma_start3A_41 = arith.constant 0 : i32
      %dma_start3A_42 = tpu.memref_slice %arg13[%add3A_29, %dma_start3A_41] : memref<10240x128xf32, #tpu.memory_space<vmem_shared>> -> memref<128x128xf32, #tpu.memory_space<vmem_shared>>
      %dma_start3A_43 = arith.constant 0 : i32
      %dma_start3A_44 = tpu.memref_slice %arg13[%add3A_29, %dma_start3A_43] : memref<10240x128xf32, #tpu.memory_space<vmem_shared>> -> memref<128x128xf32, #tpu.memory_space<vmem_shared>>
      tpu.enqueue_dma source(%arg10 : memref<128x128xf32, #tpu.memory_space<vmem>>) target(%dma_start3A_44 : memref<128x128xf32, #tpu.memory_space<vmem_shared>>) target_semaphore(%run_scoped3A : memref<!tpu.dma_semaphore, #tpu.memory_space<semaphore_mem>>)
      %dma_wait3A_45 = arith.constant 0 : i32
      %dma_wait3A_46 = tpu.memref_slice %arg13[%add3A_29, %dma_wait3A_45] : memref<10240x128xf32, #tpu.memory_space<vmem_shared>> -> memref<128x128xf32, #tpu.memory_space<vmem_shared>>
      %dma_wait3A_47 = arith.constant 0 : i32
      %dma_wait3A_48 = tpu.memref_slice %arg13[%add3A_29, %dma_wait3A_47] : memref<10240x128xf32, #tpu.memory_space<vmem_shared>> -> memref<128x128xf32, #tpu.memory_space<vmem_shared>>
      tpu.wait_dma2 semaphore(%run_scoped3A : memref<!tpu.dma_semaphore, #tpu.memory_space<semaphore_mem>>) src(%arg10 : memref<128x128xf32, #tpu.memory_space<vmem>>) dst(%dma_wait3A_48 : memref<128x128xf32, #tpu.memory_space<vmem_shared>>)
      tpu.yield
    }) : () -> ()
    %barrier3A = arith.constant 0 : index
    tpu.barrier barrier_id(%barrier3A)
    %scan3A_30 = arith.constant 0 : i32
    %scan3A_31 = arith.constant 0 : i32
    %scan3A_32 = arith.constant 81 : i32
    %scan3A_33 = arith.addi %scan3A_31, %scan3A_32 : i32
    %scan3A_34 = arith.constant 1 : i32
    scf.for %scan3A_41 = %scan3A_31 to %scan3A_33 step %scan3A_34  : i32 {
      %mul3A_42 = arith.constant 10368 : i32
      %mul3A_43 = arith.muli %add3A, %mul3A_42 : i32
      %mul3A_44 = arith.constant 128 : i32
      %mul3A_45 = arith.muli %scan3A_41, %mul3A_44 : i32
      %add3A_46 = arith.addi %mul3A_43, %mul3A_45 : i32
      %dma_start3A_47 = tpu.memref_slice %arg3[%add3A_46] : memref<331776xi32, #tpu.memory_space<hbm>> -> memref<128xi32, #tpu.memory_space<hbm>>
      %dma_start3A_48 = tpu.memref_slice %arg3[%add3A_46] : memref<331776xi32, #tpu.memory_space<hbm>> -> memref<128xi32, #tpu.memory_space<hbm>>
      tpu.enqueue_dma source(%dma_start3A_48 : memref<128xi32, #tpu.memory_space<hbm>>) target(%arg7 : memref<128xi32, #tpu.memory_space<vmem>>) target_semaphore(%arg14 : memref<!tpu.dma_semaphore, #tpu.memory_space<semaphore_mem>>)
      %dma_start3A_49 = tpu.memref_slice %arg4[%add3A_46] : memref<331776xi32, #tpu.memory_space<hbm>> -> memref<128xi32, #tpu.memory_space<hbm>>
      %dma_start3A_50 = tpu.memref_slice %arg4[%add3A_46] : memref<331776xi32, #tpu.memory_space<hbm>> -> memref<128xi32, #tpu.memory_space<hbm>>
      tpu.enqueue_dma source(%dma_start3A_50 : memref<128xi32, #tpu.memory_space<hbm>>) target(%arg8 : memref<128xi32, #tpu.memory_space<vmem>>) target_semaphore(%arg15 : memref<!tpu.dma_semaphore, #tpu.memory_space<semaphore_mem>>)
      %dma_wait3A_51 = tpu.memref_slice %arg3[%add3A_46] : memref<331776xi32, #tpu.memory_space<hbm>> -> memref<128xi32, #tpu.memory_space<hbm>>
      %dma_wait3A_52 = tpu.memref_slice %arg3[%add3A_46] : memref<331776xi32, #tpu.memory_space<hbm>> -> memref<128xi32, #tpu.memory_space<hbm>>
      tpu.wait_dma2 semaphore(%arg14 : memref<!tpu.dma_semaphore, #tpu.memory_space<semaphore_mem>>) src(%dma_wait3A_52 : memref<128xi32, #tpu.memory_space<hbm>>) dst(%arg7 : memref<128xi32, #tpu.memory_space<vmem>>)
      %dma_wait3A_53 = tpu.memref_slice %arg4[%add3A_46] : memref<331776xi32, #tpu.memory_space<hbm>> -> memref<128xi32, #tpu.memory_space<hbm>>
      %dma_wait3A_54 = tpu.memref_slice %arg4[%add3A_46] : memref<331776xi32, #tpu.memory_space<hbm>> -> memref<128xi32, #tpu.memory_space<hbm>>
      tpu.wait_dma2 semaphore(%arg15 : memref<!tpu.dma_semaphore, #tpu.memory_space<semaphore_mem>>) src(%dma_wait3A_54 : memref<128xi32, #tpu.memory_space<hbm>>) dst(%arg8 : memref<128xi32, #tpu.memory_space<vmem>>)
      %scan3A_55 = arith.constant 0 : i32
      %scan3A_56 = arith.constant 0 : i32
      %scan3A_57 = arith.constant 8 : i32
      %scan3A_58 = arith.addi %scan3A_56, %scan3A_57 : i32
      %scan3A_59 = arith.constant 1 : i32
      scf.for %scan3A_79 = %scan3A_56 to %scan3A_58 step %scan3A_59  : i32 {
        %mul3A_80 = arith.constant 16 : i32
        %mul3A_81 = arith.muli %scan3A_79, %mul3A_80 : i32
        %get3A = arith.index_cast %mul3A_81 : i32 to index
        %get3A_82 = tpu.vector_load %arg8[%get3A] {strides = array<i32>} : memref<128xi32, #tpu.memory_space<vmem>>, vector<16xi32>,
        %add3A_83 = arith.constant 10240 : i32
        %add3A_84 = vector.broadcast %add3A_83 : i32 to vector<16xi32>
        %add3A_85 = arith.addi %get3A_82, %add3A_84 : vector<16xi32>
        %mul3A_86 = arith.constant 16 : i32
        %mul3A_87 = arith.muli %scan3A_79, %mul3A_86 : i32
        %swap3A = arith.index_cast %mul3A_87 : i32 to index
        %swap3A_88 = tpu.vector_load %arg9[%swap3A] {strides = array<i32>} : memref<128xi32, #tpu.memory_space<vmem>>, vector<16xi32>,
        tpu.vector_store %arg9[%swap3A], %add3A_85 {strides = array<i32>} : memref<128xi32, #tpu.memory_space<vmem>>, vector<16xi32>,
      }
      %scan3A_60 = arith.constant 8 : i32
      %dma_start3A_61 = arith.constant 0 : i32
      %dma_start3A_62 = arith.constant 0 : i32
      %dma_start3A_63 = tpu.memref_slice %arg2[%dma_start3A_61, %dma_start3A_62] : memref<20480x128xf32, #tpu.memory_space<hbm>> -> memref<20480x128xf32, #tpu.memory_space<hbm>>
      tpu.enqueue_indirect_dma source(%dma_start3A_63 : memref<20480x128xf32, #tpu.memory_space<hbm>>) target(%arg10 : memref<128x128xf32, #tpu.memory_space<vmem>>) offsets(%arg7 : memref<128xi32, #tpu.memory_space<vmem>>) semaphore(%arg14 : memref<!tpu.dma_semaphore, #tpu.memory_space<semaphore_mem>>)
      %dma_start3A_64 = arith.constant 0 : i32
      %dma_start3A_65 = arith.constant 0 : i32
      %dma_start3A_66 = tpu.memref_slice %arg2[%dma_start3A_64, %dma_start3A_65] : memref<20480x128xf32, #tpu.memory_space<hbm>> -> memref<20480x128xf32, #tpu.memory_space<hbm>>
      tpu.enqueue_indirect_dma source(%dma_start3A_66 : memref<20480x128xf32, #tpu.memory_space<hbm>>) target(%arg11 : memref<128x128xf32, #tpu.memory_space<vmem>>) offsets(%arg9 : memref<128xi32, #tpu.memory_space<vmem>>) semaphore(%arg15 : memref<!tpu.dma_semaphore, #tpu.memory_space<semaphore_mem>>)
      %dma_wait3A_67 = arith.constant 0 : i32
      %dma_wait3A_68 = arith.constant 0 : i32
      %dma_wait3A_69 = tpu.memref_slice %arg2[%dma_wait3A_67, %dma_wait3A_68] : memref<20480x128xf32, #tpu.memory_space<hbm>> -> memref<20480x128xf32, #tpu.memory_space<hbm>>
      tpu.wait_indirect_dma semaphore(%arg14 : memref<!tpu.dma_semaphore, #tpu.memory_space<semaphore_mem>>) src(%dma_wait3A_69 : memref<20480x128xf32, #tpu.memory_space<hbm>>) dst(%arg10 : memref<128x128xf32, #tpu.memory_space<vmem>>)
      %dma_wait3A_70 = arith.constant 0 : i32
      %dma_wait3A_71 = arith.constant 0 : i32
      %dma_wait3A_72 = tpu.memref_slice %arg2[%dma_wait3A_70, %dma_wait3A_71] : memref<20480x128xf32, #tpu.memory_space<hbm>> -> memref<20480x128xf32, #tpu.memory_space<hbm>>
      tpu.wait_indirect_dma semaphore(%arg15 : memref<!tpu.dma_semaphore, #tpu.memory_space<semaphore_mem>>) src(%dma_wait3A_72 : memref<20480x128xf32, #tpu.memory_space<hbm>>) dst(%arg11 : memref<128x128xf32, #tpu.memory_space<vmem>>)
      %scan3A_73 = arith.constant 0 : i32
      %scan3A_74 = arith.constant 0 : i32
      %scan3A_75 = arith.constant 128 : i32
      %scan3A_76 = arith.addi %scan3A_74, %scan3A_75 : i32
      %scan3A_77 = arith.constant 2 : i32
      scf.for %scan3A_79 = %scan3A_74 to %scan3A_76 step %scan3A_77  : i32 {
        %get3A = arith.index_cast %scan3A_79 : i32 to index
        %get3A_80 = arith.constant 0 : index
        %get3A_81 = tpu.vector_load %arg10[%get3A, %get3A_80] {strides = array<i32>} : memref<128x128xf32, #tpu.memory_space<vmem>>, vector<16xf32>,
        %get3A_82 = arith.index_cast %scan3A_79 : i32 to index
        %get3A_83 = arith.constant 16 : index
        %get3A_84 = tpu.vector_load %arg10[%get3A_82, %get3A_83] {strides = array<i32>} : memref<128x128xf32, #tpu.memory_space<vmem>>, vector<16xf32>,
        %get3A_85 = arith.index_cast %scan3A_79 : i32 to index
        %get3A_86 = arith.constant 32 : index
        %get3A_87 = tpu.vector_load %arg10[%get3A_85, %get3A_86] {strides = array<i32>} : memref<128x128xf32, #tpu.memory_space<vmem>>, vector<16xf32>,
        %get3A_88 = arith.index_cast %scan3A_79 : i32 to index
        %get3A_89 = arith.constant 48 : index
        %get3A_90 = tpu.vector_load %arg10[%get3A_88, %get3A_89] {strides = array<i32>} : memref<128x128xf32, #tpu.memory_space<vmem>>, vector<16xf32>,
        %get3A_91 = arith.index_cast %scan3A_79 : i32 to index
        %get3A_92 = arith.constant 64 : index
        %get3A_93 = tpu.vector_load %arg10[%get3A_91, %get3A_92] {strides = array<i32>} : memref<128x128xf32, #tpu.memory_space<vmem>>, vector<16xf32>,
        %get3A_94 = arith.index_cast %scan3A_79 : i32 to index
        %get3A_95 = arith.constant 80 : index
        %get3A_96 = tpu.vector_load %arg10[%get3A_94, %get3A_95] {strides = array<i32>} : memref<128x128xf32, #tpu.memory_space<vmem>>, vector<16xf32>,
        %get3A_97 = arith.index_cast %scan3A_79 : i32 to index
        %get3A_98 = arith.constant 96 : index
        %get3A_99 = tpu.vector_load %arg10[%get3A_97, %get3A_98] {strides = array<i32>} : memref<128x128xf32, #tpu.memory_space<vmem>>, vector<16xf32>,
        %get3A_100 = arith.index_cast %scan3A_79 : i32 to index
        %get3A_101 = arith.constant 112 : index
        %get3A_102 = tpu.vector_load %arg10[%get3A_100, %get3A_101] {strides = array<i32>} : memref<128x128xf32, #tpu.memory_space<vmem>>, vector<16xf32>,
        %get3A_103 = arith.index_cast %scan3A_79 : i32 to index
        %get3A_104 = arith.constant 0 : index
        %get3A_105 = tpu.vector_load %arg11[%get3A_103, %get3A_104] {strides = array<i32>} : memref<128x128xf32, #tpu.memory_space<vmem>>, vector<16xf32>,
        %get3A_106 = arith.index_cast %scan3A_79 : i32 to index
        %get3A_107 = arith.constant 16 : index
        %get3A_108 = tpu.vector_load %arg11[%get3A_106, %get3A_107] {strides = array<i32>} : memref<128x128xf32, #tpu.memory_space<vmem>>, vector<16xf32>,
        %get3A_109 = arith.index_cast %scan3A_79 : i32 to index
        %get3A_110 = arith.constant 32 : index
        %get3A_111 = tpu.vector_load %arg11[%get3A_109, %get3A_110] {strides = array<i32>} : memref<128x128xf32, #tpu.memory_space<vmem>>, vector<16xf32>,
        %get3A_112 = arith.index_cast %scan3A_79 : i32 to index
        %get3A_113 = arith.constant 48 : index
        %get3A_114 = tpu.vector_load %arg11[%get3A_112, %get3A_113] {strides = array<i32>} : memref<128x128xf32, #tpu.memory_space<vmem>>, vector<16xf32>,
        %get3A_115 = arith.index_cast %scan3A_79 : i32 to index
        %get3A_116 = arith.constant 64 : index
        %get3A_117 = tpu.vector_load %arg11[%get3A_115, %get3A_116] {strides = array<i32>} : memref<128x128xf32, #tpu.memory_space<vmem>>, vector<16xf32>,
        %get3A_118 = arith.index_cast %scan3A_79 : i32 to index
        %get3A_119 = arith.constant 80 : index
        %get3A_120 = tpu.vector_load %arg11[%get3A_118, %get3A_119] {strides = array<i32>} : memref<128x128xf32, #tpu.memory_space<vmem>>, vector<16xf32>,
        %get3A_121 = arith.index_cast %scan3A_79 : i32 to index
        %get3A_122 = arith.constant 96 : index
        %get3A_123 = tpu.vector_load %arg11[%get3A_121, %get3A_122] {strides = array<i32>} : memref<128x128xf32, #tpu.memory_space<vmem>>, vector<16xf32>,
        %get3A_124 = arith.index_cast %scan3A_79 : i32 to index
        %get3A_125 = arith.constant 112 : index
        %get3A_126 = tpu.vector_load %arg11[%get3A_124, %get3A_125] {strides = array<i32>} : memref<128x128xf32, #tpu.memory_space<vmem>>, vector<16xf32>,
        %get3A_127 = arith.constant 0 : index
        %get3A_128 = tpu.vector_load %arg12[%get3A_127] {strides = array<i32>} : memref<128xf32, #tpu.memory_space<vmem>>, vector<16xf32>,
        %get3A_129 = arith.constant 16 : index
        %get3A_130 = tpu.vector_load %arg12[%get3A_129] {strides = array<i32>} : memref<128xf32, #tpu.memory_space<vmem>>, vector<16xf32>,
        %get3A_131 = arith.constant 32 : index
        %get3A_132 = tpu.vector_load %arg12[%get3A_131] {strides = array<i32>} : memref<128xf32, #tpu.memory_space<vmem>>, vector<16xf32>,
        %get3A_133 = arith.constant 48 : index
        %get3A_134 = tpu.vector_load %arg12[%get3A_133] {strides = array<i32>} : memref<128xf32, #tpu.memory_space<vmem>>, vector<16xf32>,
        %get3A_135 = arith.constant 64 : index
        %get3A_136 = tpu.vector_load %arg12[%get3A_135] {strides = array<i32>} : memref<128xf32, #tpu.memory_space<vmem>>, vector<16xf32>,
        %get3A_137 = arith.constant 80 : index
        %get3A_138 = tpu.vector_load %arg12[%get3A_137] {strides = array<i32>} : memref<128xf32, #tpu.memory_space<vmem>>, vector<16xf32>,
        %get3A_139 = arith.constant 96 : index
        %get3A_140 = tpu.vector_load %arg12[%get3A_139] {strides = array<i32>} : memref<128xf32, #tpu.memory_space<vmem>>, vector<16xf32>,
        %get3A_141 = arith.constant 112 : index
        %get3A_142 = tpu.vector_load %arg12[%get3A_141] {strides = array<i32>} : memref<128xf32, #tpu.memory_space<vmem>>, vector<16xf32>,
        %add3A_143 = arith.addf %get3A_81, %get3A_105 : vector<16xf32>
        %mul3A_144 = arith.constant 2.000000e-01 : f32
        %mul3A_145 = vector.broadcast %mul3A_144 : f32 to vector<16xf32>
        %mul3A_146 = arith.mulf %mul3A_145, %add3A_143 : vector<16xf32>
        %max3A = arith.maximumf %add3A_143, %mul3A_146 : vector<16xf32>
        %mul3A_147 = arith.mulf %max3A, %get3A_128 : vector<16xf32>
        %add3A_148 = arith.addf %get3A_84, %get3A_108 : vector<16xf32>
        %mul3A_149 = arith.constant 2.000000e-01 : f32
        %mul3A_150 = vector.broadcast %mul3A_149 : f32 to vector<16xf32>
        %mul3A_151 = arith.mulf %mul3A_150, %add3A_148 : vector<16xf32>
        %max3A_152 = arith.maximumf %add3A_148, %mul3A_151 : vector<16xf32>
        %mul3A_153 = arith.mulf %max3A_152, %get3A_130 : vector<16xf32>
        %add3A_154 = arith.addf %get3A_87, %get3A_111 : vector<16xf32>
        %mul3A_155 = arith.constant 2.000000e-01 : f32
        %mul3A_156 = vector.broadcast %mul3A_155 : f32 to vector<16xf32>
        %mul3A_157 = arith.mulf %mul3A_156, %add3A_154 : vector<16xf32>
        %max3A_158 = arith.maximumf %add3A_154, %mul3A_157 : vector<16xf32>
        %mul3A_159 = arith.mulf %max3A_158, %get3A_132 : vector<16xf32>
        %add3A_160 = arith.addf %get3A_90, %get3A_114 : vector<16xf32>
        %mul3A_161 = arith.constant 2.000000e-01 : f32
        %mul3A_162 = vector.broadcast %mul3A_161 : f32 to vector<16xf32>
        %mul3A_163 = arith.mulf %mul3A_162, %add3A_160 : vector<16xf32>
        %max3A_164 = arith.maximumf %add3A_160, %mul3A_163 : vector<16xf32>
        %mul3A_165 = arith.mulf %max3A_164, %get3A_134 : vector<16xf32>
        %add3A_166 = arith.addf %get3A_93, %get3A_117 : vector<16xf32>
        %mul3A_167 = arith.constant 2.000000e-01 : f32
        %mul3A_168 = vector.broadcast %mul3A_167 : f32 to vector<16xf32>
        %mul3A_169 = arith.mulf %mul3A_168, %add3A_166 : vector<16xf32>
        %max3A_170 = arith.maximumf %add3A_166, %mul3A_169 : vector<16xf32>
        %mul3A_171 = arith.mulf %max3A_170, %get3A_136 : vector<16xf32>
        %add3A_172 = arith.addf %get3A_96, %get3A_120 : vector<16xf32>
        %mul3A_173 = arith.constant 2.000000e-01 : f32
        %mul3A_174 = vector.broadcast %mul3A_173 : f32 to vector<16xf32>
        %mul3A_175 = arith.mulf %mul3A_174, %add3A_172 : vector<16xf32>
        %max3A_176 = arith.maximumf %add3A_172, %mul3A_175 : vector<16xf32>
        %mul3A_177 = arith.mulf %max3A_176, %get3A_138 : vector<16xf32>
        %add3A_178 = arith.addf %get3A_99, %get3A_123 : vector<16xf32>
        %mul3A_179 = arith.constant 2.000000e-01 : f32
        %mul3A_180 = vector.broadcast %mul3A_179 : f32 to vector<16xf32>
        %mul3A_181 = arith.mulf %mul3A_180, %add3A_178 : vector<16xf32>
        %max3A_182 = arith.maximumf %add3A_178, %mul3A_181 : vector<16xf32>
        %mul3A_183 = arith.mulf %max3A_182, %get3A_140 : vector<16xf32>
        %add3A_184 = arith.addf %get3A_102, %get3A_126 : vector<16xf32>
        %mul3A_185 = arith.constant 2.000000e-01 : f32
        %mul3A_186 = vector.broadcast %mul3A_185 : f32 to vector<16xf32>
        %mul3A_187 = arith.mulf %mul3A_186, %add3A_184 : vector<16xf32>
        %max3A_188 = arith.maximumf %add3A_184, %mul3A_187 : vector<16xf32>
        %mul3A_189 = arith.mulf %max3A_188, %get3A_142 : vector<16xf32>
        %add3A_190 = arith.addf %mul3A_147, %mul3A_153 : vector<16xf32>
        %add3A_191 = arith.addf %mul3A_159, %mul3A_165 : vector<16xf32>
        %add3A_192 = arith.addf %add3A_190, %add3A_191 : vector<16xf32>
        %add3A_193 = arith.addf %mul3A_171, %mul3A_177 : vector<16xf32>
        %add3A_194 = arith.addf %mul3A_183, %mul3A_189 : vector<16xf32>
        %add3A_195 = arith.addf %add3A_193, %add3A_194 : vector<16xf32>
        %broadcast_in_dim3A = arith.constant true
        %broadcast_in_dim3A_196 = vector.broadcast %broadcast_in_dim3A : i1 to vector<16xi1>
        %masked_cumsum3A = tpu.scan <sum>, %add3A_192 masked %broadcast_in_dim3A_196 : vector<16xf32>, vector<16xi1> -> vector<16xf32>
        %broadcast_in_dim3A_197 = arith.constant 15 : i32
        %broadcast_in_dim3A_198 = vector.broadcast %broadcast_in_dim3A_197 : i32 to vector<16xi32>
        %lt3A = arith.constant 0 : i32
        %lt3A_199 = vector.broadcast %lt3A : i32 to vector<16xi32>
        %lt3A_200 = arith.cmpi slt, %broadcast_in_dim3A_198, %lt3A_199 : vector<16xi32>
        %add3A_201 = arith.constant 16 : i32
        %add3A_202 = vector.broadcast %add3A_201 : i32 to vector<16xi32>
        %add3A_203 = arith.addi %broadcast_in_dim3A_198, %add3A_202 : vector<16xi32>
        %select_n3A = arith.select %lt3A_200, %add3A_203, %broadcast_in_dim3A_198 : vector<16xi1>, vector<16xi32>
        %broadcast_in_dim3A_204 = vector.shape_cast %select_n3A : vector<16xi32> to vector<16x1xi32>
        %gather3A = vector.shape_cast %broadcast_in_dim3A_204 : vector<16x1xi32> to vector<16xi32>
        %gather3A_205 = tpu.dynamic_gather %masked_cumsum3A[%gather3A] in [0] : vector<16xf32>, vector<16xi32> -> vector<16xf32>
        %exp3A = math.exp %gather3A_205 : vector<16xf32>
        %broadcast_in_dim3A_206 = arith.constant true
        %broadcast_in_dim3A_207 = vector.broadcast %broadcast_in_dim3A_206 : i1 to vector<16xi1>
        %masked_cumsum3A_208 = tpu.scan <sum>, %add3A_195 masked %broadcast_in_dim3A_207 : vector<16xf32>, vector<16xi1> -> vector<16xf32>
        %broadcast_in_dim3A_209 = arith.constant 15 : i32
        %broadcast_in_dim3A_210 = vector.broadcast %broadcast_in_dim3A_209 : i32 to vector<16xi32>
        %lt3A_211 = arith.constant 0 : i32
        %lt3A_212 = vector.broadcast %lt3A_211 : i32 to vector<16xi32>
        %lt3A_213 = arith.cmpi slt, %broadcast_in_dim3A_210, %lt3A_212 : vector<16xi32>
        %add3A_214 = arith.constant 16 : i32
        %add3A_215 = vector.broadcast %add3A_214 : i32 to vector<16xi32>
        %add3A_216 = arith.addi %broadcast_in_dim3A_210, %add3A_215 : vector<16xi32>
        %select_n3A_217 = arith.select %lt3A_213, %add3A_216, %broadcast_in_dim3A_210 : vector<16xi1>, vector<16xi32>
        %broadcast_in_dim3A_218 = vector.shape_cast %select_n3A_217 : vector<16xi32> to vector<16x1xi32>
        %gather3A_219 = vector.shape_cast %broadcast_in_dim3A_218 : vector<16x1xi32> to vector<16xi32>
        %gather3A_220 = tpu.dynamic_gather %masked_cumsum3A_208[%gather3A_219] in [0] : vector<16xf32>, vector<16xi32> -> vector<16xf32>
        %exp3A_221 = math.exp %gather3A_220 : vector<16xf32>
        %swap3A = arith.index_cast %scan3A_79 : i32 to index
        %swap3A_222 = arith.constant 0 : index
        %swap3A_223 = tpu.vector_load %arg10[%swap3A, %swap3A_222] {strides = array<i32>} : memref<128x128xf32, #tpu.memory_space<vmem>>, vector<16xf32>,
        tpu.vector_store %arg10[%swap3A, %swap3A_222], %exp3A {strides = array<i32>} : memref<128x128xf32, #tpu.memory_space<vmem>>, vector<16xf32>,
        %swap3A_224 = arith.index_cast %scan3A_79 : i32 to index
        %swap3A_225 = arith.constant 16 : index
        %swap3A_226 = tpu.vector_load %arg10[%swap3A_224, %swap3A_225] {strides = array<i32>} : memref<128x128xf32, #tpu.memory_space<vmem>>, vector<16xf32>,
        tpu.vector_store %arg10[%swap3A_224, %swap3A_225], %exp3A {strides = array<i32>} : memref<128x128xf32, #tpu.memory_space<vmem>>, vector<16xf32>,
        %swap3A_227 = arith.index_cast %scan3A_79 : i32 to index
        %swap3A_228 = arith.constant 32 : index
        %swap3A_229 = tpu.vector_load %arg10[%swap3A_227, %swap3A_228] {strides = array<i32>} : memref<128x128xf32, #tpu.memory_space<vmem>>, vector<16xf32>,
        tpu.vector_store %arg10[%swap3A_227, %swap3A_228], %exp3A {strides = array<i32>} : memref<128x128xf32, #tpu.memory_space<vmem>>, vector<16xf32>,
        %swap3A_230 = arith.index_cast %scan3A_79 : i32 to index
        %swap3A_231 = arith.constant 48 : index
        %swap3A_232 = tpu.vector_load %arg10[%swap3A_230, %swap3A_231] {strides = array<i32>} : memref<128x128xf32, #tpu.memory_space<vmem>>, vector<16xf32>,
        tpu.vector_store %arg10[%swap3A_230, %swap3A_231], %exp3A {strides = array<i32>} : memref<128x128xf32, #tpu.memory_space<vmem>>, vector<16xf32>,
        %swap3A_233 = arith.index_cast %scan3A_79 : i32 to index
        %swap3A_234 = arith.constant 64 : index
        %swap3A_235 = tpu.vector_load %arg10[%swap3A_233, %swap3A_234] {strides = array<i32>} : memref<128x128xf32, #tpu.memory_space<vmem>>, vector<16xf32>,
        tpu.vector_store %arg10[%swap3A_233, %swap3A_234], %exp3A_221 {strides = array<i32>} : memref<128x128xf32, #tpu.memory_space<vmem>>, vector<16xf32>,
        %swap3A_236 = arith.index_cast %scan3A_79 : i32 to index
        %swap3A_237 = arith.constant 80 : index
        %swap3A_238 = tpu.vector_load %arg10[%swap3A_236, %swap3A_237] {strides = array<i32>} : memref<128x128xf32, #tpu.memory_space<vmem>>, vector<16xf32>,
        tpu.vector_store %arg10[%swap3A_236, %swap3A_237], %exp3A_221 {strides = array<i32>} : memref<128x128xf32, #tpu.memory_space<vmem>>, vector<16xf32>,
        %swap3A_239 = arith.index_cast %scan3A_79 : i32 to index
        %swap3A_240 = arith.constant 96 : index
        %swap3A_241 = tpu.vector_load %arg10[%swap3A_239, %swap3A_240] {strides = array<i32>} : memref<128x128xf32, #tpu.memory_space<vmem>>, vector<16xf32>,
        tpu.vector_store %arg10[%swap3A_239, %swap3A_240], %exp3A_221 {strides = array<i32>} : memref<128x128xf32, #tpu.memory_space<vmem>>, vector<16xf32>,
        %swap3A_242 = arith.index_cast %scan3A_79 : i32 to index
        %swap3A_243 = arith.constant 112 : index
        %swap3A_244 = tpu.vector_load %arg10[%swap3A_242, %swap3A_243] {strides = array<i32>} : memref<128x128xf32, #tpu.memory_space<vmem>>, vector<16xf32>,
        tpu.vector_store %arg10[%swap3A_242, %swap3A_243], %exp3A_221 {strides = array<i32>} : memref<128x128xf32, #tpu.memory_space<vmem>>, vector<16xf32>,
        %scan3A_245 = arith.constant 1 : i32
        %scan3A_246 = arith.addi %scan3A_79, %scan3A_245 : i32
        %get3A_247 = arith.index_cast %scan3A_246 : i32 to index
        %get3A_248 = arith.constant 0 : index
        %get3A_249 = tpu.vector_load %arg10[%get3A_247, %get3A_248] {strides = array<i32>} : memref<128x128xf32, #tpu.memory_space<vmem>>, vector<16xf32>,
        %get3A_250 = arith.index_cast %scan3A_246 : i32 to index
        %get3A_251 = arith.constant 16 : index
        %get3A_252 = tpu.vector_load %arg10[%get3A_250, %get3A_251] {strides = array<i32>} : memref<128x128xf32, #tpu.memory_space<vmem>>, vector<16xf32>,
        %get3A_253 = arith.index_cast %scan3A_246 : i32 to index
        %get3A_254 = arith.constant 32 : index
        %get3A_255 = tpu.vector_load %arg10[%get3A_253, %get3A_254] {strides = array<i32>} : memref<128x128xf32, #tpu.memory_space<vmem>>, vector<16xf32>,
        %get3A_256 = arith.index_cast %scan3A_246 : i32 to index
        %get3A_257 = arith.constant 48 : index
        %get3A_258 = tpu.vector_load %arg10[%get3A_256, %get3A_257] {strides = array<i32>} : memref<128x128xf32, #tpu.memory_space<vmem>>, vector<16xf32>,
        %get3A_259 = arith.index_cast %scan3A_246 : i32 to index
        %get3A_260 = arith.constant 64 : index
        %get3A_261 = tpu.vector_load %arg10[%get3A_259, %get3A_260] {strides = array<i32>} : memref<128x128xf32, #tpu.memory_space<vmem>>, vector<16xf32>,
        %get3A_262 = arith.index_cast %scan3A_246 : i32 to index
        %get3A_263 = arith.constant 80 : index
        %get3A_264 = tpu.vector_load %arg10[%get3A_262, %get3A_263] {strides = array<i32>} : memref<128x128xf32, #tpu.memory_space<vmem>>, vector<16xf32>,
        %get3A_265 = arith.index_cast %scan3A_246 : i32 to index
        %get3A_266 = arith.constant 96 : index
        %get3A_267 = tpu.vector_load %arg10[%get3A_265, %get3A_266] {strides = array<i32>} : memref<128x128xf32, #tpu.memory_space<vmem>>, vector<16xf32>,
        %get3A_268 = arith.index_cast %scan3A_246 : i32 to index
        %get3A_269 = arith.constant 112 : index
        %get3A_270 = tpu.vector_load %arg10[%get3A_268, %get3A_269] {strides = array<i32>} : memref<128x128xf32, #tpu.memory_space<vmem>>, vector<16xf32>,
        %get3A_271 = arith.index_cast %scan3A_246 : i32 to index
        %get3A_272 = arith.constant 0 : index
        %get3A_273 = tpu.vector_load %arg11[%get3A_271, %get3A_272] {strides = array<i32>} : memref<128x128xf32, #tpu.memory_space<vmem>>, vector<16xf32>,
        %get3A_274 = arith.index_cast %scan3A_246 : i32 to index
        %get3A_275 = arith.constant 16 : index
        %get3A_276 = tpu.vector_load %arg11[%get3A_274, %get3A_275] {strides = array<i32>} : memref<128x128xf32, #tpu.memory_space<vmem>>, vector<16xf32>,
        %get3A_277 = arith.index_cast %scan3A_246 : i32 to index
        %get3A_278 = arith.constant 32 : index
        %get3A_279 = tpu.vector_load %arg11[%get3A_277, %get3A_278] {strides = array<i32>} : memref<128x128xf32, #tpu.memory_space<vmem>>, vector<16xf32>,
        %get3A_280 = arith.index_cast %scan3A_246 : i32 to index
        %get3A_281 = arith.constant 48 : index
        %get3A_282 = tpu.vector_load %arg11[%get3A_280, %get3A_281] {strides = array<i32>} : memref<128x128xf32, #tpu.memory_space<vmem>>, vector<16xf32>,
        %get3A_283 = arith.index_cast %scan3A_246 : i32 to index
        %get3A_284 = arith.constant 64 : index
        %get3A_285 = tpu.vector_load %arg11[%get3A_283, %get3A_284] {strides = array<i32>} : memref<128x128xf32, #tpu.memory_space<vmem>>, vector<16xf32>,
        %get3A_286 = arith.index_cast %scan3A_246 : i32 to index
        %get3A_287 = arith.constant 80 : index
        %get3A_288 = tpu.vector_load %arg11[%get3A_286, %get3A_287] {strides = array<i32>} : memref<128x128xf32, #tpu.memory_space<vmem>>, vector<16xf32>,
        %get3A_289 = arith.index_cast %scan3A_246 : i32 to index
        %get3A_290 = arith.constant 96 : index
        %get3A_291 = tpu.vector_load %arg11[%get3A_289, %get3A_290] {strides = array<i32>} : memref<128x128xf32, #tpu.memory_space<vmem>>, vector<16xf32>,
        %get3A_292 = arith.index_cast %scan3A_246 : i32 to index
        %get3A_293 = arith.constant 112 : index
        %get3A_294 = tpu.vector_load %arg11[%get3A_292, %get3A_293] {strides = array<i32>} : memref<128x128xf32, #tpu.memory_space<vmem>>, vector<16xf32>,
        %get3A_295 = arith.constant 0 : index
        %get3A_296 = tpu.vector_load %arg12[%get3A_295] {strides = array<i32>} : memref<128xf32, #tpu.memory_space<vmem>>, vector<16xf32>,
        %get3A_297 = arith.constant 16 : index
        %get3A_298 = tpu.vector_load %arg12[%get3A_297] {strides = array<i32>} : memref<128xf32, #tpu.memory_space<vmem>>, vector<16xf32>,
        %get3A_299 = arith.constant 32 : index
        %get3A_300 = tpu.vector_load %arg12[%get3A_299] {strides = array<i32>} : memref<128xf32, #tpu.memory_space<vmem>>, vector<16xf32>,
        %get3A_301 = arith.constant 48 : index
        %get3A_302 = tpu.vector_load %arg12[%get3A_301] {strides = array<i32>} : memref<128xf32, #tpu.memory_space<vmem>>, vector<16xf32>,
        %get3A_303 = arith.constant 64 : index
        %get3A_304 = tpu.vector_load %arg12[%get3A_303] {strides = array<i32>} : memref<128xf32, #tpu.memory_space<vmem>>, vector<16xf32>,
        %get3A_305 = arith.constant 80 : index
        %get3A_306 = tpu.vector_load %arg12[%get3A_305] {strides = array<i32>} : memref<128xf32, #tpu.memory_space<vmem>>, vector<16xf32>,
        %get3A_307 = arith.constant 96 : index
        %get3A_308 = tpu.vector_load %arg12[%get3A_307] {strides = array<i32>} : memref<128xf32, #tpu.memory_space<vmem>>, vector<16xf32>,
        %get3A_309 = arith.constant 112 : index
        %get3A_310 = tpu.vector_load %arg12[%get3A_309] {strides = array<i32>} : memref<128xf32, #tpu.memory_space<vmem>>, vector<16xf32>,
        %add3A_311 = arith.addf %get3A_249, %get3A_273 : vector<16xf32>
        %mul3A_312 = arith.constant 2.000000e-01 : f32
        %mul3A_313 = vector.broadcast %mul3A_312 : f32 to vector<16xf32>
        %mul3A_314 = arith.mulf %mul3A_313, %add3A_311 : vector<16xf32>
        %max3A_315 = arith.maximumf %add3A_311, %mul3A_314 : vector<16xf32>
        %mul3A_316 = arith.mulf %max3A_315, %get3A_296 : vector<16xf32>
        %add3A_317 = arith.addf %get3A_252, %get3A_276 : vector<16xf32>
        %mul3A_318 = arith.constant 2.000000e-01 : f32
        %mul3A_319 = vector.broadcast %mul3A_318 : f32 to vector<16xf32>
        %mul3A_320 = arith.mulf %mul3A_319, %add3A_317 : vector<16xf32>
        %max3A_321 = arith.maximumf %add3A_317, %mul3A_320 : vector<16xf32>
        %mul3A_322 = arith.mulf %max3A_321, %get3A_298 : vector<16xf32>
        %add3A_323 = arith.addf %get3A_255, %get3A_279 : vector<16xf32>
        %mul3A_324 = arith.constant 2.000000e-01 : f32
        %mul3A_325 = vector.broadcast %mul3A_324 : f32 to vector<16xf32>
        %mul3A_326 = arith.mulf %mul3A_325, %add3A_323 : vector<16xf32>
        %max3A_327 = arith.maximumf %add3A_323, %mul3A_326 : vector<16xf32>
        %mul3A_328 = arith.mulf %max3A_327, %get3A_300 : vector<16xf32>
        %add3A_329 = arith.addf %get3A_258, %get3A_282 : vector<16xf32>
        %mul3A_330 = arith.constant 2.000000e-01 : f32
        %mul3A_331 = vector.broadcast %mul3A_330 : f32 to vector<16xf32>
        %mul3A_332 = arith.mulf %mul3A_331, %add3A_329 : vector<16xf32>
        %max3A_333 = arith.maximumf %add3A_329, %mul3A_332 : vector<16xf32>
        %mul3A_334 = arith.mulf %max3A_333, %get3A_302 : vector<16xf32>
        %add3A_335 = arith.addf %get3A_261, %get3A_285 : vector<16xf32>
        %mul3A_336 = arith.constant 2.000000e-01 : f32
        %mul3A_337 = vector.broadcast %mul3A_336 : f32 to vector<16xf32>
        %mul3A_338 = arith.mulf %mul3A_337, %add3A_335 : vector<16xf32>
        %max3A_339 = arith.maximumf %add3A_335, %mul3A_338 : vector<16xf32>
        %mul3A_340 = arith.mulf %max3A_339, %get3A_304 : vector<16xf32>
        %add3A_341 = arith.addf %get3A_264, %get3A_288 : vector<16xf32>
        %mul3A_342 = arith.constant 2.000000e-01 : f32
        %mul3A_343 = vector.broadcast %mul3A_342 : f32 to vector<16xf32>
        %mul3A_344 = arith.mulf %mul3A_343, %add3A_341 : vector<16xf32>
        %max3A_345 = arith.maximumf %add3A_341, %mul3A_344 : vector<16xf32>
        %mul3A_346 = arith.mulf %max3A_345, %get3A_306 : vector<16xf32>
        %add3A_347 = arith.addf %get3A_267, %get3A_291 : vector<16xf32>
        %mul3A_348 = arith.constant 2.000000e-01 : f32
        %mul3A_349 = vector.broadcast %mul3A_348 : f32 to vector<16xf32>
        %mul3A_350 = arith.mulf %mul3A_349, %add3A_347 : vector<16xf32>
        %max3A_351 = arith.maximumf %add3A_347, %mul3A_350 : vector<16xf32>
        %mul3A_352 = arith.mulf %max3A_351, %get3A_308 : vector<16xf32>
        %add3A_353 = arith.addf %get3A_270, %get3A_294 : vector<16xf32>
        %mul3A_354 = arith.constant 2.000000e-01 : f32
        %mul3A_355 = vector.broadcast %mul3A_354 : f32 to vector<16xf32>
        %mul3A_356 = arith.mulf %mul3A_355, %add3A_353 : vector<16xf32>
        %max3A_357 = arith.maximumf %add3A_353, %mul3A_356 : vector<16xf32>
        %mul3A_358 = arith.mulf %max3A_357, %get3A_310 : vector<16xf32>
        %add3A_359 = arith.addf %mul3A_316, %mul3A_322 : vector<16xf32>
        %add3A_360 = arith.addf %mul3A_328, %mul3A_334 : vector<16xf32>
        %add3A_361 = arith.addf %add3A_359, %add3A_360 : vector<16xf32>
        %add3A_362 = arith.addf %mul3A_340, %mul3A_346 : vector<16xf32>
        %add3A_363 = arith.addf %mul3A_352, %mul3A_358 : vector<16xf32>
        %add3A_364 = arith.addf %add3A_362, %add3A_363 : vector<16xf32>
        %broadcast_in_dim3A_365 = arith.constant true
        %broadcast_in_dim3A_366 = vector.broadcast %broadcast_in_dim3A_365 : i1 to vector<16xi1>
        %masked_cumsum3A_367 = tpu.scan <sum>, %add3A_361 masked %broadcast_in_dim3A_366 : vector<16xf32>, vector<16xi1> -> vector<16xf32>
        %broadcast_in_dim3A_368 = arith.constant 15 : i32
        %broadcast_in_dim3A_369 = vector.broadcast %broadcast_in_dim3A_368 : i32 to vector<16xi32>
        %lt3A_370 = arith.constant 0 : i32
        %lt3A_371 = vector.broadcast %lt3A_370 : i32 to vector<16xi32>
        %lt3A_372 = arith.cmpi slt, %broadcast_in_dim3A_369, %lt3A_371 : vector<16xi32>
        %add3A_373 = arith.constant 16 : i32
        %add3A_374 = vector.broadcast %add3A_373 : i32 to vector<16xi32>
        %add3A_375 = arith.addi %broadcast_in_dim3A_369, %add3A_374 : vector<16xi32>
        %select_n3A_376 = arith.select %lt3A_372, %add3A_375, %broadcast_in_dim3A_369 : vector<16xi1>, vector<16xi32>
        %broadcast_in_dim3A_377 = vector.shape_cast %select_n3A_376 : vector<16xi32> to vector<16x1xi32>
        %gather3A_378 = vector.shape_cast %broadcast_in_dim3A_377 : vector<16x1xi32> to vector<16xi32>
        %gather3A_379 = tpu.dynamic_gather %masked_cumsum3A_367[%gather3A_378] in [0] : vector<16xf32>, vector<16xi32> -> vector<16xf32>
        %exp3A_380 = math.exp %gather3A_379 : vector<16xf32>
        %broadcast_in_dim3A_381 = arith.constant true
        %broadcast_in_dim3A_382 = vector.broadcast %broadcast_in_dim3A_381 : i1 to vector<16xi1>
        %masked_cumsum3A_383 = tpu.scan <sum>, %add3A_364 masked %broadcast_in_dim3A_382 : vector<16xf32>, vector<16xi1> -> vector<16xf32>
        %broadcast_in_dim3A_384 = arith.constant 15 : i32
        %broadcast_in_dim3A_385 = vector.broadcast %broadcast_in_dim3A_384 : i32 to vector<16xi32>
        %lt3A_386 = arith.constant 0 : i32
        %lt3A_387 = vector.broadcast %lt3A_386 : i32 to vector<16xi32>
        %lt3A_388 = arith.cmpi slt, %broadcast_in_dim3A_385, %lt3A_387 : vector<16xi32>
        %add3A_389 = arith.constant 16 : i32
        %add3A_390 = vector.broadcast %add3A_389 : i32 to vector<16xi32>
        %add3A_391 = arith.addi %broadcast_in_dim3A_385, %add3A_390 : vector<16xi32>
        %select_n3A_392 = arith.select %lt3A_388, %add3A_391, %broadcast_in_dim3A_385 : vector<16xi1>, vector<16xi32>
        %broadcast_in_dim3A_393 = vector.shape_cast %select_n3A_392 : vector<16xi32> to vector<16x1xi32>
        %gather3A_394 = vector.shape_cast %broadcast_in_dim3A_393 : vector<16x1xi32> to vector<16xi32>
        %gather3A_395 = tpu.dynamic_gather %masked_cumsum3A_383[%gather3A_394] in [0] : vector<16xf32>, vector<16xi32> -> vector<16xf32>
        %exp3A_396 = math.exp %gather3A_395 : vector<16xf32>
        %swap3A_397 = arith.index_cast %scan3A_246 : i32 to index
        %swap3A_398 = arith.constant 0 : index
        %swap3A_399 = tpu.vector_load %arg10[%swap3A_397, %swap3A_398] {strides = array<i32>} : memref<128x128xf32, #tpu.memory_space<vmem>>, vector<16xf32>,
        tpu.vector_store %arg10[%swap3A_397, %swap3A_398], %exp3A_380 {strides = array<i32>} : memref<128x128xf32, #tpu.memory_space<vmem>>, vector<16xf32>,
        %swap3A_400 = arith.index_cast %scan3A_246 : i32 to index
        %swap3A_401 = arith.constant 16 : index
        %swap3A_402 = tpu.vector_load %arg10[%swap3A_400, %swap3A_401] {strides = array<i32>} : memref<128x128xf32, #tpu.memory_space<vmem>>, vector<16xf32>,
        tpu.vector_store %arg10[%swap3A_400, %swap3A_401], %exp3A_380 {strides = array<i32>} : memref<128x128xf32, #tpu.memory_space<vmem>>, vector<16xf32>,
        %swap3A_403 = arith.index_cast %scan3A_246 : i32 to index
        %swap3A_404 = arith.constant 32 : index
        %swap3A_405 = tpu.vector_load %arg10[%swap3A_403, %swap3A_404] {strides = array<i32>} : memref<128x128xf32, #tpu.memory_space<vmem>>, vector<16xf32>,
        tpu.vector_store %arg10[%swap3A_403, %swap3A_404], %exp3A_380 {strides = array<i32>} : memref<128x128xf32, #tpu.memory_space<vmem>>, vector<16xf32>,
        %swap3A_406 = arith.index_cast %scan3A_246 : i32 to index
        %swap3A_407 = arith.constant 48 : index
        %swap3A_408 = tpu.vector_load %arg10[%swap3A_406, %swap3A_407] {strides = array<i32>} : memref<128x128xf32, #tpu.memory_space<vmem>>, vector<16xf32>,
        tpu.vector_store %arg10[%swap3A_406, %swap3A_407], %exp3A_380 {strides = array<i32>} : memref<128x128xf32, #tpu.memory_space<vmem>>, vector<16xf32>,
        %swap3A_409 = arith.index_cast %scan3A_246 : i32 to index
        %swap3A_410 = arith.constant 64 : index
        %swap3A_411 = tpu.vector_load %arg10[%swap3A_409, %swap3A_410] {strides = array<i32>} : memref<128x128xf32, #tpu.memory_space<vmem>>, vector<16xf32>,
        tpu.vector_store %arg10[%swap3A_409, %swap3A_410], %exp3A_396 {strides = array<i32>} : memref<128x128xf32, #tpu.memory_space<vmem>>, vector<16xf32>,
        %swap3A_412 = arith.index_cast %scan3A_246 : i32 to index
        %swap3A_413 = arith.constant 80 : index
        %swap3A_414 = tpu.vector_load %arg10[%swap3A_412, %swap3A_413] {strides = array<i32>} : memref<128x128xf32, #tpu.memory_space<vmem>>, vector<16xf32>,
        tpu.vector_store %arg10[%swap3A_412, %swap3A_413], %exp3A_396 {strides = array<i32>} : memref<128x128xf32, #tpu.memory_space<vmem>>, vector<16xf32>,
        %swap3A_415 = arith.index_cast %scan3A_246 : i32 to index
        %swap3A_416 = arith.constant 96 : index
        %swap3A_417 = tpu.vector_load %arg10[%swap3A_415, %swap3A_416] {strides = array<i32>} : memref<128x128xf32, #tpu.memory_space<vmem>>, vector<16xf32>,
        tpu.vector_store %arg10[%swap3A_415, %swap3A_416], %exp3A_396 {strides = array<i32>} : memref<128x128xf32, #tpu.memory_space<vmem>>, vector<16xf32>,
        %swap3A_418 = arith.index_cast %scan3A_246 : i32 to index
        %swap3A_419 = arith.constant 112 : index
        %swap3A_420 = tpu.vector_load %arg10[%swap3A_418, %swap3A_419] {strides = array<i32>} : memref<128x128xf32, #tpu.memory_space<vmem>>, vector<16xf32>,
        tpu.vector_store %arg10[%swap3A_418, %swap3A_419], %exp3A_396 {strides = array<i32>} : memref<128x128xf32, #tpu.memory_space<vmem>>, vector<16xf32>,
      }
      %scan3A_78 = arith.constant 128 : i32
      "tpu.region"() ({
        %run_scoped3A = tpu.sem_alloc : memref<!tpu.dma_semaphore, #tpu.memory_space<semaphore_mem>>
        %dma_start3A_79 = arith.constant 0 : i32
        %dma_start3A_80 = arith.constant 0 : i32
        %dma_start3A_81 = tpu.memref_slice %arg13[%dma_start3A_79, %dma_start3A_80] : memref<10240x128xf32, #tpu.memory_space<vmem_shared>> -> memref<10240x128xf32, #tpu.memory_space<vmem_shared>>
        tpu.enqueue_indirect_dma source(%arg10 : memref<128x128xf32, #tpu.memory_space<vmem>>) target(%dma_start3A_81 : memref<10240x128xf32, #tpu.memory_space<vmem_shared>>) offsets(%arg8 : memref<128xi32, #tpu.memory_space<vmem>>) semaphore(%run_scoped3A : memref<!tpu.dma_semaphore, #tpu.memory_space<semaphore_mem>>) {add = true}
        %dma_wait3A_82 = arith.constant 0 : i32
        %dma_wait3A_83 = arith.constant 0 : i32
        %dma_wait3A_84 = tpu.memref_slice %arg13[%dma_wait3A_82, %dma_wait3A_83] : memref<10240x128xf32, #tpu.memory_space<vmem_shared>> -> memref<10240x128xf32, #tpu.memory_space<vmem_shared>>
        tpu.wait_indirect_dma semaphore(%run_scoped3A : memref<!tpu.dma_semaphore, #tpu.memory_space<semaphore_mem>>) src(%arg10 : memref<128x128xf32, #tpu.memory_space<vmem>>) dst(%dma_wait3A_84 : memref<10240x128xf32, #tpu.memory_space<vmem_shared>>)
        tpu.yield
      }) : () -> ()
    }
    %scan3A_35 = arith.constant 81 : i32
    %barrier3A_36 = arith.constant 0 : index
    tpu.barrier barrier_id(%barrier3A_36)
    %mul3A_37 = arith.constant 640 : i32
    %mul3A_38 = arith.muli %arg1, %mul3A_37 : i32
    %mul3A_39 = arith.constant 640 : i32
    %mul3A_40 = arith.muli %arg1, %mul3A_39 : i32
    "tpu.region"() ({
      %run_scoped3A = tpu.sem_alloc : memref<!tpu.dma_semaphore, #tpu.memory_space<semaphore_mem>>
      %dma_start3A_41 = arith.constant 0 : i32
      %dma_start3A_42 = tpu.memref_slice %arg6[%arg0, %mul3A_40, %dma_start3A_41] : memref<2x10240x128xf32, #tpu.memory_space<hbm>> -> memref<1x640x128xf32, #tpu.memory_space<hbm>>
      %dma_start3A_43 = tpu.memref_squeeze %dma_start3A_42 : memref<1x640x128xf32, #tpu.memory_space<hbm>> -> memref<640x128xf32, #tpu.memory_space<hbm>>
      %dma_start3A_44 = arith.constant 0 : i32
      %dma_start3A_45 = tpu.memref_slice %arg13[%mul3A_38, %dma_start3A_44] : memref<10240x128xf32, #tpu.memory_space<vmem_shared>> -> memref<640x128xf32, #tpu.memory_space<vmem_shared>>
      tpu.enqueue_dma source(%dma_start3A_45 : memref<640x128xf32, #tpu.memory_space<vmem_shared>>) target(%dma_start3A_43 : memref<640x128xf32, #tpu.memory_space<hbm>>) target_semaphore(%run_scoped3A : memref<!tpu.dma_semaphore, #tpu.memory_space<semaphore_mem>>)
      %dma_wait3A_46 = arith.constant 0 : i32
      %dma_wait3A_47 = tpu.memref_slice %arg6[%arg0, %mul3A_40, %dma_wait3A_46] : memref<2x10240x128xf32, #tpu.memory_space<hbm>> -> memref<1x640x128xf32, #tpu.memory_space<hbm>>
      %dma_wait3A_48 = tpu.memref_squeeze %dma_wait3A_47 : memref<1x640x128xf32, #tpu.memory_space<hbm>> -> memref<640x128xf32, #tpu.memory_space<hbm>>
      %dma_wait3A_49 = arith.constant 0 : i32
      %dma_wait3A_50 = tpu.memref_slice %arg13[%mul3A_38, %dma_wait3A_49] : memref<10240x128xf32, #tpu.memory_space<vmem_shared>> -> memref<640x128xf32, #tpu.memory_space<vmem_shared>>
      tpu.wait_dma2 semaphore(%run_scoped3A : memref<!tpu.dma_semaphore, #tpu.memory_space<semaphore_mem>>) src(%dma_wait3A_50 : memref<640x128xf32, #tpu.memory_space<vmem_shared>>) dst(%dma_wait3A_48 : memref<640x128xf32, #tpu.memory_space<hbm>>)
      tpu.yield
    }) : () -> ()
    return
  }
}

#map = affine_map<(d0, d1) -> (0, 0)>
#map1 = affine_map<(d0, d1) -> (0)>
#map2 = affine_map<(d0, d1) -> (0, 0, 0)>
module attributes {stable_mosaic.version = 14 : i64} {
  func.func @edge1(%arg0: i32, %arg1: i32, %arg2: memref<20480x128xf32, #tpu.memory_space<hbm>>, %arg3: memref<331776xi32, #tpu.memory_space<hbm>>, %arg4: memref<331776xi32, #tpu.memory_space<hbm>>, %arg5: memref<128xf32, #tpu.memory_space<hbm>>, %arg6: memref<2x10240x128xf32, #tpu.memory_space<hbm>>, %arg7: memref<128xi32, #tpu.memory_space<vmem>>, %arg8: memref<128xi32, #tpu.memory_space<vmem>>, %arg9: memref<128xi32, #tpu.memory_space<vmem>>, %arg10: memref<128x128xf32, #tpu.memory_space<vmem>>, %arg11: memref<128x128xf32, #tpu.memory_space<vmem>>, %arg12: memref<128xf32, #tpu.memory_space<vmem>>, %arg13: memref<10240x128xf32, #tpu.memory_space<vmem_shared>>, %arg14: memref<!tpu.dma_semaphore, #tpu.memory_space<semaphore_mem>>, %arg15: memref<!tpu.dma_semaphore, #tpu.memory_space<semaphore_mem>>) attributes {dimension_semantics = [#tpu.dimension_semantics<core_parallel>, #tpu.dimension_semantics<subcore_parallel>], iteration_bounds = array<i64: 2, 16>, scalar_prefetch = 0 : i64, scratch_operands = 9 : i64, tpu.core_type = #tpu.core_type<sc_vector_subcore>, window_params = [{transform_indices = #map}, {transform_indices = #map1}, {transform_indices = #map1}, {transform_indices = #map1}, {transform_indices = #map2}]} {
    %mul3A = arith.constant 16 : i32
    %mul3A_0 = arith.muli %arg0, %mul3A : i32
    %add3A = arith.addi %mul3A_0, %arg1 : i32
    %scan3A = arith.constant 0 : i32
    %scan3A_1 = arith.constant 0 : i32
    %scan3A_2 = arith.constant 8 : i32
    %scan3A_3 = arith.addi %scan3A_1, %scan3A_2 : i32
    %scan3A_4 = arith.constant 1 : i32
    scf.for %scan3A_41 = %scan3A_1 to %scan3A_3 step %scan3A_4  : i32 {
      %broadcast_in_dim3A = arith.constant 10000 : i32
      %broadcast_in_dim3A_42 = vector.broadcast %broadcast_in_dim3A : i32 to vector<16xi32>
      %mul3A_43 = arith.constant 16 : i32
      %mul3A_44 = arith.muli %scan3A_41, %mul3A_43 : i32
      %swap3A = arith.index_cast %mul3A_44 : i32 to index
      %swap3A_45 = tpu.vector_load %arg7[%swap3A] {strides = array<i32>} : memref<128xi32, #tpu.memory_space<vmem>>, vector<16xi32>,
      tpu.vector_store %arg7[%swap3A], %broadcast_in_dim3A_42 {strides = array<i32>} : memref<128xi32, #tpu.memory_space<vmem>>, vector<16xi32>,
    }
    %scan3A_5 = arith.constant 8 : i32
    "tpu.region"() ({
      %run_scoped3A = tpu.sem_alloc : memref<!tpu.dma_semaphore, #tpu.memory_space<semaphore_mem>>
      tpu.enqueue_dma source(%arg5 : memref<128xf32, #tpu.memory_space<hbm>>) target(%arg12 : memref<128xf32, #tpu.memory_space<vmem>>) target_semaphore(%run_scoped3A : memref<!tpu.dma_semaphore, #tpu.memory_space<semaphore_mem>>)
      tpu.wait_dma2 semaphore(%run_scoped3A : memref<!tpu.dma_semaphore, #tpu.memory_space<semaphore_mem>>) src(%arg5 : memref<128xf32, #tpu.memory_space<hbm>>) dst(%arg12 : memref<128xf32, #tpu.memory_space<vmem>>)
      tpu.yield
    }) : () -> ()
    %dma_start3A = arith.constant 0 : i32
    %dma_start3A_6 = arith.constant 0 : i32
    %dma_start3A_7 = tpu.memref_slice %arg2[%dma_start3A, %dma_start3A_6] : memref<20480x128xf32, #tpu.memory_space<hbm>> -> memref<20480x128xf32, #tpu.memory_space<hbm>>
    tpu.enqueue_indirect_dma source(%dma_start3A_7 : memref<20480x128xf32, #tpu.memory_space<hbm>>) target(%arg10 : memref<128x128xf32, #tpu.memory_space<vmem>>) offsets(%arg7 : memref<128xi32, #tpu.memory_space<vmem>>) semaphore(%arg14 : memref<!tpu.dma_semaphore, #tpu.memory_space<semaphore_mem>>)
    %dma_wait3A = arith.constant 0 : i32
    %dma_wait3A_8 = arith.constant 0 : i32
    %dma_wait3A_9 = tpu.memref_slice %arg2[%dma_wait3A, %dma_wait3A_8] : memref<20480x128xf32, #tpu.memory_space<hbm>> -> memref<20480x128xf32, #tpu.memory_space<hbm>>
    tpu.wait_indirect_dma semaphore(%arg14 : memref<!tpu.dma_semaphore, #tpu.memory_space<semaphore_mem>>) src(%dma_wait3A_9 : memref<20480x128xf32, #tpu.memory_space<hbm>>) dst(%arg10 : memref<128x128xf32, #tpu.memory_space<vmem>>)
    %mul3A_10 = arith.constant 640 : i32
    %mul3A_11 = arith.muli %arg1, %mul3A_10 : i32
    %add3A_12 = arith.constant 0 : i32
    %add3A_13 = arith.addi %mul3A_11, %add3A_12 : i32
    "tpu.region"() ({
      %run_scoped3A = tpu.sem_alloc : memref<!tpu.dma_semaphore, #tpu.memory_space<semaphore_mem>>
      %dma_start3A_41 = arith.constant 0 : i32
      %dma_start3A_42 = tpu.memref_slice %arg13[%add3A_13, %dma_start3A_41] : memref<10240x128xf32, #tpu.memory_space<vmem_shared>> -> memref<128x128xf32, #tpu.memory_space<vmem_shared>>
      %dma_start3A_43 = arith.constant 0 : i32
      %dma_start3A_44 = tpu.memref_slice %arg13[%add3A_13, %dma_start3A_43] : memref<10240x128xf32, #tpu.memory_space<vmem_shared>> -> memref<128x128xf32, #tpu.memory_space<vmem_shared>>
      tpu.enqueue_dma source(%arg10 : memref<128x128xf32, #tpu.memory_space<vmem>>) target(%dma_start3A_44 : memref<128x128xf32, #tpu.memory_space<vmem_shared>>) target_semaphore(%run_scoped3A : memref<!tpu.dma_semaphore, #tpu.memory_space<semaphore_mem>>)
      %dma_wait3A_45 = arith.constant 0 : i32
      %dma_wait3A_46 = tpu.memref_slice %arg13[%add3A_13, %dma_wait3A_45] : memref<10240x128xf32, #tpu.memory_space<vmem_shared>> -> memref<128x128xf32, #tpu.memory_space<vmem_shared>>
      %dma_wait3A_47 = arith.constant 0 : i32
      %dma_wait3A_48 = tpu.memref_slice %arg13[%add3A_13, %dma_wait3A_47] : memref<10240x128xf32, #tpu.memory_space<vmem_shared>> -> memref<128x128xf32, #tpu.memory_space<vmem_shared>>
      tpu.wait_dma2 semaphore(%run_scoped3A : memref<!tpu.dma_semaphore, #tpu.memory_space<semaphore_mem>>) src(%arg10 : memref<128x128xf32, #tpu.memory_space<vmem>>) dst(%dma_wait3A_48 : memref<128x128xf32, #tpu.memory_space<vmem_shared>>)
      tpu.yield
    }) : () -> ()
    %mul3A_14 = arith.constant 640 : i32
    %mul3A_15 = arith.muli %arg1, %mul3A_14 : i32
    %add3A_16 = arith.constant 128 : i32
    %add3A_17 = arith.addi %mul3A_15, %add3A_16 : i32
    "tpu.region"() ({
      %run_scoped3A = tpu.sem_alloc : memref<!tpu.dma_semaphore, #tpu.memory_space<semaphore_mem>>
      %dma_start3A_41 = arith.constant 0 : i32
      %dma_start3A_42 = tpu.memref_slice %arg13[%add3A_17, %dma_start3A_41] : memref<10240x128xf32, #tpu.memory_space<vmem_shared>> -> memref<128x128xf32, #tpu.memory_space<vmem_shared>>
      %dma_start3A_43 = arith.constant 0 : i32
      %dma_start3A_44 = tpu.memref_slice %arg13[%add3A_17, %dma_start3A_43] : memref<10240x128xf32, #tpu.memory_space<vmem_shared>> -> memref<128x128xf32, #tpu.memory_space<vmem_shared>>
      tpu.enqueue_dma source(%arg10 : memref<128x128xf32, #tpu.memory_space<vmem>>) target(%dma_start3A_44 : memref<128x128xf32, #tpu.memory_space<vmem_shared>>) target_semaphore(%run_scoped3A : memref<!tpu.dma_semaphore, #tpu.memory_space<semaphore_mem>>)
      %dma_wait3A_45 = arith.constant 0 : i32
      %dma_wait3A_46 = tpu.memref_slice %arg13[%add3A_17, %dma_wait3A_45] : memref<10240x128xf32, #tpu.memory_space<vmem_shared>> -> memref<128x128xf32, #tpu.memory_space<vmem_shared>>
      %dma_wait3A_47 = arith.constant 0 : i32
      %dma_wait3A_48 = tpu.memref_slice %arg13[%add3A_17, %dma_wait3A_47] : memref<10240x128xf32, #tpu.memory_space<vmem_shared>> -> memref<128x128xf32, #tpu.memory_space<vmem_shared>>
      tpu.wait_dma2 semaphore(%run_scoped3A : memref<!tpu.dma_semaphore, #tpu.memory_space<semaphore_mem>>) src(%arg10 : memref<128x128xf32, #tpu.memory_space<vmem>>) dst(%dma_wait3A_48 : memref<128x128xf32, #tpu.memory_space<vmem_shared>>)
      tpu.yield
    }) : () -> ()
    %mul3A_18 = arith.constant 640 : i32
    %mul3A_19 = arith.muli %arg1, %mul3A_18 : i32
    %add3A_20 = arith.constant 256 : i32
    %add3A_21 = arith.addi %mul3A_19, %add3A_20 : i32
    "tpu.region"() ({
      %run_scoped3A = tpu.sem_alloc : memref<!tpu.dma_semaphore, #tpu.memory_space<semaphore_mem>>
      %dma_start3A_41 = arith.constant 0 : i32
      %dma_start3A_42 = tpu.memref_slice %arg13[%add3A_21, %dma_start3A_41] : memref<10240x128xf32, #tpu.memory_space<vmem_shared>> -> memref<128x128xf32, #tpu.memory_space<vmem_shared>>
      %dma_start3A_43 = arith.constant 0 : i32
      %dma_start3A_44 = tpu.memref_slice %arg13[%add3A_21, %dma_start3A_43] : memref<10240x128xf32, #tpu.memory_space<vmem_shared>> -> memref<128x128xf32, #tpu.memory_space<vmem_shared>>
      tpu.enqueue_dma source(%arg10 : memref<128x128xf32, #tpu.memory_space<vmem>>) target(%dma_start3A_44 : memref<128x128xf32, #tpu.memory_space<vmem_shared>>) target_semaphore(%run_scoped3A : memref<!tpu.dma_semaphore, #tpu.memory_space<semaphore_mem>>)
      %dma_wait3A_45 = arith.constant 0 : i32
      %dma_wait3A_46 = tpu.memref_slice %arg13[%add3A_21, %dma_wait3A_45] : memref<10240x128xf32, #tpu.memory_space<vmem_shared>> -> memref<128x128xf32, #tpu.memory_space<vmem_shared>>
      %dma_wait3A_47 = arith.constant 0 : i32
      %dma_wait3A_48 = tpu.memref_slice %arg13[%add3A_21, %dma_wait3A_47] : memref<10240x128xf32, #tpu.memory_space<vmem_shared>> -> memref<128x128xf32, #tpu.memory_space<vmem_shared>>
      tpu.wait_dma2 semaphore(%run_scoped3A : memref<!tpu.dma_semaphore, #tpu.memory_space<semaphore_mem>>) src(%arg10 : memref<128x128xf32, #tpu.memory_space<vmem>>) dst(%dma_wait3A_48 : memref<128x128xf32, #tpu.memory_space<vmem_shared>>)
      tpu.yield
    }) : () -> ()
    %mul3A_22 = arith.constant 640 : i32
    %mul3A_23 = arith.muli %arg1, %mul3A_22 : i32
    %add3A_24 = arith.constant 384 : i32
    %add3A_25 = arith.addi %mul3A_23, %add3A_24 : i32
    "tpu.region"() ({
      %run_scoped3A = tpu.sem_alloc : memref<!tpu.dma_semaphore, #tpu.memory_space<semaphore_mem>>
      %dma_start3A_41 = arith.constant 0 : i32
      %dma_start3A_42 = tpu.memref_slice %arg13[%add3A_25, %dma_start3A_41] : memref<10240x128xf32, #tpu.memory_space<vmem_shared>> -> memref<128x128xf32, #tpu.memory_space<vmem_shared>>
      %dma_start3A_43 = arith.constant 0 : i32
      %dma_start3A_44 = tpu.memref_slice %arg13[%add3A_25, %dma_start3A_43] : memref<10240x128xf32, #tpu.memory_space<vmem_shared>> -> memref<128x128xf32, #tpu.memory_space<vmem_shared>>
      tpu.enqueue_dma source(%arg10 : memref<128x128xf32, #tpu.memory_space<vmem>>) target(%dma_start3A_44 : memref<128x128xf32, #tpu.memory_space<vmem_shared>>) target_semaphore(%run_scoped3A : memref<!tpu.dma_semaphore, #tpu.memory_space<semaphore_mem>>)
      %dma_wait3A_45 = arith.constant 0 : i32
      %dma_wait3A_46 = tpu.memref_slice %arg13[%add3A_25, %dma_wait3A_45] : memref<10240x128xf32, #tpu.memory_space<vmem_shared>> -> memref<128x128xf32, #tpu.memory_space<vmem_shared>>
      %dma_wait3A_47 = arith.constant 0 : i32
      %dma_wait3A_48 = tpu.memref_slice %arg13[%add3A_25, %dma_wait3A_47] : memref<10240x128xf32, #tpu.memory_space<vmem_shared>> -> memref<128x128xf32, #tpu.memory_space<vmem_shared>>
      tpu.wait_dma2 semaphore(%run_scoped3A : memref<!tpu.dma_semaphore, #tpu.memory_space<semaphore_mem>>) src(%arg10 : memref<128x128xf32, #tpu.memory_space<vmem>>) dst(%dma_wait3A_48 : memref<128x128xf32, #tpu.memory_space<vmem_shared>>)
      tpu.yield
    }) : () -> ()
    %mul3A_26 = arith.constant 640 : i32
    %mul3A_27 = arith.muli %arg1, %mul3A_26 : i32
    %add3A_28 = arith.constant 512 : i32
    %add3A_29 = arith.addi %mul3A_27, %add3A_28 : i32
    "tpu.region"() ({
      %run_scoped3A = tpu.sem_alloc : memref<!tpu.dma_semaphore, #tpu.memory_space<semaphore_mem>>
      %dma_start3A_41 = arith.constant 0 : i32
      %dma_start3A_42 = tpu.memref_slice %arg13[%add3A_29, %dma_start3A_41] : memref<10240x128xf32, #tpu.memory_space<vmem_shared>> -> memref<128x128xf32, #tpu.memory_space<vmem_shared>>
      %dma_start3A_43 = arith.constant 0 : i32
      %dma_start3A_44 = tpu.memref_slice %arg13[%add3A_29, %dma_start3A_43] : memref<10240x128xf32, #tpu.memory_space<vmem_shared>> -> memref<128x128xf32, #tpu.memory_space<vmem_shared>>
      tpu.enqueue_dma source(%arg10 : memref<128x128xf32, #tpu.memory_space<vmem>>) target(%dma_start3A_44 : memref<128x128xf32, #tpu.memory_space<vmem_shared>>) target_semaphore(%run_scoped3A : memref<!tpu.dma_semaphore, #tpu.memory_space<semaphore_mem>>)
      %dma_wait3A_45 = arith.constant 0 : i32
      %dma_wait3A_46 = tpu.memref_slice %arg13[%add3A_29, %dma_wait3A_45] : memref<10240x128xf32, #tpu.memory_space<vmem_shared>> -> memref<128x128xf32, #tpu.memory_space<vmem_shared>>
      %dma_wait3A_47 = arith.constant 0 : i32
      %dma_wait3A_48 = tpu.memref_slice %arg13[%add3A_29, %dma_wait3A_47] : memref<10240x128xf32, #tpu.memory_space<vmem_shared>> -> memref<128x128xf32, #tpu.memory_space<vmem_shared>>
      tpu.wait_dma2 semaphore(%run_scoped3A : memref<!tpu.dma_semaphore, #tpu.memory_space<semaphore_mem>>) src(%arg10 : memref<128x128xf32, #tpu.memory_space<vmem>>) dst(%dma_wait3A_48 : memref<128x128xf32, #tpu.memory_space<vmem_shared>>)
      tpu.yield
    }) : () -> ()
    %barrier3A = arith.constant 0 : index
    tpu.barrier barrier_id(%barrier3A)
    %scan3A_30 = arith.constant 0 : i32
    %scan3A_31 = arith.constant 0 : i32
    %scan3A_32 = arith.constant 81 : i32
    %scan3A_33 = arith.addi %scan3A_31, %scan3A_32 : i32
    %scan3A_34 = arith.constant 1 : i32
    scf.for %scan3A_41 = %scan3A_31 to %scan3A_33 step %scan3A_34  : i32 {
      %mul3A_42 = arith.constant 10368 : i32
      %mul3A_43 = arith.muli %add3A, %mul3A_42 : i32
      %mul3A_44 = arith.constant 128 : i32
      %mul3A_45 = arith.muli %scan3A_41, %mul3A_44 : i32
      %add3A_46 = arith.addi %mul3A_43, %mul3A_45 : i32
      %dma_start3A_47 = tpu.memref_slice %arg3[%add3A_46] : memref<331776xi32, #tpu.memory_space<hbm>> -> memref<128xi32, #tpu.memory_space<hbm>>
      %dma_start3A_48 = tpu.memref_slice %arg3[%add3A_46] : memref<331776xi32, #tpu.memory_space<hbm>> -> memref<128xi32, #tpu.memory_space<hbm>>
      tpu.enqueue_dma source(%dma_start3A_48 : memref<128xi32, #tpu.memory_space<hbm>>) target(%arg7 : memref<128xi32, #tpu.memory_space<vmem>>) target_semaphore(%arg14 : memref<!tpu.dma_semaphore, #tpu.memory_space<semaphore_mem>>)
      %dma_start3A_49 = tpu.memref_slice %arg4[%add3A_46] : memref<331776xi32, #tpu.memory_space<hbm>> -> memref<128xi32, #tpu.memory_space<hbm>>
      %dma_start3A_50 = tpu.memref_slice %arg4[%add3A_46] : memref<331776xi32, #tpu.memory_space<hbm>> -> memref<128xi32, #tpu.memory_space<hbm>>
      tpu.enqueue_dma source(%dma_start3A_50 : memref<128xi32, #tpu.memory_space<hbm>>) target(%arg8 : memref<128xi32, #tpu.memory_space<vmem>>) target_semaphore(%arg15 : memref<!tpu.dma_semaphore, #tpu.memory_space<semaphore_mem>>)
      %dma_wait3A_51 = tpu.memref_slice %arg3[%add3A_46] : memref<331776xi32, #tpu.memory_space<hbm>> -> memref<128xi32, #tpu.memory_space<hbm>>
      %dma_wait3A_52 = tpu.memref_slice %arg3[%add3A_46] : memref<331776xi32, #tpu.memory_space<hbm>> -> memref<128xi32, #tpu.memory_space<hbm>>
      tpu.wait_dma2 semaphore(%arg14 : memref<!tpu.dma_semaphore, #tpu.memory_space<semaphore_mem>>) src(%dma_wait3A_52 : memref<128xi32, #tpu.memory_space<hbm>>) dst(%arg7 : memref<128xi32, #tpu.memory_space<vmem>>)
      %dma_wait3A_53 = tpu.memref_slice %arg4[%add3A_46] : memref<331776xi32, #tpu.memory_space<hbm>> -> memref<128xi32, #tpu.memory_space<hbm>>
      %dma_wait3A_54 = tpu.memref_slice %arg4[%add3A_46] : memref<331776xi32, #tpu.memory_space<hbm>> -> memref<128xi32, #tpu.memory_space<hbm>>
      tpu.wait_dma2 semaphore(%arg15 : memref<!tpu.dma_semaphore, #tpu.memory_space<semaphore_mem>>) src(%dma_wait3A_54 : memref<128xi32, #tpu.memory_space<hbm>>) dst(%arg8 : memref<128xi32, #tpu.memory_space<vmem>>)
      %scan3A_55 = arith.constant 0 : i32
      %scan3A_56 = arith.constant 0 : i32
      %scan3A_57 = arith.constant 8 : i32
      %scan3A_58 = arith.addi %scan3A_56, %scan3A_57 : i32
      %scan3A_59 = arith.constant 1 : i32
      scf.for %scan3A_79 = %scan3A_56 to %scan3A_58 step %scan3A_59  : i32 {
        %mul3A_80 = arith.constant 16 : i32
        %mul3A_81 = arith.muli %scan3A_79, %mul3A_80 : i32
        %get3A = arith.index_cast %mul3A_81 : i32 to index
        %get3A_82 = tpu.vector_load %arg8[%get3A] {strides = array<i32>} : memref<128xi32, #tpu.memory_space<vmem>>, vector<16xi32>,
        %add3A_83 = arith.constant 10240 : i32
        %add3A_84 = vector.broadcast %add3A_83 : i32 to vector<16xi32>
        %add3A_85 = arith.addi %get3A_82, %add3A_84 : vector<16xi32>
        %mul3A_86 = arith.constant 16 : i32
        %mul3A_87 = arith.muli %scan3A_79, %mul3A_86 : i32
        %swap3A = arith.index_cast %mul3A_87 : i32 to index
        %swap3A_88 = tpu.vector_load %arg9[%swap3A] {strides = array<i32>} : memref<128xi32, #tpu.memory_space<vmem>>, vector<16xi32>,
        tpu.vector_store %arg9[%swap3A], %add3A_85 {strides = array<i32>} : memref<128xi32, #tpu.memory_space<vmem>>, vector<16xi32>,
      }
      %scan3A_60 = arith.constant 8 : i32
      %dma_start3A_61 = arith.constant 0 : i32
      %dma_start3A_62 = arith.constant 0 : i32
      %dma_start3A_63 = tpu.memref_slice %arg2[%dma_start3A_61, %dma_start3A_62] : memref<20480x128xf32, #tpu.memory_space<hbm>> -> memref<20480x128xf32, #tpu.memory_space<hbm>>
      tpu.enqueue_indirect_dma source(%dma_start3A_63 : memref<20480x128xf32, #tpu.memory_space<hbm>>) target(%arg10 : memref<128x128xf32, #tpu.memory_space<vmem>>) offsets(%arg7 : memref<128xi32, #tpu.memory_space<vmem>>) semaphore(%arg14 : memref<!tpu.dma_semaphore, #tpu.memory_space<semaphore_mem>>)
      %dma_start3A_64 = arith.constant 0 : i32
      %dma_start3A_65 = arith.constant 0 : i32
      %dma_start3A_66 = tpu.memref_slice %arg2[%dma_start3A_64, %dma_start3A_65] : memref<20480x128xf32, #tpu.memory_space<hbm>> -> memref<20480x128xf32, #tpu.memory_space<hbm>>
      tpu.enqueue_indirect_dma source(%dma_start3A_66 : memref<20480x128xf32, #tpu.memory_space<hbm>>) target(%arg11 : memref<128x128xf32, #tpu.memory_space<vmem>>) offsets(%arg9 : memref<128xi32, #tpu.memory_space<vmem>>) semaphore(%arg15 : memref<!tpu.dma_semaphore, #tpu.memory_space<semaphore_mem>>)
      %dma_wait3A_67 = arith.constant 0 : i32
      %dma_wait3A_68 = arith.constant 0 : i32
      %dma_wait3A_69 = tpu.memref_slice %arg2[%dma_wait3A_67, %dma_wait3A_68] : memref<20480x128xf32, #tpu.memory_space<hbm>> -> memref<20480x128xf32, #tpu.memory_space<hbm>>
      tpu.wait_indirect_dma semaphore(%arg14 : memref<!tpu.dma_semaphore, #tpu.memory_space<semaphore_mem>>) src(%dma_wait3A_69 : memref<20480x128xf32, #tpu.memory_space<hbm>>) dst(%arg10 : memref<128x128xf32, #tpu.memory_space<vmem>>)
      %dma_wait3A_70 = arith.constant 0 : i32
      %dma_wait3A_71 = arith.constant 0 : i32
      %dma_wait3A_72 = tpu.memref_slice %arg2[%dma_wait3A_70, %dma_wait3A_71] : memref<20480x128xf32, #tpu.memory_space<hbm>> -> memref<20480x128xf32, #tpu.memory_space<hbm>>
      tpu.wait_indirect_dma semaphore(%arg15 : memref<!tpu.dma_semaphore, #tpu.memory_space<semaphore_mem>>) src(%dma_wait3A_72 : memref<20480x128xf32, #tpu.memory_space<hbm>>) dst(%arg11 : memref<128x128xf32, #tpu.memory_space<vmem>>)
      %scan3A_73 = arith.constant 0 : i32
      %scan3A_74 = arith.constant 0 : i32
      %scan3A_75 = arith.constant 128 : i32
      %scan3A_76 = arith.addi %scan3A_74, %scan3A_75 : i32
      %scan3A_77 = arith.constant 2 : i32
      scf.for %scan3A_79 = %scan3A_74 to %scan3A_76 step %scan3A_77  : i32 {
        %get3A = arith.index_cast %scan3A_79 : i32 to index
        %get3A_80 = arith.constant 0 : index
        %get3A_81 = tpu.vector_load %arg10[%get3A, %get3A_80] {strides = array<i32>} : memref<128x128xf32, #tpu.memory_space<vmem>>, vector<16xf32>,
        %get3A_82 = arith.index_cast %scan3A_79 : i32 to index
        %get3A_83 = arith.constant 16 : index
        %get3A_84 = tpu.vector_load %arg10[%get3A_82, %get3A_83] {strides = array<i32>} : memref<128x128xf32, #tpu.memory_space<vmem>>, vector<16xf32>,
        %get3A_85 = arith.index_cast %scan3A_79 : i32 to index
        %get3A_86 = arith.constant 32 : index
        %get3A_87 = tpu.vector_load %arg10[%get3A_85, %get3A_86] {strides = array<i32>} : memref<128x128xf32, #tpu.memory_space<vmem>>, vector<16xf32>,
        %get3A_88 = arith.index_cast %scan3A_79 : i32 to index
        %get3A_89 = arith.constant 48 : index
        %get3A_90 = tpu.vector_load %arg10[%get3A_88, %get3A_89] {strides = array<i32>} : memref<128x128xf32, #tpu.memory_space<vmem>>, vector<16xf32>,
        %get3A_91 = arith.index_cast %scan3A_79 : i32 to index
        %get3A_92 = arith.constant 64 : index
        %get3A_93 = tpu.vector_load %arg10[%get3A_91, %get3A_92] {strides = array<i32>} : memref<128x128xf32, #tpu.memory_space<vmem>>, vector<16xf32>,
        %get3A_94 = arith.index_cast %scan3A_79 : i32 to index
        %get3A_95 = arith.constant 80 : index
        %get3A_96 = tpu.vector_load %arg10[%get3A_94, %get3A_95] {strides = array<i32>} : memref<128x128xf32, #tpu.memory_space<vmem>>, vector<16xf32>,
        %get3A_97 = arith.index_cast %scan3A_79 : i32 to index
        %get3A_98 = arith.constant 96 : index
        %get3A_99 = tpu.vector_load %arg10[%get3A_97, %get3A_98] {strides = array<i32>} : memref<128x128xf32, #tpu.memory_space<vmem>>, vector<16xf32>,
        %get3A_100 = arith.index_cast %scan3A_79 : i32 to index
        %get3A_101 = arith.constant 112 : index
        %get3A_102 = tpu.vector_load %arg10[%get3A_100, %get3A_101] {strides = array<i32>} : memref<128x128xf32, #tpu.memory_space<vmem>>, vector<16xf32>,
        %get3A_103 = arith.index_cast %scan3A_79 : i32 to index
        %get3A_104 = arith.constant 0 : index
        %get3A_105 = tpu.vector_load %arg11[%get3A_103, %get3A_104] {strides = array<i32>} : memref<128x128xf32, #tpu.memory_space<vmem>>, vector<16xf32>,
        %get3A_106 = arith.index_cast %scan3A_79 : i32 to index
        %get3A_107 = arith.constant 16 : index
        %get3A_108 = tpu.vector_load %arg11[%get3A_106, %get3A_107] {strides = array<i32>} : memref<128x128xf32, #tpu.memory_space<vmem>>, vector<16xf32>,
        %get3A_109 = arith.index_cast %scan3A_79 : i32 to index
        %get3A_110 = arith.constant 32 : index
        %get3A_111 = tpu.vector_load %arg11[%get3A_109, %get3A_110] {strides = array<i32>} : memref<128x128xf32, #tpu.memory_space<vmem>>, vector<16xf32>,
        %get3A_112 = arith.index_cast %scan3A_79 : i32 to index
        %get3A_113 = arith.constant 48 : index
        %get3A_114 = tpu.vector_load %arg11[%get3A_112, %get3A_113] {strides = array<i32>} : memref<128x128xf32, #tpu.memory_space<vmem>>, vector<16xf32>,
        %get3A_115 = arith.index_cast %scan3A_79 : i32 to index
        %get3A_116 = arith.constant 64 : index
        %get3A_117 = tpu.vector_load %arg11[%get3A_115, %get3A_116] {strides = array<i32>} : memref<128x128xf32, #tpu.memory_space<vmem>>, vector<16xf32>,
        %get3A_118 = arith.index_cast %scan3A_79 : i32 to index
        %get3A_119 = arith.constant 80 : index
        %get3A_120 = tpu.vector_load %arg11[%get3A_118, %get3A_119] {strides = array<i32>} : memref<128x128xf32, #tpu.memory_space<vmem>>, vector<16xf32>,
        %get3A_121 = arith.index_cast %scan3A_79 : i32 to index
        %get3A_122 = arith.constant 96 : index
        %get3A_123 = tpu.vector_load %arg11[%get3A_121, %get3A_122] {strides = array<i32>} : memref<128x128xf32, #tpu.memory_space<vmem>>, vector<16xf32>,
        %get3A_124 = arith.index_cast %scan3A_79 : i32 to index
        %get3A_125 = arith.constant 112 : index
        %get3A_126 = tpu.vector_load %arg11[%get3A_124, %get3A_125] {strides = array<i32>} : memref<128x128xf32, #tpu.memory_space<vmem>>, vector<16xf32>,
        %get3A_127 = arith.constant 0 : index
        %get3A_128 = tpu.vector_load %arg12[%get3A_127] {strides = array<i32>} : memref<128xf32, #tpu.memory_space<vmem>>, vector<16xf32>,
        %get3A_129 = arith.constant 16 : index
        %get3A_130 = tpu.vector_load %arg12[%get3A_129] {strides = array<i32>} : memref<128xf32, #tpu.memory_space<vmem>>, vector<16xf32>,
        %get3A_131 = arith.constant 32 : index
        %get3A_132 = tpu.vector_load %arg12[%get3A_131] {strides = array<i32>} : memref<128xf32, #tpu.memory_space<vmem>>, vector<16xf32>,
        %get3A_133 = arith.constant 48 : index
        %get3A_134 = tpu.vector_load %arg12[%get3A_133] {strides = array<i32>} : memref<128xf32, #tpu.memory_space<vmem>>, vector<16xf32>,
        %get3A_135 = arith.constant 64 : index
        %get3A_136 = tpu.vector_load %arg12[%get3A_135] {strides = array<i32>} : memref<128xf32, #tpu.memory_space<vmem>>, vector<16xf32>,
        %get3A_137 = arith.constant 80 : index
        %get3A_138 = tpu.vector_load %arg12[%get3A_137] {strides = array<i32>} : memref<128xf32, #tpu.memory_space<vmem>>, vector<16xf32>,
        %get3A_139 = arith.constant 96 : index
        %get3A_140 = tpu.vector_load %arg12[%get3A_139] {strides = array<i32>} : memref<128xf32, #tpu.memory_space<vmem>>, vector<16xf32>,
        %get3A_141 = arith.constant 112 : index
        %get3A_142 = tpu.vector_load %arg12[%get3A_141] {strides = array<i32>} : memref<128xf32, #tpu.memory_space<vmem>>, vector<16xf32>,
        %add3A_143 = arith.addf %get3A_81, %get3A_105 : vector<16xf32>
        %mul3A_144 = arith.constant 2.000000e-01 : f32
        %mul3A_145 = vector.broadcast %mul3A_144 : f32 to vector<16xf32>
        %mul3A_146 = arith.mulf %mul3A_145, %add3A_143 : vector<16xf32>
        %max3A = arith.maximumf %add3A_143, %mul3A_146 : vector<16xf32>
        %mul3A_147 = arith.mulf %max3A, %get3A_128 : vector<16xf32>
        %add3A_148 = arith.addf %get3A_84, %get3A_108 : vector<16xf32>
        %mul3A_149 = arith.constant 2.000000e-01 : f32
        %mul3A_150 = vector.broadcast %mul3A_149 : f32 to vector<16xf32>
        %mul3A_151 = arith.mulf %mul3A_150, %add3A_148 : vector<16xf32>
        %max3A_152 = arith.maximumf %add3A_148, %mul3A_151 : vector<16xf32>
        %mul3A_153 = arith.mulf %max3A_152, %get3A_130 : vector<16xf32>
        %add3A_154 = arith.addf %get3A_87, %get3A_111 : vector<16xf32>
        %mul3A_155 = arith.constant 2.000000e-01 : f32
        %mul3A_156 = vector.broadcast %mul3A_155 : f32 to vector<16xf32>
        %mul3A_157 = arith.mulf %mul3A_156, %add3A_154 : vector<16xf32>
        %max3A_158 = arith.maximumf %add3A_154, %mul3A_157 : vector<16xf32>
        %mul3A_159 = arith.mulf %max3A_158, %get3A_132 : vector<16xf32>
        %add3A_160 = arith.addf %get3A_90, %get3A_114 : vector<16xf32>
        %mul3A_161 = arith.constant 2.000000e-01 : f32
        %mul3A_162 = vector.broadcast %mul3A_161 : f32 to vector<16xf32>
        %mul3A_163 = arith.mulf %mul3A_162, %add3A_160 : vector<16xf32>
        %max3A_164 = arith.maximumf %add3A_160, %mul3A_163 : vector<16xf32>
        %mul3A_165 = arith.mulf %max3A_164, %get3A_134 : vector<16xf32>
        %add3A_166 = arith.addf %get3A_93, %get3A_117 : vector<16xf32>
        %mul3A_167 = arith.constant 2.000000e-01 : f32
        %mul3A_168 = vector.broadcast %mul3A_167 : f32 to vector<16xf32>
        %mul3A_169 = arith.mulf %mul3A_168, %add3A_166 : vector<16xf32>
        %max3A_170 = arith.maximumf %add3A_166, %mul3A_169 : vector<16xf32>
        %mul3A_171 = arith.mulf %max3A_170, %get3A_136 : vector<16xf32>
        %add3A_172 = arith.addf %get3A_96, %get3A_120 : vector<16xf32>
        %mul3A_173 = arith.constant 2.000000e-01 : f32
        %mul3A_174 = vector.broadcast %mul3A_173 : f32 to vector<16xf32>
        %mul3A_175 = arith.mulf %mul3A_174, %add3A_172 : vector<16xf32>
        %max3A_176 = arith.maximumf %add3A_172, %mul3A_175 : vector<16xf32>
        %mul3A_177 = arith.mulf %max3A_176, %get3A_138 : vector<16xf32>
        %add3A_178 = arith.addf %get3A_99, %get3A_123 : vector<16xf32>
        %mul3A_179 = arith.constant 2.000000e-01 : f32
        %mul3A_180 = vector.broadcast %mul3A_179 : f32 to vector<16xf32>
        %mul3A_181 = arith.mulf %mul3A_180, %add3A_178 : vector<16xf32>
        %max3A_182 = arith.maximumf %add3A_178, %mul3A_181 : vector<16xf32>
        %mul3A_183 = arith.mulf %max3A_182, %get3A_140 : vector<16xf32>
        %add3A_184 = arith.addf %get3A_102, %get3A_126 : vector<16xf32>
        %mul3A_185 = arith.constant 2.000000e-01 : f32
        %mul3A_186 = vector.broadcast %mul3A_185 : f32 to vector<16xf32>
        %mul3A_187 = arith.mulf %mul3A_186, %add3A_184 : vector<16xf32>
        %max3A_188 = arith.maximumf %add3A_184, %mul3A_187 : vector<16xf32>
        %mul3A_189 = arith.mulf %max3A_188, %get3A_142 : vector<16xf32>
        %add3A_190 = arith.addf %mul3A_147, %mul3A_153 : vector<16xf32>
        %add3A_191 = arith.addf %mul3A_159, %mul3A_165 : vector<16xf32>
        %add3A_192 = arith.addf %add3A_190, %add3A_191 : vector<16xf32>
        %add3A_193 = arith.addf %mul3A_171, %mul3A_177 : vector<16xf32>
        %add3A_194 = arith.addf %mul3A_183, %mul3A_189 : vector<16xf32>
        %add3A_195 = arith.addf %add3A_193, %add3A_194 : vector<16xf32>
        %broadcast_in_dim3A = arith.constant true
        %broadcast_in_dim3A_196 = vector.broadcast %broadcast_in_dim3A : i1 to vector<16xi1>
        %masked_cumsum3A = tpu.scan <sum>, %add3A_192 masked %broadcast_in_dim3A_196 : vector<16xf32>, vector<16xi1> -> vector<16xf32>
        %broadcast_in_dim3A_197 = arith.constant 15 : i32
        %broadcast_in_dim3A_198 = vector.broadcast %broadcast_in_dim3A_197 : i32 to vector<16xi32>
        %lt3A = arith.constant 0 : i32
        %lt3A_199 = vector.broadcast %lt3A : i32 to vector<16xi32>
        %lt3A_200 = arith.cmpi slt, %broadcast_in_dim3A_198, %lt3A_199 : vector<16xi32>
        %add3A_201 = arith.constant 16 : i32
        %add3A_202 = vector.broadcast %add3A_201 : i32 to vector<16xi32>
        %add3A_203 = arith.addi %broadcast_in_dim3A_198, %add3A_202 : vector<16xi32>
        %select_n3A = arith.select %lt3A_200, %add3A_203, %broadcast_in_dim3A_198 : vector<16xi1>, vector<16xi32>
        %broadcast_in_dim3A_204 = vector.shape_cast %select_n3A : vector<16xi32> to vector<16x1xi32>
        %gather3A = vector.shape_cast %broadcast_in_dim3A_204 : vector<16x1xi32> to vector<16xi32>
        %gather3A_205 = tpu.dynamic_gather %masked_cumsum3A[%gather3A] in [0] : vector<16xf32>, vector<16xi32> -> vector<16xf32>
        %exp3A = math.exp %gather3A_205 : vector<16xf32>
        %broadcast_in_dim3A_206 = arith.constant true
        %broadcast_in_dim3A_207 = vector.broadcast %broadcast_in_dim3A_206 : i1 to vector<16xi1>
        %masked_cumsum3A_208 = tpu.scan <sum>, %add3A_195 masked %broadcast_in_dim3A_207 : vector<16xf32>, vector<16xi1> -> vector<16xf32>
        %broadcast_in_dim3A_209 = arith.constant 15 : i32
        %broadcast_in_dim3A_210 = vector.broadcast %broadcast_in_dim3A_209 : i32 to vector<16xi32>
        %lt3A_211 = arith.constant 0 : i32
        %lt3A_212 = vector.broadcast %lt3A_211 : i32 to vector<16xi32>
        %lt3A_213 = arith.cmpi slt, %broadcast_in_dim3A_210, %lt3A_212 : vector<16xi32>
        %add3A_214 = arith.constant 16 : i32
        %add3A_215 = vector.broadcast %add3A_214 : i32 to vector<16xi32>
        %add3A_216 = arith.addi %broadcast_in_dim3A_210, %add3A_215 : vector<16xi32>
        %select_n3A_217 = arith.select %lt3A_213, %add3A_216, %broadcast_in_dim3A_210 : vector<16xi1>, vector<16xi32>
        %broadcast_in_dim3A_218 = vector.shape_cast %select_n3A_217 : vector<16xi32> to vector<16x1xi32>
        %gather3A_219 = vector.shape_cast %broadcast_in_dim3A_218 : vector<16x1xi32> to vector<16xi32>
        %gather3A_220 = tpu.dynamic_gather %masked_cumsum3A_208[%gather3A_219] in [0] : vector<16xf32>, vector<16xi32> -> vector<16xf32>
        %exp3A_221 = math.exp %gather3A_220 : vector<16xf32>
        %mul3A_222 = arith.mulf %exp3A, %get3A_81 : vector<16xf32>
        %swap3A = arith.index_cast %scan3A_79 : i32 to index
        %swap3A_223 = arith.constant 0 : index
        %swap3A_224 = tpu.vector_load %arg10[%swap3A, %swap3A_223] {strides = array<i32>} : memref<128x128xf32, #tpu.memory_space<vmem>>, vector<16xf32>,
        tpu.vector_store %arg10[%swap3A, %swap3A_223], %mul3A_222 {strides = array<i32>} : memref<128x128xf32, #tpu.memory_space<vmem>>, vector<16xf32>,
        %mul3A_225 = arith.mulf %exp3A, %get3A_84 : vector<16xf32>
        %swap3A_226 = arith.index_cast %scan3A_79 : i32 to index
        %swap3A_227 = arith.constant 16 : index
        %swap3A_228 = tpu.vector_load %arg10[%swap3A_226, %swap3A_227] {strides = array<i32>} : memref<128x128xf32, #tpu.memory_space<vmem>>, vector<16xf32>,
        tpu.vector_store %arg10[%swap3A_226, %swap3A_227], %mul3A_225 {strides = array<i32>} : memref<128x128xf32, #tpu.memory_space<vmem>>, vector<16xf32>,
        %mul3A_229 = arith.mulf %exp3A, %get3A_87 : vector<16xf32>
        %swap3A_230 = arith.index_cast %scan3A_79 : i32 to index
        %swap3A_231 = arith.constant 32 : index
        %swap3A_232 = tpu.vector_load %arg10[%swap3A_230, %swap3A_231] {strides = array<i32>} : memref<128x128xf32, #tpu.memory_space<vmem>>, vector<16xf32>,
        tpu.vector_store %arg10[%swap3A_230, %swap3A_231], %mul3A_229 {strides = array<i32>} : memref<128x128xf32, #tpu.memory_space<vmem>>, vector<16xf32>,
        %mul3A_233 = arith.mulf %exp3A, %get3A_90 : vector<16xf32>
        %swap3A_234 = arith.index_cast %scan3A_79 : i32 to index
        %swap3A_235 = arith.constant 48 : index
        %swap3A_236 = tpu.vector_load %arg10[%swap3A_234, %swap3A_235] {strides = array<i32>} : memref<128x128xf32, #tpu.memory_space<vmem>>, vector<16xf32>,
        tpu.vector_store %arg10[%swap3A_234, %swap3A_235], %mul3A_233 {strides = array<i32>} : memref<128x128xf32, #tpu.memory_space<vmem>>, vector<16xf32>,
        %mul3A_237 = arith.mulf %exp3A_221, %get3A_93 : vector<16xf32>
        %swap3A_238 = arith.index_cast %scan3A_79 : i32 to index
        %swap3A_239 = arith.constant 64 : index
        %swap3A_240 = tpu.vector_load %arg10[%swap3A_238, %swap3A_239] {strides = array<i32>} : memref<128x128xf32, #tpu.memory_space<vmem>>, vector<16xf32>,
        tpu.vector_store %arg10[%swap3A_238, %swap3A_239], %mul3A_237 {strides = array<i32>} : memref<128x128xf32, #tpu.memory_space<vmem>>, vector<16xf32>,
        %mul3A_241 = arith.mulf %exp3A_221, %get3A_96 : vector<16xf32>
        %swap3A_242 = arith.index_cast %scan3A_79 : i32 to index
        %swap3A_243 = arith.constant 80 : index
        %swap3A_244 = tpu.vector_load %arg10[%swap3A_242, %swap3A_243] {strides = array<i32>} : memref<128x128xf32, #tpu.memory_space<vmem>>, vector<16xf32>,
        tpu.vector_store %arg10[%swap3A_242, %swap3A_243], %mul3A_241 {strides = array<i32>} : memref<128x128xf32, #tpu.memory_space<vmem>>, vector<16xf32>,
        %mul3A_245 = arith.mulf %exp3A_221, %get3A_99 : vector<16xf32>
        %swap3A_246 = arith.index_cast %scan3A_79 : i32 to index
        %swap3A_247 = arith.constant 96 : index
        %swap3A_248 = tpu.vector_load %arg10[%swap3A_246, %swap3A_247] {strides = array<i32>} : memref<128x128xf32, #tpu.memory_space<vmem>>, vector<16xf32>,
        tpu.vector_store %arg10[%swap3A_246, %swap3A_247], %mul3A_245 {strides = array<i32>} : memref<128x128xf32, #tpu.memory_space<vmem>>, vector<16xf32>,
        %mul3A_249 = arith.mulf %exp3A_221, %get3A_102 : vector<16xf32>
        %swap3A_250 = arith.index_cast %scan3A_79 : i32 to index
        %swap3A_251 = arith.constant 112 : index
        %swap3A_252 = tpu.vector_load %arg10[%swap3A_250, %swap3A_251] {strides = array<i32>} : memref<128x128xf32, #tpu.memory_space<vmem>>, vector<16xf32>,
        tpu.vector_store %arg10[%swap3A_250, %swap3A_251], %mul3A_249 {strides = array<i32>} : memref<128x128xf32, #tpu.memory_space<vmem>>, vector<16xf32>,
        %scan3A_253 = arith.constant 1 : i32
        %scan3A_254 = arith.addi %scan3A_79, %scan3A_253 : i32
        %get3A_255 = arith.index_cast %scan3A_254 : i32 to index
        %get3A_256 = arith.constant 0 : index
        %get3A_257 = tpu.vector_load %arg10[%get3A_255, %get3A_256] {strides = array<i32>} : memref<128x128xf32, #tpu.memory_space<vmem>>, vector<16xf32>,
        %get3A_258 = arith.index_cast %scan3A_254 : i32 to index
        %get3A_259 = arith.constant 16 : index
        %get3A_260 = tpu.vector_load %arg10[%get3A_258, %get3A_259] {strides = array<i32>} : memref<128x128xf32, #tpu.memory_space<vmem>>, vector<16xf32>,
        %get3A_261 = arith.index_cast %scan3A_254 : i32 to index
        %get3A_262 = arith.constant 32 : index
        %get3A_263 = tpu.vector_load %arg10[%get3A_261, %get3A_262] {strides = array<i32>} : memref<128x128xf32, #tpu.memory_space<vmem>>, vector<16xf32>,
        %get3A_264 = arith.index_cast %scan3A_254 : i32 to index
        %get3A_265 = arith.constant 48 : index
        %get3A_266 = tpu.vector_load %arg10[%get3A_264, %get3A_265] {strides = array<i32>} : memref<128x128xf32, #tpu.memory_space<vmem>>, vector<16xf32>,
        %get3A_267 = arith.index_cast %scan3A_254 : i32 to index
        %get3A_268 = arith.constant 64 : index
        %get3A_269 = tpu.vector_load %arg10[%get3A_267, %get3A_268] {strides = array<i32>} : memref<128x128xf32, #tpu.memory_space<vmem>>, vector<16xf32>,
        %get3A_270 = arith.index_cast %scan3A_254 : i32 to index
        %get3A_271 = arith.constant 80 : index
        %get3A_272 = tpu.vector_load %arg10[%get3A_270, %get3A_271] {strides = array<i32>} : memref<128x128xf32, #tpu.memory_space<vmem>>, vector<16xf32>,
        %get3A_273 = arith.index_cast %scan3A_254 : i32 to index
        %get3A_274 = arith.constant 96 : index
        %get3A_275 = tpu.vector_load %arg10[%get3A_273, %get3A_274] {strides = array<i32>} : memref<128x128xf32, #tpu.memory_space<vmem>>, vector<16xf32>,
        %get3A_276 = arith.index_cast %scan3A_254 : i32 to index
        %get3A_277 = arith.constant 112 : index
        %get3A_278 = tpu.vector_load %arg10[%get3A_276, %get3A_277] {strides = array<i32>} : memref<128x128xf32, #tpu.memory_space<vmem>>, vector<16xf32>,
        %get3A_279 = arith.index_cast %scan3A_254 : i32 to index
        %get3A_280 = arith.constant 0 : index
        %get3A_281 = tpu.vector_load %arg11[%get3A_279, %get3A_280] {strides = array<i32>} : memref<128x128xf32, #tpu.memory_space<vmem>>, vector<16xf32>,
        %get3A_282 = arith.index_cast %scan3A_254 : i32 to index
        %get3A_283 = arith.constant 16 : index
        %get3A_284 = tpu.vector_load %arg11[%get3A_282, %get3A_283] {strides = array<i32>} : memref<128x128xf32, #tpu.memory_space<vmem>>, vector<16xf32>,
        %get3A_285 = arith.index_cast %scan3A_254 : i32 to index
        %get3A_286 = arith.constant 32 : index
        %get3A_287 = tpu.vector_load %arg11[%get3A_285, %get3A_286] {strides = array<i32>} : memref<128x128xf32, #tpu.memory_space<vmem>>, vector<16xf32>,
        %get3A_288 = arith.index_cast %scan3A_254 : i32 to index
        %get3A_289 = arith.constant 48 : index
        %get3A_290 = tpu.vector_load %arg11[%get3A_288, %get3A_289] {strides = array<i32>} : memref<128x128xf32, #tpu.memory_space<vmem>>, vector<16xf32>,
        %get3A_291 = arith.index_cast %scan3A_254 : i32 to index
        %get3A_292 = arith.constant 64 : index
        %get3A_293 = tpu.vector_load %arg11[%get3A_291, %get3A_292] {strides = array<i32>} : memref<128x128xf32, #tpu.memory_space<vmem>>, vector<16xf32>,
        %get3A_294 = arith.index_cast %scan3A_254 : i32 to index
        %get3A_295 = arith.constant 80 : index
        %get3A_296 = tpu.vector_load %arg11[%get3A_294, %get3A_295] {strides = array<i32>} : memref<128x128xf32, #tpu.memory_space<vmem>>, vector<16xf32>,
        %get3A_297 = arith.index_cast %scan3A_254 : i32 to index
        %get3A_298 = arith.constant 96 : index
        %get3A_299 = tpu.vector_load %arg11[%get3A_297, %get3A_298] {strides = array<i32>} : memref<128x128xf32, #tpu.memory_space<vmem>>, vector<16xf32>,
        %get3A_300 = arith.index_cast %scan3A_254 : i32 to index
        %get3A_301 = arith.constant 112 : index
        %get3A_302 = tpu.vector_load %arg11[%get3A_300, %get3A_301] {strides = array<i32>} : memref<128x128xf32, #tpu.memory_space<vmem>>, vector<16xf32>,
        %get3A_303 = arith.constant 0 : index
        %get3A_304 = tpu.vector_load %arg12[%get3A_303] {strides = array<i32>} : memref<128xf32, #tpu.memory_space<vmem>>, vector<16xf32>,
        %get3A_305 = arith.constant 16 : index
        %get3A_306 = tpu.vector_load %arg12[%get3A_305] {strides = array<i32>} : memref<128xf32, #tpu.memory_space<vmem>>, vector<16xf32>,
        %get3A_307 = arith.constant 32 : index
        %get3A_308 = tpu.vector_load %arg12[%get3A_307] {strides = array<i32>} : memref<128xf32, #tpu.memory_space<vmem>>, vector<16xf32>,
        %get3A_309 = arith.constant 48 : index
        %get3A_310 = tpu.vector_load %arg12[%get3A_309] {strides = array<i32>} : memref<128xf32, #tpu.memory_space<vmem>>, vector<16xf32>,
        %get3A_311 = arith.constant 64 : index
        %get3A_312 = tpu.vector_load %arg12[%get3A_311] {strides = array<i32>} : memref<128xf32, #tpu.memory_space<vmem>>, vector<16xf32>,
        %get3A_313 = arith.constant 80 : index
        %get3A_314 = tpu.vector_load %arg12[%get3A_313] {strides = array<i32>} : memref<128xf32, #tpu.memory_space<vmem>>, vector<16xf32>,
        %get3A_315 = arith.constant 96 : index
        %get3A_316 = tpu.vector_load %arg12[%get3A_315] {strides = array<i32>} : memref<128xf32, #tpu.memory_space<vmem>>, vector<16xf32>,
        %get3A_317 = arith.constant 112 : index
        %get3A_318 = tpu.vector_load %arg12[%get3A_317] {strides = array<i32>} : memref<128xf32, #tpu.memory_space<vmem>>, vector<16xf32>,
        %add3A_319 = arith.addf %get3A_257, %get3A_281 : vector<16xf32>
        %mul3A_320 = arith.constant 2.000000e-01 : f32
        %mul3A_321 = vector.broadcast %mul3A_320 : f32 to vector<16xf32>
        %mul3A_322 = arith.mulf %mul3A_321, %add3A_319 : vector<16xf32>
        %max3A_323 = arith.maximumf %add3A_319, %mul3A_322 : vector<16xf32>
        %mul3A_324 = arith.mulf %max3A_323, %get3A_304 : vector<16xf32>
        %add3A_325 = arith.addf %get3A_260, %get3A_284 : vector<16xf32>
        %mul3A_326 = arith.constant 2.000000e-01 : f32
        %mul3A_327 = vector.broadcast %mul3A_326 : f32 to vector<16xf32>
        %mul3A_328 = arith.mulf %mul3A_327, %add3A_325 : vector<16xf32>
        %max3A_329 = arith.maximumf %add3A_325, %mul3A_328 : vector<16xf32>
        %mul3A_330 = arith.mulf %max3A_329, %get3A_306 : vector<16xf32>
        %add3A_331 = arith.addf %get3A_263, %get3A_287 : vector<16xf32>
        %mul3A_332 = arith.constant 2.000000e-01 : f32
        %mul3A_333 = vector.broadcast %mul3A_332 : f32 to vector<16xf32>
        %mul3A_334 = arith.mulf %mul3A_333, %add3A_331 : vector<16xf32>
        %max3A_335 = arith.maximumf %add3A_331, %mul3A_334 : vector<16xf32>
        %mul3A_336 = arith.mulf %max3A_335, %get3A_308 : vector<16xf32>
        %add3A_337 = arith.addf %get3A_266, %get3A_290 : vector<16xf32>
        %mul3A_338 = arith.constant 2.000000e-01 : f32
        %mul3A_339 = vector.broadcast %mul3A_338 : f32 to vector<16xf32>
        %mul3A_340 = arith.mulf %mul3A_339, %add3A_337 : vector<16xf32>
        %max3A_341 = arith.maximumf %add3A_337, %mul3A_340 : vector<16xf32>
        %mul3A_342 = arith.mulf %max3A_341, %get3A_310 : vector<16xf32>
        %add3A_343 = arith.addf %get3A_269, %get3A_293 : vector<16xf32>
        %mul3A_344 = arith.constant 2.000000e-01 : f32
        %mul3A_345 = vector.broadcast %mul3A_344 : f32 to vector<16xf32>
        %mul3A_346 = arith.mulf %mul3A_345, %add3A_343 : vector<16xf32>
        %max3A_347 = arith.maximumf %add3A_343, %mul3A_346 : vector<16xf32>
        %mul3A_348 = arith.mulf %max3A_347, %get3A_312 : vector<16xf32>
        %add3A_349 = arith.addf %get3A_272, %get3A_296 : vector<16xf32>
        %mul3A_350 = arith.constant 2.000000e-01 : f32
        %mul3A_351 = vector.broadcast %mul3A_350 : f32 to vector<16xf32>
        %mul3A_352 = arith.mulf %mul3A_351, %add3A_349 : vector<16xf32>
        %max3A_353 = arith.maximumf %add3A_349, %mul3A_352 : vector<16xf32>
        %mul3A_354 = arith.mulf %max3A_353, %get3A_314 : vector<16xf32>
        %add3A_355 = arith.addf %get3A_275, %get3A_299 : vector<16xf32>
        %mul3A_356 = arith.constant 2.000000e-01 : f32
        %mul3A_357 = vector.broadcast %mul3A_356 : f32 to vector<16xf32>
        %mul3A_358 = arith.mulf %mul3A_357, %add3A_355 : vector<16xf32>
        %max3A_359 = arith.maximumf %add3A_355, %mul3A_358 : vector<16xf32>
        %mul3A_360 = arith.mulf %max3A_359, %get3A_316 : vector<16xf32>
        %add3A_361 = arith.addf %get3A_278, %get3A_302 : vector<16xf32>
        %mul3A_362 = arith.constant 2.000000e-01 : f32
        %mul3A_363 = vector.broadcast %mul3A_362 : f32 to vector<16xf32>
        %mul3A_364 = arith.mulf %mul3A_363, %add3A_361 : vector<16xf32>
        %max3A_365 = arith.maximumf %add3A_361, %mul3A_364 : vector<16xf32>
        %mul3A_366 = arith.mulf %max3A_365, %get3A_318 : vector<16xf32>
        %add3A_367 = arith.addf %mul3A_324, %mul3A_330 : vector<16xf32>
        %add3A_368 = arith.addf %mul3A_336, %mul3A_342 : vector<16xf32>
        %add3A_369 = arith.addf %add3A_367, %add3A_368 : vector<16xf32>
        %add3A_370 = arith.addf %mul3A_348, %mul3A_354 : vector<16xf32>
        %add3A_371 = arith.addf %mul3A_360, %mul3A_366 : vector<16xf32>
        %add3A_372 = arith.addf %add3A_370, %add3A_371 : vector<16xf32>
        %broadcast_in_dim3A_373 = arith.constant true
        %broadcast_in_dim3A_374 = vector.broadcast %broadcast_in_dim3A_373 : i1 to vector<16xi1>
        %masked_cumsum3A_375 = tpu.scan <sum>, %add3A_369 masked %broadcast_in_dim3A_374 : vector<16xf32>, vector<16xi1> -> vector<16xf32>
        %broadcast_in_dim3A_376 = arith.constant 15 : i32
        %broadcast_in_dim3A_377 = vector.broadcast %broadcast_in_dim3A_376 : i32 to vector<16xi32>
        %lt3A_378 = arith.constant 0 : i32
        %lt3A_379 = vector.broadcast %lt3A_378 : i32 to vector<16xi32>
        %lt3A_380 = arith.cmpi slt, %broadcast_in_dim3A_377, %lt3A_379 : vector<16xi32>
        %add3A_381 = arith.constant 16 : i32
        %add3A_382 = vector.broadcast %add3A_381 : i32 to vector<16xi32>
        %add3A_383 = arith.addi %broadcast_in_dim3A_377, %add3A_382 : vector<16xi32>
        %select_n3A_384 = arith.select %lt3A_380, %add3A_383, %broadcast_in_dim3A_377 : vector<16xi1>, vector<16xi32>
        %broadcast_in_dim3A_385 = vector.shape_cast %select_n3A_384 : vector<16xi32> to vector<16x1xi32>
        %gather3A_386 = vector.shape_cast %broadcast_in_dim3A_385 : vector<16x1xi32> to vector<16xi32>
        %gather3A_387 = tpu.dynamic_gather %masked_cumsum3A_375[%gather3A_386] in [0] : vector<16xf32>, vector<16xi32> -> vector<16xf32>
        %exp3A_388 = math.exp %gather3A_387 : vector<16xf32>
        %broadcast_in_dim3A_389 = arith.constant true
        %broadcast_in_dim3A_390 = vector.broadcast %broadcast_in_dim3A_389 : i1 to vector<16xi1>
        %masked_cumsum3A_391 = tpu.scan <sum>, %add3A_372 masked %broadcast_in_dim3A_390 : vector<16xf32>, vector<16xi1> -> vector<16xf32>
        %broadcast_in_dim3A_392 = arith.constant 15 : i32
        %broadcast_in_dim3A_393 = vector.broadcast %broadcast_in_dim3A_392 : i32 to vector<16xi32>
        %lt3A_394 = arith.constant 0 : i32
        %lt3A_395 = vector.broadcast %lt3A_394 : i32 to vector<16xi32>
        %lt3A_396 = arith.cmpi slt, %broadcast_in_dim3A_393, %lt3A_395 : vector<16xi32>
        %add3A_397 = arith.constant 16 : i32
        %add3A_398 = vector.broadcast %add3A_397 : i32 to vector<16xi32>
        %add3A_399 = arith.addi %broadcast_in_dim3A_393, %add3A_398 : vector<16xi32>
        %select_n3A_400 = arith.select %lt3A_396, %add3A_399, %broadcast_in_dim3A_393 : vector<16xi1>, vector<16xi32>
        %broadcast_in_dim3A_401 = vector.shape_cast %select_n3A_400 : vector<16xi32> to vector<16x1xi32>
        %gather3A_402 = vector.shape_cast %broadcast_in_dim3A_401 : vector<16x1xi32> to vector<16xi32>
        %gather3A_403 = tpu.dynamic_gather %masked_cumsum3A_391[%gather3A_402] in [0] : vector<16xf32>, vector<16xi32> -> vector<16xf32>
        %exp3A_404 = math.exp %gather3A_403 : vector<16xf32>
        %mul3A_405 = arith.mulf %exp3A_388, %get3A_257 : vector<16xf32>
        %swap3A_406 = arith.index_cast %scan3A_254 : i32 to index
        %swap3A_407 = arith.constant 0 : index
        %swap3A_408 = tpu.vector_load %arg10[%swap3A_406, %swap3A_407] {strides = array<i32>} : memref<128x128xf32, #tpu.memory_space<vmem>>, vector<16xf32>,
        tpu.vector_store %arg10[%swap3A_406, %swap3A_407], %mul3A_405 {strides = array<i32>} : memref<128x128xf32, #tpu.memory_space<vmem>>, vector<16xf32>,
        %mul3A_409 = arith.mulf %exp3A_388, %get3A_260 : vector<16xf32>
        %swap3A_410 = arith.index_cast %scan3A_254 : i32 to index
        %swap3A_411 = arith.constant 16 : index
        %swap3A_412 = tpu.vector_load %arg10[%swap3A_410, %swap3A_411] {strides = array<i32>} : memref<128x128xf32, #tpu.memory_space<vmem>>, vector<16xf32>,
        tpu.vector_store %arg10[%swap3A_410, %swap3A_411], %mul3A_409 {strides = array<i32>} : memref<128x128xf32, #tpu.memory_space<vmem>>, vector<16xf32>,
        %mul3A_413 = arith.mulf %exp3A_388, %get3A_263 : vector<16xf32>
        %swap3A_414 = arith.index_cast %scan3A_254 : i32 to index
        %swap3A_415 = arith.constant 32 : index
        %swap3A_416 = tpu.vector_load %arg10[%swap3A_414, %swap3A_415] {strides = array<i32>} : memref<128x128xf32, #tpu.memory_space<vmem>>, vector<16xf32>,
        tpu.vector_store %arg10[%swap3A_414, %swap3A_415], %mul3A_413 {strides = array<i32>} : memref<128x128xf32, #tpu.memory_space<vmem>>, vector<16xf32>,
        %mul3A_417 = arith.mulf %exp3A_388, %get3A_266 : vector<16xf32>
        %swap3A_418 = arith.index_cast %scan3A_254 : i32 to index
        %swap3A_419 = arith.constant 48 : index
        %swap3A_420 = tpu.vector_load %arg10[%swap3A_418, %swap3A_419] {strides = array<i32>} : memref<128x128xf32, #tpu.memory_space<vmem>>, vector<16xf32>,
        tpu.vector_store %arg10[%swap3A_418, %swap3A_419], %mul3A_417 {strides = array<i32>} : memref<128x128xf32, #tpu.memory_space<vmem>>, vector<16xf32>,
        %mul3A_421 = arith.mulf %exp3A_404, %get3A_269 : vector<16xf32>
        %swap3A_422 = arith.index_cast %scan3A_254 : i32 to index
        %swap3A_423 = arith.constant 64 : index
        %swap3A_424 = tpu.vector_load %arg10[%swap3A_422, %swap3A_423] {strides = array<i32>} : memref<128x128xf32, #tpu.memory_space<vmem>>, vector<16xf32>,
        tpu.vector_store %arg10[%swap3A_422, %swap3A_423], %mul3A_421 {strides = array<i32>} : memref<128x128xf32, #tpu.memory_space<vmem>>, vector<16xf32>,
        %mul3A_425 = arith.mulf %exp3A_404, %get3A_272 : vector<16xf32>
        %swap3A_426 = arith.index_cast %scan3A_254 : i32 to index
        %swap3A_427 = arith.constant 80 : index
        %swap3A_428 = tpu.vector_load %arg10[%swap3A_426, %swap3A_427] {strides = array<i32>} : memref<128x128xf32, #tpu.memory_space<vmem>>, vector<16xf32>,
        tpu.vector_store %arg10[%swap3A_426, %swap3A_427], %mul3A_425 {strides = array<i32>} : memref<128x128xf32, #tpu.memory_space<vmem>>, vector<16xf32>,
        %mul3A_429 = arith.mulf %exp3A_404, %get3A_275 : vector<16xf32>
        %swap3A_430 = arith.index_cast %scan3A_254 : i32 to index
        %swap3A_431 = arith.constant 96 : index
        %swap3A_432 = tpu.vector_load %arg10[%swap3A_430, %swap3A_431] {strides = array<i32>} : memref<128x128xf32, #tpu.memory_space<vmem>>, vector<16xf32>,
        tpu.vector_store %arg10[%swap3A_430, %swap3A_431], %mul3A_429 {strides = array<i32>} : memref<128x128xf32, #tpu.memory_space<vmem>>, vector<16xf32>,
        %mul3A_433 = arith.mulf %exp3A_404, %get3A_278 : vector<16xf32>
        %swap3A_434 = arith.index_cast %scan3A_254 : i32 to index
        %swap3A_435 = arith.constant 112 : index
        %swap3A_436 = tpu.vector_load %arg10[%swap3A_434, %swap3A_435] {strides = array<i32>} : memref<128x128xf32, #tpu.memory_space<vmem>>, vector<16xf32>,
        tpu.vector_store %arg10[%swap3A_434, %swap3A_435], %mul3A_433 {strides = array<i32>} : memref<128x128xf32, #tpu.memory_space<vmem>>, vector<16xf32>,
      }
      %scan3A_78 = arith.constant 128 : i32
      "tpu.region"() ({
        %run_scoped3A = tpu.sem_alloc : memref<!tpu.dma_semaphore, #tpu.memory_space<semaphore_mem>>
        %dma_start3A_79 = arith.constant 0 : i32
        %dma_start3A_80 = arith.constant 0 : i32
        %dma_start3A_81 = tpu.memref_slice %arg13[%dma_start3A_79, %dma_start3A_80] : memref<10240x128xf32, #tpu.memory_space<vmem_shared>> -> memref<10240x128xf32, #tpu.memory_space<vmem_shared>>
        tpu.enqueue_indirect_dma source(%arg10 : memref<128x128xf32, #tpu.memory_space<vmem>>) target(%dma_start3A_81 : memref<10240x128xf32, #tpu.memory_space<vmem_shared>>) offsets(%arg8 : memref<128xi32, #tpu.memory_space<vmem>>) semaphore(%run_scoped3A : memref<!tpu.dma_semaphore, #tpu.memory_space<semaphore_mem>>) {add = true}
        %dma_wait3A_82 = arith.constant 0 : i32
        %dma_wait3A_83 = arith.constant 0 : i32
        %dma_wait3A_84 = tpu.memref_slice %arg13[%dma_wait3A_82, %dma_wait3A_83] : memref<10240x128xf32, #tpu.memory_space<vmem_shared>> -> memref<10240x128xf32, #tpu.memory_space<vmem_shared>>
        tpu.wait_indirect_dma semaphore(%run_scoped3A : memref<!tpu.dma_semaphore, #tpu.memory_space<semaphore_mem>>) src(%arg10 : memref<128x128xf32, #tpu.memory_space<vmem>>) dst(%dma_wait3A_84 : memref<10240x128xf32, #tpu.memory_space<vmem_shared>>)
        tpu.yield
      }) : () -> ()
    }
    %scan3A_35 = arith.constant 81 : i32
    %barrier3A_36 = arith.constant 0 : index
    tpu.barrier barrier_id(%barrier3A_36)
    %mul3A_37 = arith.constant 640 : i32
    %mul3A_38 = arith.muli %arg1, %mul3A_37 : i32
    %mul3A_39 = arith.constant 640 : i32
    %mul3A_40 = arith.muli %arg1, %mul3A_39 : i32
    "tpu.region"() ({
      %run_scoped3A = tpu.sem_alloc : memref<!tpu.dma_semaphore, #tpu.memory_space<semaphore_mem>>
      %dma_start3A_41 = arith.constant 0 : i32
      %dma_start3A_42 = tpu.memref_slice %arg6[%arg0, %mul3A_40, %dma_start3A_41] : memref<2x10240x128xf32, #tpu.memory_space<hbm>> -> memref<1x640x128xf32, #tpu.memory_space<hbm>>
      %dma_start3A_43 = tpu.memref_squeeze %dma_start3A_42 : memref<1x640x128xf32, #tpu.memory_space<hbm>> -> memref<640x128xf32, #tpu.memory_space<hbm>>
      %dma_start3A_44 = arith.constant 0 : i32
      %dma_start3A_45 = tpu.memref_slice %arg13[%mul3A_38, %dma_start3A_44] : memref<10240x128xf32, #tpu.memory_space<vmem_shared>> -> memref<640x128xf32, #tpu.memory_space<vmem_shared>>
      tpu.enqueue_dma source(%dma_start3A_45 : memref<640x128xf32, #tpu.memory_space<vmem_shared>>) target(%dma_start3A_43 : memref<640x128xf32, #tpu.memory_space<hbm>>) target_semaphore(%run_scoped3A : memref<!tpu.dma_semaphore, #tpu.memory_space<semaphore_mem>>)
      %dma_wait3A_46 = arith.constant 0 : i32
      %dma_wait3A_47 = tpu.memref_slice %arg6[%arg0, %mul3A_40, %dma_wait3A_46] : memref<2x10240x128xf32, #tpu.memory_space<hbm>> -> memref<1x640x128xf32, #tpu.memory_space<hbm>>
      %dma_wait3A_48 = tpu.memref_squeeze %dma_wait3A_47 : memref<1x640x128xf32, #tpu.memory_space<hbm>> -> memref<640x128xf32, #tpu.memory_space<hbm>>
      %dma_wait3A_49 = arith.constant 0 : i32
      %dma_wait3A_50 = tpu.memref_slice %arg13[%mul3A_38, %dma_wait3A_49] : memref<10240x128xf32, #tpu.memory_space<vmem_shared>> -> memref<640x128xf32, #tpu.memory_space<vmem_shared>>
      tpu.wait_dma2 semaphore(%run_scoped3A : memref<!tpu.dma_semaphore, #tpu.memory_space<semaphore_mem>>) src(%dma_wait3A_50 : memref<640x128xf32, #tpu.memory_space<vmem_shared>>) dst(%dma_wait3A_48 : memref<640x128xf32, #tpu.memory_space<hbm>>)
      tpu.yield
    }) : () -> ()
    return
  }
}

module attributes {stable_mosaic.version = 14 : i64} {
  func.func @_proj1_body(%arg0: memref<10240x128xf32, #tpu.memory_space<vmem>>, %arg1: memref<128x128xf32, #tpu.memory_space<vmem>>, %arg2: memref<128xf32, #tpu.memory_space<vmem>>, %arg3: memref<128x128xf32, #tpu.memory_space<vmem>>, %arg4: memref<128xf32, #tpu.memory_space<vmem>>, %arg5: memref<20480x128xf32, #tpu.memory_space<vmem>>) attributes {dimension_semantics = [], scalar_prefetch = 0 : i64, scratch_operands = 0 : i64, tpu.core_type = #tpu.core_type<tc>} {
    %iota3A = tpu.iota {dimensions = array<i32: 0>} : vector<10240x1xi32>
    %lt3A = arith.constant 10000 : i32
    %lt3A_0 = vector.broadcast %lt3A : i32 to vector<10240x1xi32>
    %lt3A_1 = arith.cmpi slt, %iota3A, %lt3A_0 : vector<10240x1xi32>
    %get3A = arith.constant 0 : index
    %get3A_2 = arith.constant 0 : index
    %get3A_3 = vector.load %arg0[%get3A, %get3A_2] : memref<10240x128xf32, #tpu.memory_space<vmem>>, vector<10240x128xf32>
    %get3A_4 = arith.constant 0 : index
    %get3A_5 = arith.constant 0 : index
    %get3A_6 = vector.load %arg1[%get3A_4, %get3A_5] : memref<128x128xf32, #tpu.memory_space<vmem>>, vector<128x128xf32>
    %dot_general3A = arith.constant dense<0.000000e+00> : vector<10240x128xf32>
    %dot_general3A_7 = tpu.matmul %get3A_3, %get3A_6, %dot_general3A {dimension_numbers = #tpu.dot_dimension_numbers<[1], [0], [0], [1], [0, 0, 1, 1], [], []>, transpose_lhs_hint = false} : vector<10240x128xf32>, vector<128x128xf32>, vector<10240x128xf32> -> vector<10240x128xf32>
    %get3A_8 = arith.constant 0 : index
    %get3A_9 = vector.load %arg2[%get3A_8] : memref<128xf32, #tpu.memory_space<vmem>>, vector<128xf32>
    %broadcast_in_dim3A = vector.shape_cast %get3A_9 : vector<128xf32> to vector<1x128xf32>
    %add3A = vector.broadcast %broadcast_in_dim3A : vector<1x128xf32> to vector<10240x128xf32>
    %add3A_10 = arith.addf %dot_general3A_7, %add3A : vector<10240x128xf32>
    %get3A_11 = arith.constant 0 : index
    %get3A_12 = arith.constant 0 : index
    %get3A_13 = vector.load %arg3[%get3A_11, %get3A_12] : memref<128x128xf32, #tpu.memory_space<vmem>>, vector<128x128xf32>
    %dot_general3A_14 = arith.constant dense<0.000000e+00> : vector<10240x128xf32>
    %dot_general3A_15 = tpu.matmul %get3A_3, %get3A_13, %dot_general3A_14 {dimension_numbers = #tpu.dot_dimension_numbers<[1], [0], [0], [1], [0, 0, 1, 1], [], []>, transpose_lhs_hint = false} : vector<10240x128xf32>, vector<128x128xf32>, vector<10240x128xf32> -> vector<10240x128xf32>
    %get3A_16 = arith.constant 0 : index
    %get3A_17 = vector.load %arg4[%get3A_16] : memref<128xf32, #tpu.memory_space<vmem>>, vector<128xf32>
    %broadcast_in_dim3A_18 = vector.shape_cast %get3A_17 : vector<128xf32> to vector<1x128xf32>
    %add3A_19 = vector.broadcast %broadcast_in_dim3A_18 : vector<1x128xf32> to vector<10240x128xf32>
    %add3A_20 = arith.addf %dot_general3A_15, %add3A_19 : vector<10240x128xf32>
    %jit3A = arith.constant 0.000000e+00 : f32
    %broadcast_in_dim3A_21 = vector.shape_cast %lt3A_1 : vector<10240x1xi1> to vector<10240x1xi1>
    %broadcast_in_dim3A_22 = vector.broadcast %broadcast_in_dim3A_21 : vector<10240x1xi1> to vector<10240x128xi1>
    %broadcast_in_dim3A_23 = vector.broadcast %jit3A : f32 to vector<10240x128xf32>
    %select_n3A = arith.select %broadcast_in_dim3A_22, %add3A_10, %broadcast_in_dim3A_23 : vector<10240x128xi1>, vector<10240x128xf32>
    %swap3A = arith.constant 0 : index
    %swap3A_24 = arith.constant 0 : index
    %swap3A_25 = vector.load %arg5[%swap3A, %swap3A_24] : memref<20480x128xf32, #tpu.memory_space<vmem>>, vector<10240x128xf32>
    tpu.vector_store %arg5[%swap3A, %swap3A_24], %select_n3A {strides = array<i32>} : memref<20480x128xf32, #tpu.memory_space<vmem>>, vector<10240x128xf32>,
    %jit3A_26 = arith.constant 0.000000e+00 : f32
    %broadcast_in_dim3A_27 = vector.shape_cast %lt3A_1 : vector<10240x1xi1> to vector<10240x1xi1>
    %broadcast_in_dim3A_28 = vector.broadcast %broadcast_in_dim3A_27 : vector<10240x1xi1> to vector<10240x128xi1>
    %broadcast_in_dim3A_29 = vector.broadcast %jit3A_26 : f32 to vector<10240x128xf32>
    %select_n3A_30 = arith.select %broadcast_in_dim3A_28, %add3A_20, %broadcast_in_dim3A_29 : vector<10240x128xi1>, vector<10240x128xf32>
    %swap3A_31 = arith.constant 10240 : index
    %swap3A_32 = arith.constant 0 : index
    %swap3A_33 = vector.load %arg5[%swap3A_31, %swap3A_32] : memref<20480x128xf32, #tpu.memory_space<vmem>>, vector<10240x128xf32>
    tpu.vector_store %arg5[%swap3A_31, %swap3A_32], %select_n3A_30 {strides = array<i32>} : memref<20480x128xf32, #tpu.memory_space<vmem>>, vector<10240x128xf32>,
    return
  }
}

module attributes {stable_mosaic.version = 14 : i64} {
  func.func @_mid_body(%arg0: memref<2x10240x128xf32, #tpu.memory_space<vmem>>, %arg1: memref<2x10240x128xf32, #tpu.memory_space<vmem>>, %arg2: memref<128xf32, #tpu.memory_space<vmem>>, %arg3: memref<128x8xf32, #tpu.memory_space<vmem>>, %arg4: memref<8x1xf32, #tpu.memory_space<vmem>>, %arg5: memref<8x10240xf32, #tpu.memory_space<vmem>>) attributes {dimension_semantics = [], scalar_prefetch = 0 : i64, scratch_operands = 0 : i64, tpu.core_type = #tpu.core_type<tc>} {
    %get3A = arith.constant 0 : index
    %get3A_0 = arith.constant 0 : index
    %get3A_1 = arith.constant 0 : index
    %get3A_2 = vector.load %arg0[%get3A, %get3A_0, %get3A_1] : memref<2x10240x128xf32, #tpu.memory_space<vmem>>, vector<1x10240x128xf32>
    %get3A_3 = vector.shape_cast %get3A_2 : vector<1x10240x128xf32> to vector<10240x128xf32>
    %get3A_4 = arith.constant 1 : index
    %get3A_5 = arith.constant 0 : index
    %get3A_6 = arith.constant 0 : index
    %get3A_7 = vector.load %arg0[%get3A_4, %get3A_5, %get3A_6] : memref<2x10240x128xf32, #tpu.memory_space<vmem>>, vector<1x10240x128xf32>
    %get3A_8 = vector.shape_cast %get3A_7 : vector<1x10240x128xf32> to vector<10240x128xf32>
    %add3A = arith.addf %get3A_3, %get3A_8 : vector<10240x128xf32>
    %get3A_9 = arith.constant 0 : index
    %get3A_10 = arith.constant 0 : index
    %get3A_11 = arith.constant 0 : index
    %get3A_12 = vector.load %arg1[%get3A_9, %get3A_10, %get3A_11] : memref<2x10240x128xf32, #tpu.memory_space<vmem>>, vector<1x10240x128xf32>
    %get3A_13 = vector.shape_cast %get3A_12 : vector<1x10240x128xf32> to vector<10240x128xf32>
    %get3A_14 = arith.constant 1 : index
    %get3A_15 = arith.constant 0 : index
    %get3A_16 = arith.constant 0 : index
    %get3A_17 = vector.load %arg1[%get3A_14, %get3A_15, %get3A_16] : memref<2x10240x128xf32, #tpu.memory_space<vmem>>, vector<1x10240x128xf32>
    %get3A_18 = vector.shape_cast %get3A_17 : vector<1x10240x128xf32> to vector<10240x128xf32>
    %add3A_19 = arith.addf %get3A_13, %get3A_18 : vector<10240x128xf32>
    %slice3A = vector.extract_strided_slice %add3A_19 {offsets = [0, 0], sizes = [10240, 1], strides = [1, 1]} : vector<10240x128xf32> to vector<10240x1xf32>
    %slice3A_20 = vector.extract_strided_slice %add3A_19 {offsets = [0, 64], sizes = [10240, 1], strides = [1, 1]} : vector<10240x128xf32> to vector<10240x1xf32>
    %ne3A = arith.constant 0.000000e+00 : f32
    %ne3A_21 = vector.broadcast %ne3A : f32 to vector<10240x1xf32>
    %ne3A_22 = arith.cmpf one, %slice3A, %ne3A_21 : vector<10240x1xf32>
    %jit3A = arith.constant 1.000000e+00 : f32
    %broadcast_in_dim3A = vector.broadcast %jit3A : f32 to vector<10240x1xf32>
    %select_n3A = arith.select %ne3A_22, %slice3A, %broadcast_in_dim3A : vector<10240x1xi1>, vector<10240x1xf32>
    %ne3A_23 = arith.constant 0.000000e+00 : f32
    %ne3A_24 = vector.broadcast %ne3A_23 : f32 to vector<10240x1xf32>
    %ne3A_25 = arith.cmpf one, %slice3A_20, %ne3A_24 : vector<10240x1xf32>
    %jit3A_26 = arith.constant 1.000000e+00 : f32
    %broadcast_in_dim3A_27 = vector.broadcast %jit3A_26 : f32 to vector<10240x1xf32>
    %select_n3A_28 = arith.select %ne3A_25, %slice3A_20, %broadcast_in_dim3A_27 : vector<10240x1xi1>, vector<10240x1xf32>
    %broadcast_in_dim3A_29 = vector.shape_cast %select_n3A : vector<10240x1xf32> to vector<10240x1xf32>
    %broadcast_in_dim3A_30 = vector.broadcast %broadcast_in_dim3A_29 : vector<10240x1xf32> to vector<10240x64xf32>
    %broadcast_in_dim3A_31 = vector.shape_cast %select_n3A_28 : vector<10240x1xf32> to vector<10240x1xf32>
    %broadcast_in_dim3A_32 = vector.broadcast %broadcast_in_dim3A_31 : vector<10240x1xf32> to vector<10240x64xf32>
    %concatenate3A = tpu.concatenate %broadcast_in_dim3A_30, %broadcast_in_dim3A_32 in 1 : vector<10240x64xf32>, vector<10240x64xf32> -> vector<10240x128xf32>
    %div3A = arith.divf %add3A, %concatenate3A : vector<10240x128xf32>
    %get3A_33 = arith.constant 0 : index
    %get3A_34 = vector.load %arg2[%get3A_33] : memref<128xf32, #tpu.memory_space<vmem>>, vector<128xf32>
    %broadcast_in_dim3A_35 = vector.shape_cast %get3A_34 : vector<128xf32> to vector<1x128xf32>
    %add3A_36 = vector.broadcast %broadcast_in_dim3A_35 : vector<1x128xf32> to vector<10240x128xf32>
    %add3A_37 = arith.addf %div3A, %add3A_36 : vector<10240x128xf32>
    %mul3A = arith.constant 0.00999999977 : f32
    %mul3A_38 = vector.broadcast %mul3A : f32 to vector<10240x128xf32>
    %mul3A_39 = arith.mulf %mul3A_38, %add3A_37 : vector<10240x128xf32>
    %max3A = arith.maximumf %add3A_37, %mul3A_39 : vector<10240x128xf32>
    %get3A_40 = arith.constant 0 : index
    %get3A_41 = arith.constant 0 : index
    %get3A_42 = vector.load %arg3[%get3A_40, %get3A_41] : memref<128x8xf32, #tpu.memory_space<vmem>>, vector<128x8xf32>
    %dot_general3A = arith.constant dense<0.000000e+00> : vector<8x10240xf32>
    %dot_general3A_43 = tpu.matmul %get3A_42, %max3A, %dot_general3A {dimension_numbers = #tpu.dot_dimension_numbers<[0], [1], [1], [0], [0, 1, 1, 0], [], []>, transpose_lhs_hint = false} : vector<128x8xf32>, vector<10240x128xf32>, vector<8x10240xf32> -> vector<8x10240xf32>
    %get3A_44 = arith.constant 0 : index
    %get3A_45 = arith.constant 0 : index
    %get3A_46 = vector.load %arg4[%get3A_44, %get3A_45] : memref<8x1xf32, #tpu.memory_space<vmem>>, vector<8x1xf32>
    %add3A_47 = vector.broadcast %get3A_46 : vector<8x1xf32> to vector<8x10240xf32>
    %add3A_48 = arith.addf %dot_general3A_43, %add3A_47 : vector<8x10240xf32>
    %iota3A = tpu.iota {dimensions = array<i32: 1>} : vector<1x10240xi32>
    %lt3A = arith.constant 10000 : i32
    %lt3A_49 = vector.broadcast %lt3A : i32 to vector<1x10240xi32>
    %lt3A_50 = arith.cmpi slt, %iota3A, %lt3A_49 : vector<1x10240xi32>
    %jit3A_51 = arith.constant 0.000000e+00 : f32
    %broadcast_in_dim3A_52 = vector.shape_cast %lt3A_50 : vector<1x10240xi1> to vector<1x10240xi1>
    %broadcast_in_dim3A_53 = vector.broadcast %broadcast_in_dim3A_52 : vector<1x10240xi1> to vector<8x10240xi1>
    %broadcast_in_dim3A_54 = vector.broadcast %jit3A_51 : f32 to vector<8x10240xf32>
    %select_n3A_55 = arith.select %broadcast_in_dim3A_53, %add3A_48, %broadcast_in_dim3A_54 : vector<8x10240xi1>, vector<8x10240xf32>
    %swap3A = arith.constant 0 : index
    %swap3A_56 = arith.constant 0 : index
    %swap3A_57 = vector.load %arg5[%swap3A, %swap3A_56] : memref<8x10240xf32, #tpu.memory_space<vmem>>, vector<8x10240xf32>
    tpu.vector_store %arg5[%swap3A, %swap3A_56], %select_n3A_55 {strides = array<i32>} : memref<8x10240xf32, #tpu.memory_space<vmem>>, vector<8x10240xf32>,
    return
  }
}

module attributes {stable_mosaic.version = 14 : i64} {
  func.func @_final_body(%arg0: memref<2x640x128xf32, #tpu.memory_space<vmem>>, %arg1: memref<4xf32, #tpu.memory_space<vmem>>, %arg2: memref<10000x4xf32, #tpu.memory_space<vmem>>) attributes {dimension_semantics = [], scalar_prefetch = 0 : i64, scratch_operands = 0 : i64, tpu.core_type = #tpu.core_type<tc>} {
    %get3A = arith.constant 0 : index
    %get3A_0 = arith.constant 0 : index
    %get3A_1 = arith.constant 0 : index
    %get3A_2 = vector.load %arg0[%get3A, %get3A_0, %get3A_1] : memref<2x640x128xf32, #tpu.memory_space<vmem>>, vector<1x640x128xf32>
    %get3A_3 = vector.shape_cast %get3A_2 : vector<1x640x128xf32> to vector<640x128xf32>
    %get3A_4 = arith.constant 1 : index
    %get3A_5 = arith.constant 0 : index
    %get3A_6 = arith.constant 0 : index
    %get3A_7 = vector.load %arg0[%get3A_4, %get3A_5, %get3A_6] : memref<2x640x128xf32, #tpu.memory_space<vmem>>, vector<1x640x128xf32>
    %get3A_8 = vector.shape_cast %get3A_7 : vector<1x640x128xf32> to vector<640x128xf32>
    %add3A = arith.addf %get3A_3, %get3A_8 : vector<640x128xf32>
    %slice3A = vector.extract_strided_slice %add3A {offsets = [0, 0], sizes = [640, 4], strides = [1, 1]} : vector<640x128xf32> to vector<640x4xf32>
    %slice3A_9 = vector.extract_strided_slice %add3A {offsets = [0, 4], sizes = [640, 1], strides = [1, 1]} : vector<640x128xf32> to vector<640x1xf32>
    %ne3A = arith.constant 0.000000e+00 : f32
    %ne3A_10 = vector.broadcast %ne3A : f32 to vector<640x1xf32>
    %ne3A_11 = arith.cmpf one, %slice3A_9, %ne3A_10 : vector<640x1xf32>
    %jit3A = arith.constant 1.000000e+00 : f32
    %broadcast_in_dim3A = vector.broadcast %jit3A : f32 to vector<640x1xf32>
    %select_n3A = arith.select %ne3A_11, %slice3A_9, %broadcast_in_dim3A : vector<640x1xi1>, vector<640x1xf32>
    %div3A = vector.broadcast %select_n3A : vector<640x1xf32> to vector<640x4xf32>
    %div3A_12 = arith.divf %slice3A, %div3A : vector<640x4xf32>
    %get3A_13 = arith.constant 0 : index
    %get3A_14 = vector.load %arg1[%get3A_13] : memref<4xf32, #tpu.memory_space<vmem>>, vector<4xf32>
    %broadcast_in_dim3A_15 = vector.shape_cast %get3A_14 : vector<4xf32> to vector<1x4xf32>
    %add3A_16 = vector.broadcast %broadcast_in_dim3A_15 : vector<1x4xf32> to vector<640x4xf32>
    %add3A_17 = arith.addf %div3A_12, %add3A_16 : vector<640x4xf32>
    %reduce_max3A = arith.constant dense<0xFF800000> : vector<640xf32>
    %reduce_max3A_18 = vector.multi_reduction <maximumf>, %add3A_17, %reduce_max3A [1] : vector<640x4xf32> to vector<640xf32>
    %broadcast_in_dim3A_19 = vector.shape_cast %reduce_max3A_18 : vector<640xf32> to vector<640x1xf32>
    %sub3A = vector.broadcast %broadcast_in_dim3A_19 : vector<640x1xf32> to vector<640x4xf32>
    %sub3A_20 = arith.subf %add3A_17, %sub3A : vector<640x4xf32>
    %exp3A = math.exp %sub3A_20 : vector<640x4xf32>
    %reduce_sum3A = arith.constant dense<0.000000e+00> : vector<640xf32>
    %reduce_sum3A_21 = vector.multi_reduction <add>, %exp3A, %reduce_sum3A [1] : vector<640x4xf32> to vector<640xf32>
    %broadcast_in_dim3A_22 = vector.shape_cast %reduce_sum3A_21 : vector<640xf32> to vector<640x1xf32>
    %div3A_23 = vector.broadcast %broadcast_in_dim3A_22 : vector<640x1xf32> to vector<640x4xf32>
    %div3A_24 = arith.divf %exp3A, %div3A_23 : vector<640x4xf32>
    %slice3A_25 = vector.extract_strided_slice %add3A {offsets = [0, 8], sizes = [640, 4], strides = [1, 1]} : vector<640x128xf32> to vector<640x4xf32>
    %slice3A_26 = vector.extract_strided_slice %add3A {offsets = [0, 12], sizes = [640, 1], strides = [1, 1]} : vector<640x128xf32> to vector<640x1xf32>
    %ne3A_27 = arith.constant 0.000000e+00 : f32
    %ne3A_28 = vector.broadcast %ne3A_27 : f32 to vector<640x1xf32>
    %ne3A_29 = arith.cmpf one, %slice3A_26, %ne3A_28 : vector<640x1xf32>
    %jit3A_30 = arith.constant 1.000000e+00 : f32
    %broadcast_in_dim3A_31 = vector.broadcast %jit3A_30 : f32 to vector<640x1xf32>
    %select_n3A_32 = arith.select %ne3A_29, %slice3A_26, %broadcast_in_dim3A_31 : vector<640x1xi1>, vector<640x1xf32>
    %div3A_33 = vector.broadcast %select_n3A_32 : vector<640x1xf32> to vector<640x4xf32>
    %div3A_34 = arith.divf %slice3A_25, %div3A_33 : vector<640x4xf32>
    %get3A_35 = arith.constant 0 : index
    %get3A_36 = vector.load %arg1[%get3A_35] : memref<4xf32, #tpu.memory_space<vmem>>, vector<4xf32>
    %broadcast_in_dim3A_37 = vector.shape_cast %get3A_36 : vector<4xf32> to vector<1x4xf32>
    %add3A_38 = vector.broadcast %broadcast_in_dim3A_37 : vector<1x4xf32> to vector<640x4xf32>
    %add3A_39 = arith.addf %div3A_34, %add3A_38 : vector<640x4xf32>
    %reduce_max3A_40 = arith.constant dense<0xFF800000> : vector<640xf32>
    %reduce_max3A_41 = vector.multi_reduction <maximumf>, %add3A_39, %reduce_max3A_40 [1] : vector<640x4xf32> to vector<640xf32>
    %broadcast_in_dim3A_42 = vector.shape_cast %reduce_max3A_41 : vector<640xf32> to vector<640x1xf32>
    %sub3A_43 = vector.broadcast %broadcast_in_dim3A_42 : vector<640x1xf32> to vector<640x4xf32>
    %sub3A_44 = arith.subf %add3A_39, %sub3A_43 : vector<640x4xf32>
    %exp3A_45 = math.exp %sub3A_44 : vector<640x4xf32>
    %reduce_sum3A_46 = arith.constant dense<0.000000e+00> : vector<640xf32>
    %reduce_sum3A_47 = vector.multi_reduction <add>, %exp3A_45, %reduce_sum3A_46 [1] : vector<640x4xf32> to vector<640xf32>
    %broadcast_in_dim3A_48 = vector.shape_cast %reduce_sum3A_47 : vector<640xf32> to vector<640x1xf32>
    %div3A_49 = vector.broadcast %broadcast_in_dim3A_48 : vector<640x1xf32> to vector<640x4xf32>
    %div3A_50 = arith.divf %exp3A_45, %div3A_49 : vector<640x4xf32>
    %slice3A_51 = vector.extract_strided_slice %add3A {offsets = [0, 16], sizes = [640, 4], strides = [1, 1]} : vector<640x128xf32> to vector<640x4xf32>
    %slice3A_52 = vector.extract_strided_slice %add3A {offsets = [0, 20], sizes = [640, 1], strides = [1, 1]} : vector<640x128xf32> to vector<640x1xf32>
    %ne3A_53 = arith.constant 0.000000e+00 : f32
    %ne3A_54 = vector.broadcast %ne3A_53 : f32 to vector<640x1xf32>
    %ne3A_55 = arith.cmpf one, %slice3A_52, %ne3A_54 : vector<640x1xf32>
    %jit3A_56 = arith.constant 1.000000e+00 : f32
    %broadcast_in_dim3A_57 = vector.broadcast %jit3A_56 : f32 to vector<640x1xf32>
    %select_n3A_58 = arith.select %ne3A_55, %slice3A_52, %broadcast_in_dim3A_57 : vector<640x1xi1>, vector<640x1xf32>
    %div3A_59 = vector.broadcast %select_n3A_58 : vector<640x1xf32> to vector<640x4xf32>
    %div3A_60 = arith.divf %slice3A_51, %div3A_59 : vector<640x4xf32>
    %get3A_61 = arith.constant 0 : index
    %get3A_62 = vector.load %arg1[%get3A_61] : memref<4xf32, #tpu.memory_space<vmem>>, vector<4xf32>
    %broadcast_in_dim3A_63 = vector.shape_cast %get3A_62 : vector<4xf32> to vector<1x4xf32>
    %add3A_64 = vector.broadcast %broadcast_in_dim3A_63 : vector<1x4xf32> to vector<640x4xf32>
    %add3A_65 = arith.addf %div3A_60, %add3A_64 : vector<640x4xf32>
    %reduce_max3A_66 = arith.constant dense<0xFF800000> : vector<640xf32>
    %reduce_max3A_67 = vector.multi_reduction <maximumf>, %add3A_65, %reduce_max3A_66 [1] : vector<640x4xf32> to vector<640xf32>
    %broadcast_in_dim3A_68 = vector.shape_cast %reduce_max3A_67 : vector<640xf32> to vector<640x1xf32>
    %sub3A_69 = vector.broadcast %broadcast_in_dim3A_68 : vector<640x1xf32> to vector<640x4xf32>
    %sub3A_70 = arith.subf %add3A_65, %sub3A_69 : vector<640x4xf32>
    %exp3A_71 = math.exp %sub3A_70 : vector<640x4xf32>
    %reduce_sum3A_72 = arith.constant dense<0.000000e+00> : vector<640xf32>
    %reduce_sum3A_73 = vector.multi_reduction <add>, %exp3A_71, %reduce_sum3A_72 [1] : vector<640x4xf32> to vector<640xf32>
    %broadcast_in_dim3A_74 = vector.shape_cast %reduce_sum3A_73 : vector<640xf32> to vector<640x1xf32>
    %div3A_75 = vector.broadcast %broadcast_in_dim3A_74 : vector<640x1xf32> to vector<640x4xf32>
    %div3A_76 = arith.divf %exp3A_71, %div3A_75 : vector<640x4xf32>
    %slice3A_77 = vector.extract_strided_slice %add3A {offsets = [0, 24], sizes = [640, 4], strides = [1, 1]} : vector<640x128xf32> to vector<640x4xf32>
    %slice3A_78 = vector.extract_strided_slice %add3A {offsets = [0, 28], sizes = [640, 1], strides = [1, 1]} : vector<640x128xf32> to vector<640x1xf32>
    %ne3A_79 = arith.constant 0.000000e+00 : f32
    %ne3A_80 = vector.broadcast %ne3A_79 : f32 to vector<640x1xf32>
    %ne3A_81 = arith.cmpf one, %slice3A_78, %ne3A_80 : vector<640x1xf32>
    %jit3A_82 = arith.constant 1.000000e+00 : f32
    %broadcast_in_dim3A_83 = vector.broadcast %jit3A_82 : f32 to vector<640x1xf32>
    %select_n3A_84 = arith.select %ne3A_81, %slice3A_78, %broadcast_in_dim3A_83 : vector<640x1xi1>, vector<640x1xf32>
    %div3A_85 = vector.broadcast %select_n3A_84 : vector<640x1xf32> to vector<640x4xf32>
    %div3A_86 = arith.divf %slice3A_77, %div3A_85 : vector<640x4xf32>
    %get3A_87 = arith.constant 0 : index
    %get3A_88 = vector.load %arg1[%get3A_87] : memref<4xf32, #tpu.memory_space<vmem>>, vector<4xf32>
    %broadcast_in_dim3A_89 = vector.shape_cast %get3A_88 : vector<4xf32> to vector<1x4xf32>
    %add3A_90 = vector.broadcast %broadcast_in_dim3A_89 : vector<1x4xf32> to vector<640x4xf32>
    %add3A_91 = arith.addf %div3A_86, %add3A_90 : vector<640x4xf32>
    %reduce_max3A_92 = arith.constant dense<0xFF800000> : vector<640xf32>
    %reduce_max3A_93 = vector.multi_reduction <maximumf>, %add3A_91, %reduce_max3A_92 [1] : vector<640x4xf32> to vector<640xf32>
    %broadcast_in_dim3A_94 = vector.shape_cast %reduce_max3A_93 : vector<640xf32> to vector<640x1xf32>
    %sub3A_95 = vector.broadcast %broadcast_in_dim3A_94 : vector<640x1xf32> to vector<640x4xf32>
    %sub3A_96 = arith.subf %add3A_91, %sub3A_95 : vector<640x4xf32>
    %exp3A_97 = math.exp %sub3A_96 : vector<640x4xf32>
    %reduce_sum3A_98 = arith.constant dense<0.000000e+00> : vector<640xf32>
    %reduce_sum3A_99 = vector.multi_reduction <add>, %exp3A_97, %reduce_sum3A_98 [1] : vector<640x4xf32> to vector<640xf32>
    %broadcast_in_dim3A_100 = vector.shape_cast %reduce_sum3A_99 : vector<640xf32> to vector<640x1xf32>
    %div3A_101 = vector.broadcast %broadcast_in_dim3A_100 : vector<640x1xf32> to vector<640x4xf32>
    %div3A_102 = arith.divf %exp3A_97, %div3A_101 : vector<640x4xf32>
    %slice3A_103 = vector.extract_strided_slice %add3A {offsets = [0, 32], sizes = [640, 4], strides = [1, 1]} : vector<640x128xf32> to vector<640x4xf32>
    %slice3A_104 = vector.extract_strided_slice %add3A {offsets = [0, 36], sizes = [640, 1], strides = [1, 1]} : vector<640x128xf32> to vector<640x1xf32>
    %ne3A_105 = arith.constant 0.000000e+00 : f32
    %ne3A_106 = vector.broadcast %ne3A_105 : f32 to vector<640x1xf32>
    %ne3A_107 = arith.cmpf one, %slice3A_104, %ne3A_106 : vector<640x1xf32>
    %jit3A_108 = arith.constant 1.000000e+00 : f32
    %broadcast_in_dim3A_109 = vector.broadcast %jit3A_108 : f32 to vector<640x1xf32>
    %select_n3A_110 = arith.select %ne3A_107, %slice3A_104, %broadcast_in_dim3A_109 : vector<640x1xi1>, vector<640x1xf32>
    %div3A_111 = vector.broadcast %select_n3A_110 : vector<640x1xf32> to vector<640x4xf32>
    %div3A_112 = arith.divf %slice3A_103, %div3A_111 : vector<640x4xf32>
    %get3A_113 = arith.constant 0 : index
    %get3A_114 = vector.load %arg1[%get3A_113] : memref<4xf32, #tpu.memory_space<vmem>>, vector<4xf32>
    %broadcast_in_dim3A_115 = vector.shape_cast %get3A_114 : vector<4xf32> to vector<1x4xf32>
    %add3A_116 = vector.broadcast %broadcast_in_dim3A_115 : vector<1x4xf32> to vector<640x4xf32>
    %add3A_117 = arith.addf %div3A_112, %add3A_116 : vector<640x4xf32>
    %reduce_max3A_118 = arith.constant dense<0xFF800000> : vector<640xf32>
    %reduce_max3A_119 = vector.multi_reduction <maximumf>, %add3A_117, %reduce_max3A_118 [1] : vector<640x4xf32> to vector<640xf32>
    %broadcast_in_dim3A_120 = vector.shape_cast %reduce_max3A_119 : vector<640xf32> to vector<640x1xf32>
    %sub3A_121 = vector.broadcast %broadcast_in_dim3A_120 : vector<640x1xf32> to vector<640x4xf32>
    %sub3A_122 = arith.subf %add3A_117, %sub3A_121 : vector<640x4xf32>
    %exp3A_123 = math.exp %sub3A_122 : vector<640x4xf32>
    %reduce_sum3A_124 = arith.constant dense<0.000000e+00> : vector<640xf32>
    %reduce_sum3A_125 = vector.multi_reduction <add>, %exp3A_123, %reduce_sum3A_124 [1] : vector<640x4xf32> to vector<640xf32>
    %broadcast_in_dim3A_126 = vector.shape_cast %reduce_sum3A_125 : vector<640xf32> to vector<640x1xf32>
    %div3A_127 = vector.broadcast %broadcast_in_dim3A_126 : vector<640x1xf32> to vector<640x4xf32>
    %div3A_128 = arith.divf %exp3A_123, %div3A_127 : vector<640x4xf32>
    %slice3A_129 = vector.extract_strided_slice %add3A {offsets = [0, 40], sizes = [640, 4], strides = [1, 1]} : vector<640x128xf32> to vector<640x4xf32>
    %slice3A_130 = vector.extract_strided_slice %add3A {offsets = [0, 44], sizes = [640, 1], strides = [1, 1]} : vector<640x128xf32> to vector<640x1xf32>
    %ne3A_131 = arith.constant 0.000000e+00 : f32
    %ne3A_132 = vector.broadcast %ne3A_131 : f32 to vector<640x1xf32>
    %ne3A_133 = arith.cmpf one, %slice3A_130, %ne3A_132 : vector<640x1xf32>
    %jit3A_134 = arith.constant 1.000000e+00 : f32
    %broadcast_in_dim3A_135 = vector.broadcast %jit3A_134 : f32 to vector<640x1xf32>
    %select_n3A_136 = arith.select %ne3A_133, %slice3A_130, %broadcast_in_dim3A_135 : vector<640x1xi1>, vector<640x1xf32>
    %div3A_137 = vector.broadcast %select_n3A_136 : vector<640x1xf32> to vector<640x4xf32>
    %div3A_138 = arith.divf %slice3A_129, %div3A_137 : vector<640x4xf32>
    %get3A_139 = arith.constant 0 : index
    %get3A_140 = vector.load %arg1[%get3A_139] : memref<4xf32, #tpu.memory_space<vmem>>, vector<4xf32>
    %broadcast_in_dim3A_141 = vector.shape_cast %get3A_140 : vector<4xf32> to vector<1x4xf32>
    %add3A_142 = vector.broadcast %broadcast_in_dim3A_141 : vector<1x4xf32> to vector<640x4xf32>
    %add3A_143 = arith.addf %div3A_138, %add3A_142 : vector<640x4xf32>
    %reduce_max3A_144 = arith.constant dense<0xFF800000> : vector<640xf32>
    %reduce_max3A_145 = vector.multi_reduction <maximumf>, %add3A_143, %reduce_max3A_144 [1] : vector<640x4xf32> to vector<640xf32>
    %broadcast_in_dim3A_146 = vector.shape_cast %reduce_max3A_145 : vector<640xf32> to vector<640x1xf32>
    %sub3A_147 = vector.broadcast %broadcast_in_dim3A_146 : vector<640x1xf32> to vector<640x4xf32>
    %sub3A_148 = arith.subf %add3A_143, %sub3A_147 : vector<640x4xf32>
    %exp3A_149 = math.exp %sub3A_148 : vector<640x4xf32>
    %reduce_sum3A_150 = arith.constant dense<0.000000e+00> : vector<640xf32>
    %reduce_sum3A_151 = vector.multi_reduction <add>, %exp3A_149, %reduce_sum3A_150 [1] : vector<640x4xf32> to vector<640xf32>
    %broadcast_in_dim3A_152 = vector.shape_cast %reduce_sum3A_151 : vector<640xf32> to vector<640x1xf32>
    %div3A_153 = vector.broadcast %broadcast_in_dim3A_152 : vector<640x1xf32> to vector<640x4xf32>
    %div3A_154 = arith.divf %exp3A_149, %div3A_153 : vector<640x4xf32>
    %slice3A_155 = vector.extract_strided_slice %add3A {offsets = [0, 48], sizes = [640, 4], strides = [1, 1]} : vector<640x128xf32> to vector<640x4xf32>
    %slice3A_156 = vector.extract_strided_slice %add3A {offsets = [0, 52], sizes = [640, 1], strides = [1, 1]} : vector<640x128xf32> to vector<640x1xf32>
    %ne3A_157 = arith.constant 0.000000e+00 : f32
    %ne3A_158 = vector.broadcast %ne3A_157 : f32 to vector<640x1xf32>
    %ne3A_159 = arith.cmpf one, %slice3A_156, %ne3A_158 : vector<640x1xf32>
    %jit3A_160 = arith.constant 1.000000e+00 : f32
    %broadcast_in_dim3A_161 = vector.broadcast %jit3A_160 : f32 to vector<640x1xf32>
    %select_n3A_162 = arith.select %ne3A_159, %slice3A_156, %broadcast_in_dim3A_161 : vector<640x1xi1>, vector<640x1xf32>
    %div3A_163 = vector.broadcast %select_n3A_162 : vector<640x1xf32> to vector<640x4xf32>
    %div3A_164 = arith.divf %slice3A_155, %div3A_163 : vector<640x4xf32>
    %get3A_165 = arith.constant 0 : index
    %get3A_166 = vector.load %arg1[%get3A_165] : memref<4xf32, #tpu.memory_space<vmem>>, vector<4xf32>
    %broadcast_in_dim3A_167 = vector.shape_cast %get3A_166 : vector<4xf32> to vector<1x4xf32>
    %add3A_168 = vector.broadcast %broadcast_in_dim3A_167 : vector<1x4xf32> to vector<640x4xf32>
    %add3A_169 = arith.addf %div3A_164, %add3A_168 : vector<640x4xf32>
    %reduce_max3A_170 = arith.constant dense<0xFF800000> : vector<640xf32>
    %reduce_max3A_171 = vector.multi_reduction <maximumf>, %add3A_169, %reduce_max3A_170 [1] : vector<640x4xf32> to vector<640xf32>
    %broadcast_in_dim3A_172 = vector.shape_cast %reduce_max3A_171 : vector<640xf32> to vector<640x1xf32>
    %sub3A_173 = vector.broadcast %broadcast_in_dim3A_172 : vector<640x1xf32> to vector<640x4xf32>
    %sub3A_174 = arith.subf %add3A_169, %sub3A_173 : vector<640x4xf32>
    %exp3A_175 = math.exp %sub3A_174 : vector<640x4xf32>
    %reduce_sum3A_176 = arith.constant dense<0.000000e+00> : vector<640xf32>
    %reduce_sum3A_177 = vector.multi_reduction <add>, %exp3A_175, %reduce_sum3A_176 [1] : vector<640x4xf32> to vector<640xf32>
    %broadcast_in_dim3A_178 = vector.shape_cast %reduce_sum3A_177 : vector<640xf32> to vector<640x1xf32>
    %div3A_179 = vector.broadcast %broadcast_in_dim3A_178 : vector<640x1xf32> to vector<640x4xf32>
    %div3A_180 = arith.divf %exp3A_175, %div3A_179 : vector<640x4xf32>
    %slice3A_181 = vector.extract_strided_slice %add3A {offsets = [0, 56], sizes = [640, 4], strides = [1, 1]} : vector<640x128xf32> to vector<640x4xf32>
    %slice3A_182 = vector.extract_strided_slice %add3A {offsets = [0, 60], sizes = [640, 1], strides = [1, 1]} : vector<640x128xf32> to vector<640x1xf32>
    %ne3A_183 = arith.constant 0.000000e+00 : f32
    %ne3A_184 = vector.broadcast %ne3A_183 : f32 to vector<640x1xf32>
    %ne3A_185 = arith.cmpf one, %slice3A_182, %ne3A_184 : vector<640x1xf32>
    %jit3A_186 = arith.constant 1.000000e+00 : f32
    %broadcast_in_dim3A_187 = vector.broadcast %jit3A_186 : f32 to vector<640x1xf32>
    %select_n3A_188 = arith.select %ne3A_185, %slice3A_182, %broadcast_in_dim3A_187 : vector<640x1xi1>, vector<640x1xf32>
    %div3A_189 = vector.broadcast %select_n3A_188 : vector<640x1xf32> to vector<640x4xf32>
    %div3A_190 = arith.divf %slice3A_181, %div3A_189 : vector<640x4xf32>
    %get3A_191 = arith.constant 0 : index
    %get3A_192 = vector.load %arg1[%get3A_191] : memref<4xf32, #tpu.memory_space<vmem>>, vector<4xf32>
    %broadcast_in_dim3A_193 = vector.shape_cast %get3A_192 : vector<4xf32> to vector<1x4xf32>
    %add3A_194 = vector.broadcast %broadcast_in_dim3A_193 : vector<1x4xf32> to vector<640x4xf32>
    %add3A_195 = arith.addf %div3A_190, %add3A_194 : vector<640x4xf32>
    %reduce_max3A_196 = arith.constant dense<0xFF800000> : vector<640xf32>
    %reduce_max3A_197 = vector.multi_reduction <maximumf>, %add3A_195, %reduce_max3A_196 [1] : vector<640x4xf32> to vector<640xf32>
    %broadcast_in_dim3A_198 = vector.shape_cast %reduce_max3A_197 : vector<640xf32> to vector<640x1xf32>
    %sub3A_199 = vector.broadcast %broadcast_in_dim3A_198 : vector<640x1xf32> to vector<640x4xf32>
    %sub3A_200 = arith.subf %add3A_195, %sub3A_199 : vector<640x4xf32>
    %exp3A_201 = math.exp %sub3A_200 : vector<640x4xf32>
    %reduce_sum3A_202 = arith.constant dense<0.000000e+00> : vector<640xf32>
    %reduce_sum3A_203 = vector.multi_reduction <add>, %exp3A_201, %reduce_sum3A_202 [1] : vector<640x4xf32> to vector<640xf32>
    %broadcast_in_dim3A_204 = vector.shape_cast %reduce_sum3A_203 : vector<640xf32> to vector<640x1xf32>
    %div3A_205 = vector.broadcast %broadcast_in_dim3A_204 : vector<640x1xf32> to vector<640x4xf32>
    %div3A_206 = arith.divf %exp3A_201, %div3A_205 : vector<640x4xf32>
    %slice3A_207 = vector.extract_strided_slice %add3A {offsets = [0, 64], sizes = [640, 4], strides = [1, 1]} : vector<640x128xf32> to vector<640x4xf32>
    %slice3A_208 = vector.extract_strided_slice %add3A {offsets = [0, 68], sizes = [640, 1], strides = [1, 1]} : vector<640x128xf32> to vector<640x1xf32>
    %ne3A_209 = arith.constant 0.000000e+00 : f32
    %ne3A_210 = vector.broadcast %ne3A_209 : f32 to vector<640x1xf32>
    %ne3A_211 = arith.cmpf one, %slice3A_208, %ne3A_210 : vector<640x1xf32>
    %jit3A_212 = arith.constant 1.000000e+00 : f32
    %broadcast_in_dim3A_213 = vector.broadcast %jit3A_212 : f32 to vector<640x1xf32>
    %select_n3A_214 = arith.select %ne3A_211, %slice3A_208, %broadcast_in_dim3A_213 : vector<640x1xi1>, vector<640x1xf32>
    %div3A_215 = vector.broadcast %select_n3A_214 : vector<640x1xf32> to vector<640x4xf32>
    %div3A_216 = arith.divf %slice3A_207, %div3A_215 : vector<640x4xf32>
    %get3A_217 = arith.constant 0 : index
    %get3A_218 = vector.load %arg1[%get3A_217] : memref<4xf32, #tpu.memory_space<vmem>>, vector<4xf32>
    %broadcast_in_dim3A_219 = vector.shape_cast %get3A_218 : vector<4xf32> to vector<1x4xf32>
    %add3A_220 = vector.broadcast %broadcast_in_dim3A_219 : vector<1x4xf32> to vector<640x4xf32>
    %add3A_221 = arith.addf %div3A_216, %add3A_220 : vector<640x4xf32>
    %reduce_max3A_222 = arith.constant dense<0xFF800000> : vector<640xf32>
    %reduce_max3A_223 = vector.multi_reduction <maximumf>, %add3A_221, %reduce_max3A_222 [1] : vector<640x4xf32> to vector<640xf32>
    %broadcast_in_dim3A_224 = vector.shape_cast %reduce_max3A_223 : vector<640xf32> to vector<640x1xf32>
    %sub3A_225 = vector.broadcast %broadcast_in_dim3A_224 : vector<640x1xf32> to vector<640x4xf32>
    %sub3A_226 = arith.subf %add3A_221, %sub3A_225 : vector<640x4xf32>
    %exp3A_227 = math.exp %sub3A_226 : vector<640x4xf32>
    %reduce_sum3A_228 = arith.constant dense<0.000000e+00> : vector<640xf32>
    %reduce_sum3A_229 = vector.multi_reduction <add>, %exp3A_227, %reduce_sum3A_228 [1] : vector<640x4xf32> to vector<640xf32>
    %broadcast_in_dim3A_230 = vector.shape_cast %reduce_sum3A_229 : vector<640xf32> to vector<640x1xf32>
    %div3A_231 = vector.broadcast %broadcast_in_dim3A_230 : vector<640x1xf32> to vector<640x4xf32>
    %div3A_232 = arith.divf %exp3A_227, %div3A_231 : vector<640x4xf32>
    %slice3A_233 = vector.extract_strided_slice %add3A {offsets = [0, 72], sizes = [640, 4], strides = [1, 1]} : vector<640x128xf32> to vector<640x4xf32>
    %slice3A_234 = vector.extract_strided_slice %add3A {offsets = [0, 76], sizes = [640, 1], strides = [1, 1]} : vector<640x128xf32> to vector<640x1xf32>
    %ne3A_235 = arith.constant 0.000000e+00 : f32
    %ne3A_236 = vector.broadcast %ne3A_235 : f32 to vector<640x1xf32>
    %ne3A_237 = arith.cmpf one, %slice3A_234, %ne3A_236 : vector<640x1xf32>
    %jit3A_238 = arith.constant 1.000000e+00 : f32
    %broadcast_in_dim3A_239 = vector.broadcast %jit3A_238 : f32 to vector<640x1xf32>
    %select_n3A_240 = arith.select %ne3A_237, %slice3A_234, %broadcast_in_dim3A_239 : vector<640x1xi1>, vector<640x1xf32>
    %div3A_241 = vector.broadcast %select_n3A_240 : vector<640x1xf32> to vector<640x4xf32>
    %div3A_242 = arith.divf %slice3A_233, %div3A_241 : vector<640x4xf32>
    %get3A_243 = arith.constant 0 : index
    %get3A_244 = vector.load %arg1[%get3A_243] : memref<4xf32, #tpu.memory_space<vmem>>, vector<4xf32>
    %broadcast_in_dim3A_245 = vector.shape_cast %get3A_244 : vector<4xf32> to vector<1x4xf32>
    %add3A_246 = vector.broadcast %broadcast_in_dim3A_245 : vector<1x4xf32> to vector<640x4xf32>
    %add3A_247 = arith.addf %div3A_242, %add3A_246 : vector<640x4xf32>
    %reduce_max3A_248 = arith.constant dense<0xFF800000> : vector<640xf32>
    %reduce_max3A_249 = vector.multi_reduction <maximumf>, %add3A_247, %reduce_max3A_248 [1] : vector<640x4xf32> to vector<640xf32>
    %broadcast_in_dim3A_250 = vector.shape_cast %reduce_max3A_249 : vector<640xf32> to vector<640x1xf32>
    %sub3A_251 = vector.broadcast %broadcast_in_dim3A_250 : vector<640x1xf32> to vector<640x4xf32>
    %sub3A_252 = arith.subf %add3A_247, %sub3A_251 : vector<640x4xf32>
    %exp3A_253 = math.exp %sub3A_252 : vector<640x4xf32>
    %reduce_sum3A_254 = arith.constant dense<0.000000e+00> : vector<640xf32>
    %reduce_sum3A_255 = vector.multi_reduction <add>, %exp3A_253, %reduce_sum3A_254 [1] : vector<640x4xf32> to vector<640xf32>
    %broadcast_in_dim3A_256 = vector.shape_cast %reduce_sum3A_255 : vector<640xf32> to vector<640x1xf32>
    %div3A_257 = vector.broadcast %broadcast_in_dim3A_256 : vector<640x1xf32> to vector<640x4xf32>
    %div3A_258 = arith.divf %exp3A_253, %div3A_257 : vector<640x4xf32>
    %slice3A_259 = vector.extract_strided_slice %add3A {offsets = [0, 80], sizes = [640, 4], strides = [1, 1]} : vector<640x128xf32> to vector<640x4xf32>
    %slice3A_260 = vector.extract_strided_slice %add3A {offsets = [0, 84], sizes = [640, 1], strides = [1, 1]} : vector<640x128xf32> to vector<640x1xf32>
    %ne3A_261 = arith.constant 0.000000e+00 : f32
    %ne3A_262 = vector.broadcast %ne3A_261 : f32 to vector<640x1xf32>
    %ne3A_263 = arith.cmpf one, %slice3A_260, %ne3A_262 : vector<640x1xf32>
    %jit3A_264 = arith.constant 1.000000e+00 : f32
    %broadcast_in_dim3A_265 = vector.broadcast %jit3A_264 : f32 to vector<640x1xf32>
    %select_n3A_266 = arith.select %ne3A_263, %slice3A_260, %broadcast_in_dim3A_265 : vector<640x1xi1>, vector<640x1xf32>
    %div3A_267 = vector.broadcast %select_n3A_266 : vector<640x1xf32> to vector<640x4xf32>
    %div3A_268 = arith.divf %slice3A_259, %div3A_267 : vector<640x4xf32>
    %get3A_269 = arith.constant 0 : index
    %get3A_270 = vector.load %arg1[%get3A_269] : memref<4xf32, #tpu.memory_space<vmem>>, vector<4xf32>
    %broadcast_in_dim3A_271 = vector.shape_cast %get3A_270 : vector<4xf32> to vector<1x4xf32>
    %add3A_272 = vector.broadcast %broadcast_in_dim3A_271 : vector<1x4xf32> to vector<640x4xf32>
    %add3A_273 = arith.addf %div3A_268, %add3A_272 : vector<640x4xf32>
    %reduce_max3A_274 = arith.constant dense<0xFF800000> : vector<640xf32>
    %reduce_max3A_275 = vector.multi_reduction <maximumf>, %add3A_273, %reduce_max3A_274 [1] : vector<640x4xf32> to vector<640xf32>
    %broadcast_in_dim3A_276 = vector.shape_cast %reduce_max3A_275 : vector<640xf32> to vector<640x1xf32>
    %sub3A_277 = vector.broadcast %broadcast_in_dim3A_276 : vector<640x1xf32> to vector<640x4xf32>
    %sub3A_278 = arith.subf %add3A_273, %sub3A_277 : vector<640x4xf32>
    %exp3A_279 = math.exp %sub3A_278 : vector<640x4xf32>
    %reduce_sum3A_280 = arith.constant dense<0.000000e+00> : vector<640xf32>
    %reduce_sum3A_281 = vector.multi_reduction <add>, %exp3A_279, %reduce_sum3A_280 [1] : vector<640x4xf32> to vector<640xf32>
    %broadcast_in_dim3A_282 = vector.shape_cast %reduce_sum3A_281 : vector<640xf32> to vector<640x1xf32>
    %div3A_283 = vector.broadcast %broadcast_in_dim3A_282 : vector<640x1xf32> to vector<640x4xf32>
    %div3A_284 = arith.divf %exp3A_279, %div3A_283 : vector<640x4xf32>
    %slice3A_285 = vector.extract_strided_slice %add3A {offsets = [0, 88], sizes = [640, 4], strides = [1, 1]} : vector<640x128xf32> to vector<640x4xf32>
    %slice3A_286 = vector.extract_strided_slice %add3A {offsets = [0, 92], sizes = [640, 1], strides = [1, 1]} : vector<640x128xf32> to vector<640x1xf32>
    %ne3A_287 = arith.constant 0.000000e+00 : f32
    %ne3A_288 = vector.broadcast %ne3A_287 : f32 to vector<640x1xf32>
    %ne3A_289 = arith.cmpf one, %slice3A_286, %ne3A_288 : vector<640x1xf32>
    %jit3A_290 = arith.constant 1.000000e+00 : f32
    %broadcast_in_dim3A_291 = vector.broadcast %jit3A_290 : f32 to vector<640x1xf32>
    %select_n3A_292 = arith.select %ne3A_289, %slice3A_286, %broadcast_in_dim3A_291 : vector<640x1xi1>, vector<640x1xf32>
    %div3A_293 = vector.broadcast %select_n3A_292 : vector<640x1xf32> to vector<640x4xf32>
    %div3A_294 = arith.divf %slice3A_285, %div3A_293 : vector<640x4xf32>
    %get3A_295 = arith.constant 0 : index
    %get3A_296 = vector.load %arg1[%get3A_295] : memref<4xf32, #tpu.memory_space<vmem>>, vector<4xf32>
    %broadcast_in_dim3A_297 = vector.shape_cast %get3A_296 : vector<4xf32> to vector<1x4xf32>
    %add3A_298 = vector.broadcast %broadcast_in_dim3A_297 : vector<1x4xf32> to vector<640x4xf32>
    %add3A_299 = arith.addf %div3A_294, %add3A_298 : vector<640x4xf32>
    %reduce_max3A_300 = arith.constant dense<0xFF800000> : vector<640xf32>
    %reduce_max3A_301 = vector.multi_reduction <maximumf>, %add3A_299, %reduce_max3A_300 [1] : vector<640x4xf32> to vector<640xf32>
    %broadcast_in_dim3A_302 = vector.shape_cast %reduce_max3A_301 : vector<640xf32> to vector<640x1xf32>
    %sub3A_303 = vector.broadcast %broadcast_in_dim3A_302 : vector<640x1xf32> to vector<640x4xf32>
    %sub3A_304 = arith.subf %add3A_299, %sub3A_303 : vector<640x4xf32>
    %exp3A_305 = math.exp %sub3A_304 : vector<640x4xf32>
    %reduce_sum3A_306 = arith.constant dense<0.000000e+00> : vector<640xf32>
    %reduce_sum3A_307 = vector.multi_reduction <add>, %exp3A_305, %reduce_sum3A_306 [1] : vector<640x4xf32> to vector<640xf32>
    %broadcast_in_dim3A_308 = vector.shape_cast %reduce_sum3A_307 : vector<640xf32> to vector<640x1xf32>
    %div3A_309 = vector.broadcast %broadcast_in_dim3A_308 : vector<640x1xf32> to vector<640x4xf32>
    %div3A_310 = arith.divf %exp3A_305, %div3A_309 : vector<640x4xf32>
    %slice3A_311 = vector.extract_strided_slice %add3A {offsets = [0, 96], sizes = [640, 4], strides = [1, 1]} : vector<640x128xf32> to vector<640x4xf32>
    %slice3A_312 = vector.extract_strided_slice %add3A {offsets = [0, 100], sizes = [640, 1], strides = [1, 1]} : vector<640x128xf32> to vector<640x1xf32>
    %ne3A_313 = arith.constant 0.000000e+00 : f32
    %ne3A_314 = vector.broadcast %ne3A_313 : f32 to vector<640x1xf32>
    %ne3A_315 = arith.cmpf one, %slice3A_312, %ne3A_314 : vector<640x1xf32>
    %jit3A_316 = arith.constant 1.000000e+00 : f32
    %broadcast_in_dim3A_317 = vector.broadcast %jit3A_316 : f32 to vector<640x1xf32>
    %select_n3A_318 = arith.select %ne3A_315, %slice3A_312, %broadcast_in_dim3A_317 : vector<640x1xi1>, vector<640x1xf32>
    %div3A_319 = vector.broadcast %select_n3A_318 : vector<640x1xf32> to vector<640x4xf32>
    %div3A_320 = arith.divf %slice3A_311, %div3A_319 : vector<640x4xf32>
    %get3A_321 = arith.constant 0 : index
    %get3A_322 = vector.load %arg1[%get3A_321] : memref<4xf32, #tpu.memory_space<vmem>>, vector<4xf32>
    %broadcast_in_dim3A_323 = vector.shape_cast %get3A_322 : vector<4xf32> to vector<1x4xf32>
    %add3A_324 = vector.broadcast %broadcast_in_dim3A_323 : vector<1x4xf32> to vector<640x4xf32>
    %add3A_325 = arith.addf %div3A_320, %add3A_324 : vector<640x4xf32>
    %reduce_max3A_326 = arith.constant dense<0xFF800000> : vector<640xf32>
    %reduce_max3A_327 = vector.multi_reduction <maximumf>, %add3A_325, %reduce_max3A_326 [1] : vector<640x4xf32> to vector<640xf32>
    %broadcast_in_dim3A_328 = vector.shape_cast %reduce_max3A_327 : vector<640xf32> to vector<640x1xf32>
    %sub3A_329 = vector.broadcast %broadcast_in_dim3A_328 : vector<640x1xf32> to vector<640x4xf32>
    %sub3A_330 = arith.subf %add3A_325, %sub3A_329 : vector<640x4xf32>
    %exp3A_331 = math.exp %sub3A_330 : vector<640x4xf32>
    %reduce_sum3A_332 = arith.constant dense<0.000000e+00> : vector<640xf32>
    %reduce_sum3A_333 = vector.multi_reduction <add>, %exp3A_331, %reduce_sum3A_332 [1] : vector<640x4xf32> to vector<640xf32>
    %broadcast_in_dim3A_334 = vector.shape_cast %reduce_sum3A_333 : vector<640xf32> to vector<640x1xf32>
    %div3A_335 = vector.broadcast %broadcast_in_dim3A_334 : vector<640x1xf32> to vector<640x4xf32>
    %div3A_336 = arith.divf %exp3A_331, %div3A_335 : vector<640x4xf32>
    %slice3A_337 = vector.extract_strided_slice %add3A {offsets = [0, 104], sizes = [640, 4], strides = [1, 1]} : vector<640x128xf32> to vector<640x4xf32>
    %slice3A_338 = vector.extract_strided_slice %add3A {offsets = [0, 108], sizes = [640, 1], strides = [1, 1]} : vector<640x128xf32> to vector<640x1xf32>
    %ne3A_339 = arith.constant 0.000000e+00 : f32
    %ne3A_340 = vector.broadcast %ne3A_339 : f32 to vector<640x1xf32>
    %ne3A_341 = arith.cmpf one, %slice3A_338, %ne3A_340 : vector<640x1xf32>
    %jit3A_342 = arith.constant 1.000000e+00 : f32
    %broadcast_in_dim3A_343 = vector.broadcast %jit3A_342 : f32 to vector<640x1xf32>
    %select_n3A_344 = arith.select %ne3A_341, %slice3A_338, %broadcast_in_dim3A_343 : vector<640x1xi1>, vector<640x1xf32>
    %div3A_345 = vector.broadcast %select_n3A_344 : vector<640x1xf32> to vector<640x4xf32>
    %div3A_346 = arith.divf %slice3A_337, %div3A_345 : vector<640x4xf32>
    %get3A_347 = arith.constant 0 : index
    %get3A_348 = vector.load %arg1[%get3A_347] : memref<4xf32, #tpu.memory_space<vmem>>, vector<4xf32>
    %broadcast_in_dim3A_349 = vector.shape_cast %get3A_348 : vector<4xf32> to vector<1x4xf32>
    %add3A_350 = vector.broadcast %broadcast_in_dim3A_349 : vector<1x4xf32> to vector<640x4xf32>
    %add3A_351 = arith.addf %div3A_346, %add3A_350 : vector<640x4xf32>
    %reduce_max3A_352 = arith.constant dense<0xFF800000> : vector<640xf32>
    %reduce_max3A_353 = vector.multi_reduction <maximumf>, %add3A_351, %reduce_max3A_352 [1] : vector<640x4xf32> to vector<640xf32>
    %broadcast_in_dim3A_354 = vector.shape_cast %reduce_max3A_353 : vector<640xf32> to vector<640x1xf32>
    %sub3A_355 = vector.broadcast %broadcast_in_dim3A_354 : vector<640x1xf32> to vector<640x4xf32>
    %sub3A_356 = arith.subf %add3A_351, %sub3A_355 : vector<640x4xf32>
    %exp3A_357 = math.exp %sub3A_356 : vector<640x4xf32>
    %reduce_sum3A_358 = arith.constant dense<0.000000e+00> : vector<640xf32>
    %reduce_sum3A_359 = vector.multi_reduction <add>, %exp3A_357, %reduce_sum3A_358 [1] : vector<640x4xf32> to vector<640xf32>
    %broadcast_in_dim3A_360 = vector.shape_cast %reduce_sum3A_359 : vector<640xf32> to vector<640x1xf32>
    %div3A_361 = vector.broadcast %broadcast_in_dim3A_360 : vector<640x1xf32> to vector<640x4xf32>
    %div3A_362 = arith.divf %exp3A_357, %div3A_361 : vector<640x4xf32>
    %slice3A_363 = vector.extract_strided_slice %add3A {offsets = [0, 112], sizes = [640, 4], strides = [1, 1]} : vector<640x128xf32> to vector<640x4xf32>
    %slice3A_364 = vector.extract_strided_slice %add3A {offsets = [0, 116], sizes = [640, 1], strides = [1, 1]} : vector<640x128xf32> to vector<640x1xf32>
    %ne3A_365 = arith.constant 0.000000e+00 : f32
    %ne3A_366 = vector.broadcast %ne3A_365 : f32 to vector<640x1xf32>
    %ne3A_367 = arith.cmpf one, %slice3A_364, %ne3A_366 : vector<640x1xf32>
    %jit3A_368 = arith.constant 1.000000e+00 : f32
    %broadcast_in_dim3A_369 = vector.broadcast %jit3A_368 : f32 to vector<640x1xf32>
    %select_n3A_370 = arith.select %ne3A_367, %slice3A_364, %broadcast_in_dim3A_369 : vector<640x1xi1>, vector<640x1xf32>
    %div3A_371 = vector.broadcast %select_n3A_370 : vector<640x1xf32> to vector<640x4xf32>
    %div3A_372 = arith.divf %slice3A_363, %div3A_371 : vector<640x4xf32>
    %get3A_373 = arith.constant 0 : index
    %get3A_374 = vector.load %arg1[%get3A_373] : memref<4xf32, #tpu.memory_space<vmem>>, vector<4xf32>
    %broadcast_in_dim3A_375 = vector.shape_cast %get3A_374 : vector<4xf32> to vector<1x4xf32>
    %add3A_376 = vector.broadcast %broadcast_in_dim3A_375 : vector<1x4xf32> to vector<640x4xf32>
    %add3A_377 = arith.addf %div3A_372, %add3A_376 : vector<640x4xf32>
    %reduce_max3A_378 = arith.constant dense<0xFF800000> : vector<640xf32>
    %reduce_max3A_379 = vector.multi_reduction <maximumf>, %add3A_377, %reduce_max3A_378 [1] : vector<640x4xf32> to vector<640xf32>
    %broadcast_in_dim3A_380 = vector.shape_cast %reduce_max3A_379 : vector<640xf32> to vector<640x1xf32>
    %sub3A_381 = vector.broadcast %broadcast_in_dim3A_380 : vector<640x1xf32> to vector<640x4xf32>
    %sub3A_382 = arith.subf %add3A_377, %sub3A_381 : vector<640x4xf32>
    %exp3A_383 = math.exp %sub3A_382 : vector<640x4xf32>
    %reduce_sum3A_384 = arith.constant dense<0.000000e+00> : vector<640xf32>
    %reduce_sum3A_385 = vector.multi_reduction <add>, %exp3A_383, %reduce_sum3A_384 [1] : vector<640x4xf32> to vector<640xf32>
    %broadcast_in_dim3A_386 = vector.shape_cast %reduce_sum3A_385 : vector<640xf32> to vector<640x1xf32>
    %div3A_387 = vector.broadcast %broadcast_in_dim3A_386 : vector<640x1xf32> to vector<640x4xf32>
    %div3A_388 = arith.divf %exp3A_383, %div3A_387 : vector<640x4xf32>
    %slice3A_389 = vector.extract_strided_slice %add3A {offsets = [0, 120], sizes = [640, 4], strides = [1, 1]} : vector<640x128xf32> to vector<640x4xf32>
    %slice3A_390 = vector.extract_strided_slice %add3A {offsets = [0, 124], sizes = [640, 1], strides = [1, 1]} : vector<640x128xf32> to vector<640x1xf32>
    %ne3A_391 = arith.constant 0.000000e+00 : f32
    %ne3A_392 = vector.broadcast %ne3A_391 : f32 to vector<640x1xf32>
    %ne3A_393 = arith.cmpf one, %slice3A_390, %ne3A_392 : vector<640x1xf32>
    %jit3A_394 = arith.constant 1.000000e+00 : f32
    %broadcast_in_dim3A_395 = vector.broadcast %jit3A_394 : f32 to vector<640x1xf32>
    %select_n3A_396 = arith.select %ne3A_393, %slice3A_390, %broadcast_in_dim3A_395 : vector<640x1xi1>, vector<640x1xf32>
    %div3A_397 = vector.broadcast %select_n3A_396 : vector<640x1xf32> to vector<640x4xf32>
    %div3A_398 = arith.divf %slice3A_389, %div3A_397 : vector<640x4xf32>
    %get3A_399 = arith.constant 0 : index
    %get3A_400 = vector.load %arg1[%get3A_399] : memref<4xf32, #tpu.memory_space<vmem>>, vector<4xf32>
    %broadcast_in_dim3A_401 = vector.shape_cast %get3A_400 : vector<4xf32> to vector<1x4xf32>
    %add3A_402 = vector.broadcast %broadcast_in_dim3A_401 : vector<1x4xf32> to vector<640x4xf32>
    %add3A_403 = arith.addf %div3A_398, %add3A_402 : vector<640x4xf32>
    %reduce_max3A_404 = arith.constant dense<0xFF800000> : vector<640xf32>
    %reduce_max3A_405 = vector.multi_reduction <maximumf>, %add3A_403, %reduce_max3A_404 [1] : vector<640x4xf32> to vector<640xf32>
    %broadcast_in_dim3A_406 = vector.shape_cast %reduce_max3A_405 : vector<640xf32> to vector<640x1xf32>
    %sub3A_407 = vector.broadcast %broadcast_in_dim3A_406 : vector<640x1xf32> to vector<640x4xf32>
    %sub3A_408 = arith.subf %add3A_403, %sub3A_407 : vector<640x4xf32>
    %exp3A_409 = math.exp %sub3A_408 : vector<640x4xf32>
    %reduce_sum3A_410 = arith.constant dense<0.000000e+00> : vector<640xf32>
    %reduce_sum3A_411 = vector.multi_reduction <add>, %exp3A_409, %reduce_sum3A_410 [1] : vector<640x4xf32> to vector<640xf32>
    %broadcast_in_dim3A_412 = vector.shape_cast %reduce_sum3A_411 : vector<640xf32> to vector<640x1xf32>
    %div3A_413 = vector.broadcast %broadcast_in_dim3A_412 : vector<640x1xf32> to vector<640x4xf32>
    %div3A_414 = arith.divf %exp3A_409, %div3A_413 : vector<640x4xf32>
    %stack3A = vector.shape_cast %div3A_24 : vector<640x4xf32> to vector<640x1x4xf32>
    %stack3A_415 = vector.shape_cast %div3A_50 : vector<640x4xf32> to vector<640x1x4xf32>
    %stack3A_416 = vector.shape_cast %div3A_76 : vector<640x4xf32> to vector<640x1x4xf32>
    %stack3A_417 = vector.shape_cast %div3A_102 : vector<640x4xf32> to vector<640x1x4xf32>
    %stack3A_418 = vector.shape_cast %div3A_128 : vector<640x4xf32> to vector<640x1x4xf32>
    %stack3A_419 = vector.shape_cast %div3A_154 : vector<640x4xf32> to vector<640x1x4xf32>
    %stack3A_420 = vector.shape_cast %div3A_180 : vector<640x4xf32> to vector<640x1x4xf32>
    %stack3A_421 = vector.shape_cast %div3A_206 : vector<640x4xf32> to vector<640x1x4xf32>
    %stack3A_422 = vector.shape_cast %div3A_232 : vector<640x4xf32> to vector<640x1x4xf32>
    %stack3A_423 = vector.shape_cast %div3A_258 : vector<640x4xf32> to vector<640x1x4xf32>
    %stack3A_424 = vector.shape_cast %div3A_284 : vector<640x4xf32> to vector<640x1x4xf32>
    %stack3A_425 = vector.shape_cast %div3A_310 : vector<640x4xf32> to vector<640x1x4xf32>
    %stack3A_426 = vector.shape_cast %div3A_336 : vector<640x4xf32> to vector<640x1x4xf32>
    %stack3A_427 = vector.shape_cast %div3A_362 : vector<640x4xf32> to vector<640x1x4xf32>
    %stack3A_428 = vector.shape_cast %div3A_388 : vector<640x4xf32> to vector<640x1x4xf32>
    %stack3A_429 = vector.shape_cast %div3A_414 : vector<640x4xf32> to vector<640x1x4xf32>
    %stack3A_430 = tpu.concatenate %stack3A, %stack3A_415, %stack3A_416, %stack3A_417, %stack3A_418, %stack3A_419, %stack3A_420, %stack3A_421, %stack3A_422, %stack3A_423, %stack3A_424, %stack3A_425, %stack3A_426, %stack3A_427, %stack3A_428, %stack3A_429 in 1 : vector<640x1x4xf32>, vector<640x1x4xf32>, vector<640x1x4xf32>, vector<640x1x4xf32>, vector<640x1x4xf32>, vector<640x1x4xf32>, vector<640x1x4xf32>, vector<640x1x4xf32>, vector<640x1x4xf32>, vector<640x1x4xf32>, vector<640x1x4xf32>, vector<640x1x4xf32>, vector<640x1x4xf32>, vector<640x1x4xf32>, vector<640x1x4xf32>, vector<640x1x4xf32> -> vector<640x16x4xf32>
    %reshape3A = vector.shape_cast %stack3A_430 : vector<640x16x4xf32> to vector<10240x4xf32>
    %slice3A_431 = vector.extract_strided_slice %reshape3A {offsets = [0, 0], sizes = [10000, 4], strides = [1, 1]} : vector<10240x4xf32> to vector<10000x4xf32>
    %swap3A = arith.constant 0 : index
    %swap3A_432 = arith.constant 0 : index
    %swap3A_433 = vector.load %arg2[%swap3A, %swap3A_432] : memref<10000x4xf32, #tpu.memory_space<vmem>>, vector<10000x4xf32>
    tpu.vector_store %arg2[%swap3A, %swap3A_432], %slice3A_431 {strides = array<i32>} : memref<10000x4xf32, #tpu.memory_space<vmem>>, vector<10000x4xf32>,
    return
  }
}

</mosaic_0001>

<sc_bundles>
// kernel: kernel.11.cloned.1.call-start
scs
__scs_entry_jumppad:
0x0: {  	(pc) =	sbr.rel $0x88, $3  }
0x1: {  	(tag) =	ssettag $0x0;
	lr =	simm.s32 $0x1  }
0x2: {  	[smem:$0x3F93] =	sst lr;
	_ =	strace $0xD0000000  }
0x3: {  	_ = 	snop  }
0x4: {  	_ = 	snop  }
0x5: {  	_ = 	snop  }
0x6: {  	_ = 	snop  }
0x7: {  	_ = 	snop  }
__scs_overlays_trampoline_lowered:
0x8: {  	[smem:$0x3FA2] =	sst s0  }
0x9: {  	[smem:$0x3FA3] =	sst s1  }
0xa: {  	[smem:$0x3FA4] =	sst s2  }
0xb: {  	[smem:$0x3FA5] =	sst s3  }
0xc: {  	[smem:$0x3FA6] =	sst s4  }
0xd: {  	[smem:$0x3FA7] =	sst s5  }
0xe: {  	[smem:$0x3FA8] =	sst s6  }
0xf: {  	[smem:$0x3FA9] =	sst s7  }
0x10: {  	[smem:$0x3FAA] =	sst s8  }
0x11: {  	[smem:$0x3FAB] =	sst s9;
	s0 =	simm.s32 @!p0 $0x0  }
0x12: {  	s1 =	sld [smem:$0x3F91];
	s0 =	simm.s32 @p0 $0x1  }
0x13: {  	[smem:$0x3FAC] =	sst s0;
	s0 =	simm.s32 @!p1 $0x0  }
0x14: {  	s2 =	sld [smem:$0x3F90];
	s0 =	simm.s32 @p1 $0x1  }
0x15: {  	[smem:$0x3FAD] =	sst s0;
	s0 =	simm.s32 @!p2 $0x0  }
0x16: {  	s3 =	sld [smem:$0x3FDB];
	s0 =	simm.s32 @p2 $0x1  }
0x17: {  	s4 =	simm.s32 $0x1BF5;
	[smem:$0x3FAF] =	sst s0  }
0x18: {  	s0 =	sld [smem:$0x3F92];
	_ =	swait.ge [sflag:s4], $0x0  }
0x19: {  	s7 =	sld [smem:$0x3F93]  }
0x1a: {  	s8 =	sadd.s32 $0xFFFFE003, lr  }
0x1b: {  	s9 =	sadd.s32 $0xFFFFFEF7, lr;
	s5 =	simm.s32 $0xFFFFFFFF;
	p2 =	slt.u32 s8, $0xFFFFF086  }
0x1c: {  	p1 =	slt.u32 s9, $0xF7A;
	s5 =	simm.s32 @!p2 $0x0  }
0x1d: {  	s5 =	simm.s32 @p1 $0x1;
	p0 =	seq.s32 s7, s2  }
0x1e: {  	s7 =	smul.u32 @!p0 $0xF7A, s2;
	p2 =	seq.s32 @!p0 s5, $0x0  }
0x1f: {  	s9 =	smul.u32 $0xF7A, s1;
	s8 =	simm.s32 @!p0 $0x1BF5;
	p2 =	por !p2, p0  }
0x20: {  	[sflag:s8] =	ssyncset.s32 @!p0 $0xFFFFF086;
	s6 =	sadd.s32 @!p0 s3, s7;
	s7 =	simm.s32 @!p0 $0x108  }
0x21: {  	s3 =	sadd.s32 s3, s9;
	s6 =	sadd.s32 @!p0 $0x88, s6;
	s7 =	simm.s32 @p2 $0x1082  }
0x22: {  	[simem:s7], [sflag:s8] =	dma.local @!p0 [hbm:s6], $0xF7A  }
0x23: {  	s9 =	sor.u32 $0xD0000000, s2;
	s6 =	simm.s32 $0x108;
	_ =	swait.ge @!p0 [sflag:s8], $0x0  }
0x24: {  	s3 =	sadd.s32 $0x88, s3;
	s6 =	simm.s32 @!p1 $0x1082;
	[sflag:s4] =	ssyncset.s32 $0xFFFFF086  }
0x25: {  	[simem:s6], [sflag:s4] =	dma.local [hbm:s3], $0xF7A  }
0x26: {  	[smem:$0x3F93] =	sst s1;
	(tag) =	ssettag s2;
	_ =	strace s9  }
0x27: {  	s1 =	sld [smem:$0x3FA3]  }
0x28: {  	s2 =	sld [smem:$0x3FA4]  }
0x29: {  	s4 =	sld [smem:$0x3FA6]  }
0x2a: {  	p0 =	seq.s32 s5, $0x0;
	s5 =	sld [smem:$0x3FA7]  }
0x2b: {  	s6 =	sld [smem:$0x3FA8]  }
0x2c: {  	s7 =	sld [smem:$0x3FA9]  }
0x2d: {  	s3 =	simm.s32 $0x108;
	s8 =	sld [smem:$0x3FAA]  }
0x2e: {  	s3 =	simm.s32 @!p0 $0x1082;
	s9 =	sld [smem:$0x3FAB]  }
0x2f: {  	lr =	sadd.s32 s0, s3;
	s0 =	sld [smem:$0x3FA2]  }
0x30: {  	s3 =	sld [smem:$0x3FA5]  }
0x31: {  	[smem:$0x3FAE] =	sst s10  }
0x32: {  	s10 =	sld [smem:$0x3FAC];
	_ =	sdelay $0x3  }
0x33: {  	p0 =	seq.s32 s10, $0x1;
	s10 =	sld [smem:$0x3FAE];
	_ =	sdelay $0x3  }
0x34: {  	[smem:$0x3FAE] =	sst s10  }
0x35: {  	s10 =	sld [smem:$0x3FAD];
	_ =	sdelay $0x3  }
0x36: {  	p1 =	seq.s32 s10, $0x1;
	s10 =	sld [smem:$0x3FAE];
	_ =	sdelay $0x3  }
0x37: {  	[smem:$0x3FAE] =	sst s10  }
0x38: {  	s10 =	sld [smem:$0x3FAF]  }
0x39: {  	_ = 	snop;
	(pc) =	sbr.ind lr, $3  }
0x3a: {  	_ = 	snop  }
0x3b: {  	_ = 	snop  }
0x3c: {  	p2 =	seq.s32 s10, $0x1;
	s10 =	sld [smem:$0x3FAE]  }
0x3d: {  	_ =	shalt  }
0x3e: {  	_ =	shalt  }
0x3f: {  	_ =	shalt  }
0x40: {  	_ =	shalt  }
0x41: {  	_ =	shalt  }
0x42: {  	_ =	shalt  }
0x43: {  	_ =	shalt  }
0x44: {  	_ =	shalt  }
0x45: {  	_ =	shalt  }
0x46: {  	_ =	shalt  }
0x47: {  	_ =	shalt  }
0x48: {  	_ =	shalt  }
0x49: {  	_ =	shalt  }
0x4a: {  	_ =	shalt  }
0x4b: {  	_ =	shalt  }
0x4c: {  	_ =	shalt  }
0x4d: {  	_ =	shalt  }
0x4e: {  	_ =	shalt  }
0x4f: {  	_ =	shalt  }
0x50: {  	_ =	shalt  }
0x51: {  	_ =	shalt  }
0x52: {  	_ =	shalt  }
0x53: {  	_ =	shalt  }
0x54: {  	_ =	shalt  }
0x55: {  	_ =	shalt  }
0x56: {  	_ =	shalt  }
0x57: {  	_ =	shalt  }
0x58: {  	_ =	shalt  }
0x59: {  	_ =	shalt  }
0x5a: {  	_ =	shalt  }
0x5b: {  	_ =	shalt  }
0x5c: {  	_ =	shalt  }
0x5d: {  	_ =	shalt  }
0x5e: {  	_ =	shalt  }
0x5f: {  	_ =	shalt  }
0x60: {  	_ =	shalt  }
0x61: {  	_ =	shalt  }
0x62: {  	_ =	shalt  }
0x63: {  	_ =	shalt  }
0x64: {  	_ =	shalt  }
0x65: {  	_ =	shalt  }
0x66: {  	_ =	shalt  }
0x67: {  	_ =	shalt  }
0x68: {  	_ =	shalt  }
0x69: {  	_ =	shalt  }
0x6a: {  	_ =	shalt  }
0x6b: {  	_ =	shalt  }
0x6c: {  	_ =	shalt  }
0x6d: {  	_ =	shalt  }
0x6e: {  	_ =	shalt  }
0x6f: {  	_ =	shalt  }
0x70: {  	_ =	shalt  }
0x71: {  	_ =	shalt  }
0x72: {  	_ =	shalt  }
0x73: {  	_ =	shalt  }
0x74: {  	_ =	shalt  }
0x75: {  	_ =	shalt  }
0x76: {  	_ =	shalt  }
0x77: {  	_ =	shalt  }
0x78: {  	_ =	shalt  }
0x79: {  	_ =	shalt  }
0x7a: {  	_ =	shalt  }
0x7b: {  	_ =	shalt  }
0x7c: {  	_ =	shalt  }
0x7d: {  	_ =	shalt  }
0x7e: {  	_ =	shalt  }
0x7f: {  	_ =	shalt  }
0x80: {  	_ =	shalt  }
0x81: {  	_ =	shalt  }
0x82: {  	_ =	shalt  }
0x83: {  	_ =	shalt  }
0x84: {  	_ =	shalt  }
0x85: {  	_ =	shalt  }
0x86: {  	_ =	shalt  }
0x87: {  	_ =	shalt  }
.Lfunc_end0:
.L_simem_size_0:
called_computation.1_lowered:
.L_overlay_start_0:
0x88: {  	s2 =	sld [smem:$0x3FD9]  }
0x89: {  	s3 =	sld [smem:$0x3FFE];
	_ =	sdelay $0x1  }
0x8a: {  	s1 =	srdreg.scid  }
0x8b: {  	s0 =	sand.u32 $0x1, s1  }
0x8c: {  	s17 =	sshll.u32 s0, $0xA;
	s2 =	sadd.s32 s3, s2  }
0x8d: {  	s2 =	sadd.s32 s2, s17  }
0x8e: {  	[smem:$0x3FBA] =	sst s2  }
0x8f: {  	_ = 	snop  }
0x90: {  	s2 =	sld [smem:$0x3FD0];
	(tm) =	ssettm $0x1  }
0x91: {  	s18 =	sld [smem:$0x3FFB];
	_ =	sdelay $0x3  }
0x92: {  	_ =	strace s18  }
0x93: {  	s3 =	sld [smem:$0x3FFC];
	_ =	sdelay $0x3  }
0x94: {  	_ =	strace s3  }
0x95: {  	s3 =	sld [smem:$0x3FFD];
	_ =	sdelay $0x3  }
0x96: {  	_ =	strace s3  }
0x97: {  	_ =	strace $0x8FFFFFFF  }
0x98: {  	s19 =	sld [smem:$0x3FDB];
	_ =	sdelay $0x1  }
0x99: {  	s4 =	simm.s32 $_scs_section_size  }
0x9a: {  	s5 =	simm.s32 $_size__tile_overlayer_lowered;
	s6 =	simm.s32 $_tile_overlayer_lowered  }
0x9b: {  	s22 =	simm.s32 $0x1BFF;
	s21 =	sshll.u32 s6, $0x1;
	s3 =	sadd.s32 s4, s19  }
0x9c: {  	s7 =	simm.s32 $0x0;
	s20 =	sshll.u32 s5, $0x1;
	s5 =	sadd.s32 s21, s3  }
0x9d: {  	[timem:s7], [sflag:s22] =	dma.local [hbm:s5], s20  }
0x9e: {  	_ =	swait.ge [sflag:s22], s20  }
0x9f: {  	s4 =	ssub.s32 $0x0, s20;
	[sflag:s22] =	ssyncset.done $0x0  }
0xa0: {  	[sflag:s22] =	ssyncadd.s32 s4;
	_ =	sdelay $0x1  }
0xa1: {  	s23 =	simm.s32 $0x1B8B  }
0xa2: {  	_ =	swait.ge [sflag:s23], $0x1  }
0xa3: {  	[sflag:s23] =	ssyncset.done $0x0  }
0xa4: {  	s25 =	simm.s32 $0x1B8E;
	s24 =	sld [smem:$0x3FFE];
	[sflag:s23] =	ssyncadd.s32 $0xFFFFFFFF  }
0xa5: {  	s26 =	simm.s32 $execute0_lowered;
	[smem:$0x3FD2] =	sst s25  }
0xa6: {  	s5 =	sshll.u32 s26, $0x1;
	_ =	strace $0x80000046;
	[dreg:$0x1] =	wrdreg $0xFFFFFFFF  }
0xa7: {  	s28 =	simm.s32 $_size_execute0_lowered;
	s3 =	sadd.s32 s3, s5;
	[dreg:$0x0] =	wrdreg $0x0  }
0xa8: {  	s5 =	sshll.u32 s28, $0x1;
	[dreg:$0x2] =	wrdreg s3  }
0xa9: {  	[dreg:$0x3] =	wrdreg s5  }
0xaa: {  	[dreg:$0x4] =	wrdreg $0xC0  }
0xab: {  	_ =	task [dreg:s7], $0x5FFFF  }
0xac: {  	[dreg:$0x1] =	wrdreg $0xFFFFFFFF  }
0xad: {  	[dreg:$0x0] =	wrdreg $0x60  }
0xae: {  	[dreg:$0x2] =	wrdreg s24  }
0xaf: {  	[dreg:$0x3] =	wrdreg s2  }
0xb0: {  	[dreg:$0x4] =	wrdreg $0x82000  }
0xb1: {  	[dreg:$0x5] =	wrdreg $0xA  }
0xb2: {  	_ =	task.clear_ibuf [dreg:s7], $0x6FFFF;
	_ =	strace $0x90000046  }
0xb3: {  	s29 =	simm.s32 $0xA;
	_ =	strace $0x80000048  }
0xb4: {  	_ =	swait.ge [sflag:s29], $0x1  }
0xb5: {  	[sflag:s29] =	ssyncadd.s32 $0xFFFFFFFF  }
0xb6: {  	_ =	strace $0x90000048  }
0xb7: {  	_ =	sfence  }
0xb8: {  	s30 =	sld [smem:$0x0];
	_ =	sdelay $0x2  }
0xb9: {  	s31 =	sshll.u32 s1, $0xD;
	s1 =	sshrl.u32 s1, $0x2  }
0xba: {  	s3 =	sand.u32 $0x4000, s31;
	s1 =	sadd.s32 s1, s30  }
0xbb: {  	s0 =	sor.u32 s3, s0;
	s1 =	sshll.u32 s1, $0x11  }
0xbc: {  	s0 =	sor.u32 s1, s0  }
0xbd: {  	s0 =	sadd.s32 $0x8F2B, s0  }
0xbe: {  	[sflag:s0] =	ssyncadd.remote.s32 $0x1  }
0xbf: {  	_ =	sfence.sel $0xFFFF  }
0xc0: {  	[dreg:$0x0] =	wrdreg $0xFFFFFFFF;
	(pc) =	sbr.abs _section_cstart, $3  }
0xc1: {  	[dreg:$0x1] =	wrdreg $0xFFFFFFFF  }
0xc2: {  	_ =	task.clear_ibuf [dreg:s7], $0x2FFFF;
	_ =	strace $0x9FFFFFFF  }
0xc3: {  	(tm) =	ssettm $0x7FFFFFFF  }
tec
execute0_lowered:
.L_overlay_start_1:
0x0: {  	(tag) =	ssettag $0x1  }
0x1: {  	s0 =	rddreg [dreg:$0x0]  }
0x2: {  	s1 =	rddreg [dreg:$0x1]  }
0x3: {  	s2 =	rddreg [dreg:$0x2];
	s3 =	srdreg.scid;
	s4 =	simm.s32 $0x0  }
0x4: {  	s16 =	simm.s32 $0x8180;
	s17 =	simm.s32 $0x3;
	s18 =	simm.s32 $0x80  }
0x5: {  	s19 =	simm.s32 $0x180;
	s20 =	simm.s32 $0x1;
	s21 =	simm.s32 $0x2  }
0x6: {  	s22 =	simm.s32 $0x100;
	s23 =	simm.s32 $0x4180;
	s8 =	sand.u32 $0x1, s3  }
0x7: {  	s26 =	simm.s32 $0x0;
	s3 =	stileid.u32;
	s6 =	smul.u32 $0x140000, s8  }
0x8: {  	[smem:$0x7FF] =	sst s4;
	s5 =	sadd.s32 $0x16C00, s0;
	s7 =	smul.u32 $0x14000, s3  }
0x9: {  	_ =	strace $0x80000047;
	s10 =	smul.u32 $0x50000, s3;
	s30 =	ssub.s32 $0x2, s8  }
0xa: {  	s12 =	sshll.u32 s8, $0x4;
	s31 =	sshll.u32 s3, $0x6;
	s11 =	sshrl.u32 s30, $0x1  }
0xb: {  	s13 =	sor.u32 s3, s12;
	s24 =	sor.u32 $0x1C03, s31;
	s9 =	sadd.s32 s7, s6  }
0xc: {  	s6 =	sadd.s32 $0x2800, s0;
	s7 =	sadd.s32 $0xCA00, s0;
	s10 =	sshrl.u32 s10, $0x2  }
0xd: {  	s15 =	ssub.s32 s30, s11;
	s13 =	smul.u32 $0x51, s13;
	s9 =	sshrl.u32 s9, $0x3  }
0xe: {  	s8 =	sadd.s32 s10, s2;
	s15 =	smax.u32 s15, $0x1;
	s0 =	sadd.s32 s9, s0  }
0xf: {  	s9 =	sadd.s32 $0x4000, s8;
	s10 =	sadd.s32 $0x8000, s8;
	s11 =	sadd.s32 $0xC000, s8  }
0x10: {  	v0 =	vimm.s32 $0x2710;
	v1 =	vimm.s32 $0xF;
	s12 =	sadd.s32 $0x10000, s8;
	s25 =	sshrl.u32 s8, $0x3;
	s14 =	sadd.s32 $0x66C00, s0  }
.LBB2_1:
0x11: {  	[tilespmem:$0x0] =	vst v0  }
0x12: {  	[tilespmem:$0x10] =	vst v0  }
0x13: {  	[tilespmem:$0x20] =	vst v0  }
0x14: {  	[tilespmem:$0x30] =	vst v0  }
0x15: {  	[tilespmem:$0x40] =	vst v0  }
0x16: {  	[tilespmem:$0x50] =	vst v0  }
0x17: {  	[tilespmem:$0x60] =	vst v0  }
0x18: {  	[tilespmem:$0x70] =	vst v0  }
0x19: {  	[tilespmem:s16], [sflag:$0x3] =	stream.linear.gather [hbm4b:s1+s4], $0x80, $0x38;
	[tilespmem:$0x1C200] =	vst v63  }
0x1a: {  	_ =	swait.ge [sflag:s17], $0x80  }
0x1b: {  	[sflag:s17] =	ssyncset.done $0x0  }
0x1c: {  	[sflag:s17] =	ssyncadd.s32 $0xFFFFFF80  }
0x1d: {  	[tilespmem:s19], [sflag:$0x1] =	stream.indirect.gather [hbm4b:s5+s18], $0x80, s4, s18, $0xb8;
	[tilespmem:$0x1C200] =	vst v63  }
0x1e: {  	_ =	swait.ge [sflag:s20], $0x4000  }
0x1f: {  	[sflag:s20] =	ssyncset.done $0x0  }
0x20: {  	[sflag:s20] =	ssyncadd.s32 $0xFFFFC000  }
0x21: {  	[spmem:s8] =	stream.linear.scatter [tilespmem:s19], [sflag:$0x3], $0x4000, $0x38;
	[tilespmem:$0x1C200] =	vst v63  }
0x22: {  	_ =	swait.ge [sflag:s17], $0x4000  }
0x23: {  	[sflag:s17] =	ssyncset.done $0x0  }
0x24: {  	[sflag:s17] =	ssyncadd.s32 $0xFFFFC000  }
0x25: {  	[spmem:s9] =	stream.linear.scatter [tilespmem:s19], [sflag:$0x3], $0x4000, $0x38;
	[tilespmem:$0x1C200] =	vst v63  }
0x26: {  	_ =	swait.ge [sflag:s17], $0x4000  }
0x27: {  	[sflag:s17] =	ssyncset.done $0x0  }
0x28: {  	[sflag:s17] =	ssyncadd.s32 $0xFFFFC000  }
0x29: {  	[spmem:s10] =	stream.linear.scatter [tilespmem:s19], [sflag:$0x3], $0x4000, $0x38;
	[tilespmem:$0x1C200] =	vst v63  }
0x2a: {  	_ =	swait.ge [sflag:s17], $0x4000  }
0x2b: {  	[sflag:s17] =	ssyncset.done $0x0  }
0x2c: {  	[sflag:s17] =	ssyncadd.s32 $0xFFFFC000  }
0x2d: {  	[spmem:s11] =	stream.linear.scatter [tilespmem:s19], [sflag:$0x3], $0x4000, $0x38;
	[tilespmem:$0x1C200] =	vst v63  }
0x2e: {  	_ =	swait.ge [sflag:s17], $0x4000  }
0x2f: {  	[sflag:s17] =	ssyncset.done $0x0  }
0x30: {  	[sflag:s17] =	ssyncadd.s32 $0xFFFFC000  }
0x31: {  	[spmem:s12] =	stream.linear.scatter [tilespmem:s19], [sflag:$0x3], $0x4000, $0x38;
	[tilespmem:$0x1C200] =	vst v63  }
0x32: {  	_ =	swait.ge [sflag:s17], $0x4000  }
0x33: {  	[sflag:s17] =	ssyncset.done $0x0  }
0x34: {  	[sflag:s17] =	ssyncadd.s32 $0xFFFFC000  }
0x35: {  	s28 =	simm.s32 $0x0;
	[bflag:$0x0] =	sbarrier.arrive $0xFFFF  }
.LBB2_2:
0x36: {  	s0 =	sadd.s32 s13, s28  }
0x37: {  	s0 =	sshll.u32 s0, $0x4  }
0x38: {  	s29 =	sadd.s32 s6, s0  }
0x39: {  	[tilespmem:s4], [sflag:$0x1] =	stream.linear.gather [hbm4b:s29+s4], $0x80, $0x38;
	[tilespmem:$0x1C200] =	vst v63  }
0x3a: {  	s0 =	sadd.s32 s7, s0  }
0x3b: {  	[tilespmem:s18], [sflag:$0x2] =	stream.linear.gather [hbm4b:s0+s4], $0x80, $0x38;
	[tilespmem:$0x1C200] =	vst v63  }
0x3c: {  	_ =	swait.ge [sflag:s20], $0x80  }
0x3d: {  	[sflag:s20] =	ssyncset.done $0x0  }
0x3e: {  	[sflag:s20] =	ssyncadd.s32 $0xFFFFFF80  }
0x3f: {  	_ =	swait.ge [sflag:s21], $0x80  }
0x40: {  	[sflag:s21] =	ssyncset.done $0x0  }
0x41: {  	[sflag:s21] =	ssyncadd.s32 $0xFFFFFF80  }
0x42: {  	v2 =	vld [tilespmem:$0x80]  }
0x43: {  	v3 =	vld [tilespmem:$0x90]  }
0x44: {  	v4 =	vld [tilespmem:$0xA0]  }
0x45: {  	v5 =	vld [tilespmem:$0xB0]  }
0x46: {  	v6 =	vld [tilespmem:$0xC0]  }
0x47: {  	v7 =	vld [tilespmem:$0xD0];
	v2 =	vadd.s32 $0x2800, v2  }
0x48: {  	[tilespmem:$0x100] =	vst v2;
	v2 =	vadd.s32 $0x2800, v3;
	v3 =	vld [tilespmem:$0xE0]  }
0x49: {  	v58 =	vld [tilespmem:$0xF0];
	[tilespmem:$0x110] =	vst v2;
	v2 =	vadd.s32 $0x2800, v4  }
0x4a: {  	[tilespmem:$0x120] =	vst v2;
	v2 =	vadd.s32 $0x2800, v5  }
0x4b: {  	[tilespmem:$0x130] =	vst v2;
	v2 =	vadd.s32 $0x2800, v6  }
0x4c: {  	[tilespmem:$0x140] =	vst v2;
	v2 =	vadd.s32 $0x2800, v7  }
0x4d: {  	[tilespmem:$0x150] =	vst v2;
	v2 =	vadd.s32 $0x2800, v3  }
0x4e: {  	[tilespmem:$0x160] =	vst v2;
	v2 =	vadd.s32 $0x2800, v58  }
0x4f: {  	[tilespmem:$0x170] =	vst v2  }
0x50: {  	[tilespmem:s19], [sflag:$0x1] =	stream.indirect.gather [hbm4b:s5+s18], $0x80, s4, s18, $0xb8;
	[tilespmem:$0x1C200] =	vst v63  }
0x51: {  	_ = 	snop  }
0x52: {  	[tilespmem:s23], [sflag:$0x2] =	stream.indirect.gather [hbm4b:s5+s18], $0x80, s22, s18, $0xb8;
	[tilespmem:$0x1C200] =	vst v63  }
0x53: {  	_ =	swait.ge [sflag:s20], $0x4000  }
0x54: {  	[sflag:s20] =	ssyncset.done $0x0  }
0x55: {  	[sflag:s20] =	ssyncadd.s32 $0xFFFFC000  }
0x56: {  	_ =	swait.ge [sflag:s21], $0x4000  }
0x57: {  	[sflag:s21] =	ssyncset.done $0x0  }
0x58: {  	s29 =	simm.s32 $0x200;
	[sflag:s21] =	ssyncadd.s32 $0xFFFFC000  }
0x59: {  	v2 =	vld [tilespmem:s29+$0xFFFFFFE0]  }
0x5a: {  	v3 =	vld [tilespmem:s29+$0xFFFFFFF0]  }
0x5b: {  	v59 =	vld [tilespmem:s29+$0xFFFFFFC0]  }
0x5c: {  	v60 =	vld [tilespmem:s29+$0xFFFFFFB0]  }
0x5d: {  	v61 =	vld [tilespmem:s29+$0xFFFFFF90]  }
0x5e: {  	v62 =	vld [tilespmem:s29+$0xFFFFFFD0]  }
0x5f: {  	v8 =	vld [tilespmem:s29+$0xFFFFFFA0]  }
0x60: {  	s30 =	simm.s32 $0x4200;
	v9 =	vld [tilespmem:s29+$0xFFFFFF80]  }
0x61: {  	v10 =	vld [tilespmem:s30+$0xFFFFFFA0]  }
0x62: {  	v11 =	vld [tilespmem:s30+$0xFFFFFF80]  }
0x63: {  	v12 =	vld [tilespmem:s30+$0xFFFFFF90]  }
0x64: {  	v13 =	vld [tilespmem:s30+$0xFFFFFFD0]  }
0x65: {  	v14 =	vld [tilespmem:s30+$0xFFFFFFB0]  }
0x66: {  	v24 =	vld [tilespmem:s30+$0xFFFFFFC0]  }
0x67: {  	v26 =	vld [tilespmem:s30+$0xFFFFFFF0]  }
0x68: {  	v15 =	vld [tilespmem:$0x81B0]  }
0x69: {  	v19 =	vld [tilespmem:s30+$0xFFFFFFE0];
	v9 =	vadd.f32 v11, v9;
	v8 =	vadd.f32 v10, v8  }
0x6a: {  	v16 =	vld [tilespmem:$0x81A0];
	v7 =	vadd.f32 v13, v62;
	v6 =	vadd.f32 v12, v61  }
0x6b: {  	v17 =	vld [tilespmem:$0x8190];
	v5 =	vadd.f32 v14, v60;
	v4 =	vadd.f32 v24, v59;
	v25 =	vmul.f32 $2.000000030e-01, v9  }
0x6c: {  	v63 =	vld [tilespmem:$0x8180];
	v3 =	vadd.f32 v26, v3;
	v27 =	vmul.f32 $2.000000030e-01, v8;
	v18 =	vmul.f32 $2.000000030e-01, v7  }
0x6d: {  	v20 =	vld [tilespmem:$0x81D0];
	v21 =	vmul.f32 $2.000000030e-01, v6;
	v22 =	vmul.f32 $2.000000030e-01, v5  }
0x6e: {  	v28 =	vld [tilespmem:$0x81C0];
	v2 =	vadd.f32 v19, v2;
	v31 =	vmul.f32 $2.000000030e-01, v4;
	v32 =	vmul.f32 $2.000000030e-01, v3  }
0x6f: {  	v29 =	vld [tilespmem:$0x81E0];
	v9 =	vmax.f32 v9, v25;
	v8 =	vmax.f32 v8, v27;
	v6 =	vmax.f32 v6, v21  }
0x70: {  	v30 =	vld [tilespmem:$0x81F0];
	v5 =	vmax.f32 v5, v22;
	v8 =	vmul.f32 v16, v8;
	v6 =	vmul.f32 v17, v6  }
0x71: {  	v5 =	vmul.f32 v15, v5;
	v9 =	vmul.f32 v63, v9  }
0x72: {  	v33 =	vmul.f32 $2.000000030e-01, v2;
	v7 =	vmax.f32 v7, v18;
	v4 =	vmax.f32 v4, v31  }
0x73: {  	v3 =	vmax.f32 v3, v32;
	v5 =	vadd.f32 v5, v8;
	v6 =	vadd.f32 v6, v9  }
0x74: {  	v2 =	vmax.f32 v2, v33;
	v7 =	vmul.f32 v20, v7;
	v4 =	vmul.f32 v28, v4  }
0x75: {  	v2 =	vmul.f32 v29, v2;
	v3 =	vmul.f32 v30, v3;
	v5 =	vadd.f32 v5, v6;
	_ =	sdelay $0x1  }
0x76: {  	v4 =	vadd.f32 v7, v4;
	v2 =	vadd.f32 v3, v2;
	(xrf2) =	vadd.scan.msk.f32 $0xffff, v5;
	_ =	sdelay $0x1  }
0x77: {  	v2 =	vadd.f32 v2, v4;
	_ =	sdelay $0x1  }
0x78: {  	(xrf2) =	vadd.scan.msk.f32 $0xffff, v2;
	_ =	sdelay $0x5  }
0x79: {  	v2, _, _ =	vpop (xrf2)  }
0x7a: {  	v2 =	vperm.xlane v2, v1;
	_ =	sdelay $0x1  }
0x7b: {  	v2 =	vmul.f32 $1.442695020e+00, v2  }
0x7c: {  	v3, _, _ =	vpop (xrf2)  }
0x7d: {  	(erf) = vpow2.f32 v2;
	v2 =	vperm.xlane v3, v1;
	_ =	sdelay $0x1  }
0x7e: {  	v2 =	vmul.f32 $1.442695020e+00, v2;
	_ =	sdelay $0x1  }
0x7f: {  	(erf) = vpow2.f32 v2;
	_ =	sdelay $0x4  }
0x80: {  	v2 =	vpop (erf)  }
0x81: {  	v35 =	vld [tilespmem:s29+$0x70];
	[tilespmem:s29+$0xFFFFFF80] =	vst v2  }
0x82: {  	v36 =	vld [tilespmem:s29+$0x60];
	[tilespmem:s29+$0xFFFFFF90] =	vst v2  }
0x83: {  	v37 =	vld [tilespmem:s29+$0x30];
	[tilespmem:s29+$0xFFFFFFA0] =	vst v2  }
0x84: {  	v38 =	vld [tilespmem:s29+$0x10];
	[tilespmem:s29+$0xFFFFFFB0] =	vst v2;
	v34 =	vpop (erf)  }
0x85: {  	v39 =	vld [tilespmem:s29+$0x20];
	[tilespmem:s29+$0xFFFFFFC0] =	vst v34  }
0x86: {  	v40 =	vld [tilespmem:s29+$0x0];
	[tilespmem:s29+$0xFFFFFFE0] =	vst v34  }
0x87: {  	v3 =	vld [tilespmem:s29+$0x50];
	[tilespmem:s29+$0xFFFFFFF0] =	vst v34  }
0x88: {  	v2 =	vld [tilespmem:s29+$0x40];
	[tilespmem:s29+$0xFFFFFFD0] =	vst v34  }
0x89: {  	v41 =	vld [tilespmem:s30+$0x0]  }
0x8a: {  	v43 =	vld [tilespmem:s30+$0x20]  }
0x8b: {  	v45 =	vld [tilespmem:s30+$0x10]  }
0x8c: {  	v47 =	vld [tilespmem:s30+$0x30]  }
0x8d: {  	v48 =	vld [tilespmem:s30+$0x60]  }
0x8e: {  	v49 =	vld [tilespmem:s30+$0x70]  }
0x8f: {  	v51 =	vld [tilespmem:s30+$0x40]  }
0x90: {  	v52 =	vld [tilespmem:s30+$0x50]  }
0x91: {  	v4 =	vadd.f32 v41, v40;
	v9 =	vadd.f32 v43, v39  }
0x92: {  	v42 =	vld [tilespmem:$0x8190];
	v8 =	vadd.f32 v45, v38;
	v7 =	vadd.f32 v47, v37  }
0x93: {  	v44 =	vld [tilespmem:$0x81B0];
	v6 =	vadd.f32 v48, v36;
	v5 =	vadd.f32 v49, v35  }
0x94: {  	v46 =	vld [tilespmem:$0x8180];
	v2 =	vadd.f32 v51, v2;
	v50 =	vmul.f32 $2.000000030e-01, v4;
	v53 =	vmul.f32 $2.000000030e-01, v9  }
0x95: {  	v54 =	vld [tilespmem:$0x81A0];
	v3 =	vadd.f32 v52, v3;
	v55 =	vmul.f32 $2.000000030e-01, v8;
	v16 =	vmul.f32 $2.000000030e-01, v7  }
0x96: {  	v60 =	vld [tilespmem:$0x81C0];
	v59 =	vmul.f32 $2.000000030e-01, v6;
	v61 =	vmul.f32 $2.000000030e-01, v5  }
0x97: {  	v56 =	vld [tilespmem:$0x81D0];
	v62 =	vmul.f32 $2.000000030e-01, v2;
	v63 =	vmul.f32 $2.000000030e-01, v3  }
0x98: {  	v57 =	vld [tilespmem:$0x81E0];
	v4 =	vmax.f32 v4, v50;
	v9 =	vmax.f32 v9, v53;
	v8 =	vmax.f32 v8, v55  }
0x99: {  	v58 =	vld [tilespmem:$0x81F0];
	v7 =	vmax.f32 v7, v16;
	v4 =	vmul.f32 v46, v4;
	v8 =	vmul.f32 v42, v8  }
0x9a: {  	v2 =	vmax.f32 v2, v62;
	v9 =	vmul.f32 v54, v9;
	v7 =	vmul.f32 v44, v7  }
0x9b: {  	v6 =	vmax.f32 v6, v59;
	v3 =	vmax.f32 v3, v63;
	v2 =	vmul.f32 v60, v2  }
0x9c: {  	v3 =	vmul.f32 v56, v3;
	v4 =	vadd.f32 v8, v4;
	v7 =	vadd.f32 v7, v9  }
0x9d: {  	v5 =	vmax.f32 v5, v61;
	v6 =	vmul.f32 v57, v6  }
0x9e: {  	v5 =	vmul.f32 v58, v5;
	v2 =	vadd.f32 v3, v2;
	v3 =	vadd.f32 v7, v4;
	_ =	sdelay $0x1  }
0x9f: {  	v5 =	vadd.f32 v5, v6;
	(xrf2) =	vadd.scan.msk.f32 $0xffff, v3;
	_ =	sdelay $0x1  }
0xa0: {  	v2 =	vadd.f32 v5, v2;
	_ =	sdelay $0x1  }
0xa1: {  	s31 =	simm.s32 $0x200;
	s0 =	simm.s32 $0x0;
	(xrf2) =	vadd.scan.msk.f32 $0xffff, v2  }
.LBB2_3:
0xa2: {  	_ = 	snop  }
0xa3: {  	s0 =	sadd.s32 $0x2, s0;
	s30 =	sadd.s32 $0x100, s30;
	s29 =	sadd.s32 $0x100, s29  }
0xa4: {  	p0 =	slt.u32 s0, $0x7E;
	_ =	sdelay $0x2  }
0xa5: {  	v2, _, _ =	vpop (xrf2)  }
0xa6: {  	v2 =	vperm.xlane v2, v1;
	_ =	sdelay $0x1  }
0xa7: {  	v2 =	vmul.f32 $1.442695020e+00, v2  }
0xa8: {  	v3, _, _ =	vpop (xrf2)  }
0xa9: {  	v3 =	vperm.xlane v3, v1;
	(erf) = vpow2.f32 v2;
	_ =	sdelay $0x1  }
0xaa: {  	v2 =	vmul.f32 $1.442695020e+00, v3;
	_ =	sdelay $0x1  }
0xab: {  	(erf) = vpow2.f32 v2;
	_ =	sdelay $0x4  }
0xac: {  	v2 =	vpop (erf)  }
0xad: {  	[tilespmem:s31+$0x0] =	vst v2  }
0xae: {  	[tilespmem:s31+$0x10] =	vst v2  }
0xaf: {  	[tilespmem:s31+$0x20] =	vst v2  }
0xb0: {  	v3 =	vld [tilespmem:s29+$0xFFFFFFE0];
	[tilespmem:s31+$0x30] =	vst v2;
	v2 =	vpop (erf)  }
0xb1: {  	v4 =	vld [tilespmem:s29+$0xFFFFFFF0];
	[tilespmem:s31+$0x40] =	vst v2  }
0xb2: {  	v5 =	vld [tilespmem:s29+$0xFFFFFFC0];
	[tilespmem:s31+$0x50] =	vst v2  }
0xb3: {  	v6 =	vld [tilespmem:s29+$0xFFFFFFB0];
	[tilespmem:s31+$0x60] =	vst v2  }
0xb4: {  	v7 =	vld [tilespmem:s29+$0xFFFFFF90];
	[tilespmem:s31+$0x70] =	vst v2;
	s31 =	smov.u32 s29  }
0xb5: {  	v2 =	vld [tilespmem:s29+$0xFFFFFFD0]  }
0xb6: {  	v8 =	vld [tilespmem:s29+$0xFFFFFFA0]  }
0xb7: {  	v9 =	vld [tilespmem:s29+$0xFFFFFF80]  }
0xb8: {  	v10 =	vld [tilespmem:s30+$0xFFFFFFA0]  }
0xb9: {  	v11 =	vld [tilespmem:s30+$0xFFFFFF80]  }
0xba: {  	v12 =	vld [tilespmem:s30+$0xFFFFFF90]  }
0xbb: {  	v13 =	vld [tilespmem:s30+$0xFFFFFFD0]  }
0xbc: {  	v14 =	vld [tilespmem:s30+$0xFFFFFFB0]  }
0xbd: {  	v15 =	vld [tilespmem:$0x81D0]  }
0xbe: {  	v16 =	vld [tilespmem:$0x81C0]  }
0xbf: {  	v9 =	vadd.f32 v11, v9;
	v17 =	vld [tilespmem:$0x81B0]  }
0xc0: {  	v8 =	vadd.f32 v10, v8;
	v11 =	vld [tilespmem:$0x81A0];
	v2 =	vadd.f32 v13, v2  }
0xc1: {  	v7 =	vadd.f32 v12, v7;
	v13 =	vmul.f32 $2.000000030e-01, v9;
	v10 =	vld [tilespmem:$0x8190];
	v6 =	vadd.f32 v14, v6  }
0xc2: {  	v14 =	vmul.f32 $2.000000030e-01, v8;
	v12 =	vld [tilespmem:$0x8180];
	v18 =	vmul.f32 $2.000000030e-01, v2  }
0xc3: {  	v9 =	vmax.f32 v9, v13;
	v13 =	vmul.f32 $2.000000030e-01, v7;
	v19 =	vld [tilespmem:s30+$0xFFFFFFC0];
	v20 =	vmul.f32 $2.000000030e-01, v6  }
0xc4: {  	v8 =	vmax.f32 v8, v14;
	v21 =	vld [tilespmem:s30+$0xFFFFFFF0];
	v2 =	vmax.f32 v2, v18  }
0xc5: {  	v7 =	vmax.f32 v7, v13;
	v14 =	vld [tilespmem:s30+$0xFFFFFFE0];
	v8 =	vmul.f32 v11, v8;
	v6 =	vmax.f32 v6, v20  }
0xc6: {  	v7 =	vmul.f32 v10, v7;
	v6 =	vmul.f32 v17, v6  }
0xc7: {  	v2 =	vmul.f32 v15, v2;
	v9 =	vmul.f32 v12, v9  }
0xc8: {  	v5 =	vadd.f32 v19, v5;
	v6 =	vadd.f32 v6, v8  }
0xc9: {  	v8 =	vld [tilespmem:$0x81E0];
	v4 =	vadd.f32 v21, v4;
	v7 =	vadd.f32 v7, v9  }
0xca: {  	v9 =	vld [tilespmem:$0x81F0];
	v10 =	vmul.f32 $2.000000030e-01, v5;
	v3 =	vadd.f32 v14, v3  }
0xcb: {  	v11 =	vmul.f32 $2.000000030e-01, v4;
	v6 =	vadd.f32 v6, v7  }
0xcc: {  	v5 =	vmax.f32 v5, v10;
	v7 =	vmul.f32 $2.000000030e-01, v3  }
0xcd: {  	v4 =	vmax.f32 v4, v11;
	(xrf2) =	vadd.scan.msk.f32 $0xffff, v6  }
0xce: {  	v5 =	vmul.f32 v16, v5;
	v3 =	vmax.f32 v3, v7  }
0xcf: {  	v3 =	vmul.f32 v8, v3;
	v4 =	vmul.f32 v9, v4;
	_ =	sdelay $0x1  }
0xd0: {  	v2 =	vadd.f32 v2, v5;
	v3 =	vadd.f32 v4, v3;
	_ =	sdelay $0x1  }
0xd1: {  	v2 =	vadd.f32 v3, v2;
	_ =	sdelay $0x1  }
0xd2: {  	(xrf2) =	vadd.scan.msk.f32 $0xffff, v2;
	_ =	sdelay $0x1  }
0xd3: {  	v2, _, _ =	vpop (xrf2)  }
0xd4: {  	v2 =	vperm.xlane v2, v1;
	_ =	sdelay $0x1  }
0xd5: {  	v2 =	vmul.f32 $1.442695020e+00, v2;
	_ =	sdelay $0x1  }
0xd6: {  	(erf) = vpow2.f32 v2;
	_ =	sdelay $0x2  }
0xd7: {  	v2, _, _ =	vpop (xrf2)  }
0xd8: {  	v2 =	vperm.xlane v2, v1;
	_ =	sdelay $0x1  }
0xd9: {  	v3 =	vmul.f32 $1.442695020e+00, v2;
	_ =	sdelay $0x1  }
0xda: {  	(erf) = vpow2.f32 v3  }
0xdb: {  	v2 =	vpop (erf)  }
0xdc: {  	[tilespmem:s29+$0xFFFFFF80] =	vst v2  }
0xdd: {  	[tilespmem:s29+$0xFFFFFF90] =	vst v2  }
0xde: {  	[tilespmem:s29+$0xFFFFFFA0] =	vst v2  }
0xdf: {  	[tilespmem:s29+$0xFFFFFFB0] =	vst v2;
	_ =	sdelay $0x1  }
0xe0: {  	v2 =	vld [tilespmem:s29+$0x50]  }
0xe1: {  	v3 =	vld [tilespmem:s29+$0x40]  }
0xe2: {  	v4 =	vld [tilespmem:s29+$0x70];
	v5 =	vpop (erf)  }
0xe3: {  	[tilespmem:s29+$0xFFFFFFC0] =	vst v5;
	v6 =	vld [tilespmem:s29+$0x60]  }
0xe4: {  	[tilespmem:s29+$0xFFFFFFE0] =	vst v5;
	v7 =	vld [tilespmem:s29+$0x30]  }
0xe5: {  	[tilespmem:s29+$0xFFFFFFF0] =	vst v5;
	v8 =	vld [tilespmem:s29+$0x10]  }
0xe6: {  	v9 =	vld [tilespmem:s29+$0x20]  }
0xe7: {  	[tilespmem:s29+$0xFFFFFFD0] =	vst v5;
	v5 =	vld [tilespmem:s29+$0x0]  }
0xe8: {  	v10 =	vld [tilespmem:s30+$0x0]  }
0xe9: {  	v11 =	vld [tilespmem:$0x8190]  }
0xea: {  	v12 =	vld [tilespmem:s30+$0x20]  }
0xeb: {  	v13 =	vld [tilespmem:$0x81B0]  }
0xec: {  	v14 =	vld [tilespmem:s30+$0x10]  }
0xed: {  	v15 =	vld [tilespmem:$0x8180];
	v5 =	vadd.f32 v10, v5  }
0xee: {  	v10 =	vld [tilespmem:s30+$0x30]  }
0xef: {  	v16 =	vld [tilespmem:s30+$0x60];
	v17 =	vmul.f32 $2.000000030e-01, v5;
	v9 =	vadd.f32 v12, v9  }
0xf0: {  	v12 =	vld [tilespmem:s30+$0x70]  }
0xf1: {  	v18 =	vld [tilespmem:s30+$0x40];
	v5 =	vmax.f32 v5, v17;
	v8 =	vadd.f32 v14, v8;
	v14 =	vmul.f32 $2.000000030e-01, v9  }
0xf2: {  	v17 =	vld [tilespmem:s30+$0x50];
	v5 =	vmul.f32 v15, v5  }
0xf3: {  	v15 =	vld [tilespmem:$0x81A0];
	v19 =	vmul.f32 $2.000000030e-01, v8;
	v9 =	vmax.f32 v9, v14;
	v7 =	vadd.f32 v10, v7  }
0xf4: {  	v10 =	vld [tilespmem:$0x81D0];
	v6 =	vadd.f32 v16, v6  }
0xf5: {  	v14 =	vld [tilespmem:$0x81E0];
	v8 =	vmax.f32 v8, v19;
	v16 =	vmul.f32 $2.000000030e-01, v7;
	v4 =	vadd.f32 v12, v4  }
0xf6: {  	v12 =	vld [tilespmem:$0x81F0];
	v8 =	vmul.f32 v11, v8;
	v3 =	vadd.f32 v18, v3;
	v11 =	vmul.f32 $2.000000030e-01, v6  }
0xf7: {  	v18 =	vld [tilespmem:$0x81C0];
	v7 =	vmax.f32 v7, v16;
	v2 =	vadd.f32 v17, v2;
	v16 =	vmul.f32 $2.000000030e-01, v4  }
0xf8: {  	v9 =	vmul.f32 v15, v9;
	v7 =	vmul.f32 v13, v7;
	v6 =	vmax.f32 v6, v11  }
0xf9: {  	v11 =	vmul.f32 $2.000000030e-01, v3;
	v5 =	vadd.f32 v8, v5;
	v13 =	vmul.f32 $2.000000030e-01, v2  }
0xfa: {  	v4 =	vmax.f32 v4, v16;
	v6 =	vmul.f32 v14, v6;
	v7 =	vadd.f32 v7, v9  }
0xfb: {  	v3 =	vmax.f32 v3, v11;
	v2 =	vmax.f32 v2, v13;
	v4 =	vmul.f32 v12, v4  }
0xfc: {  	v3 =	vmul.f32 v18, v3;
	v2 =	vmul.f32 v10, v2;
	v5 =	vadd.f32 v7, v5  }
0xfd: {  	v4 =	vadd.f32 v4, v6  }
.Ltmp0:
0xfe: {  	v2 =	vadd.f32 v2, v3;
	(xrf2) =	vadd.scan.msk.f32 $0xffff, v5;
	(pc) =	sbr.rel @p0 .LBB2_3-.Ltmp0, $3  }
0xff: {  	_ = 	snop  }
0x100: {  	v2 =	vadd.f32 v4, v2;
	_ =	sdelay $0x1  }
0x101: {  	(xrf2) =	vadd.scan.msk.f32 $0xffff, v2  }
0x102: {  	_ =	sdelay $0x4  }
0x103: {  	v2, _, _ =	vpop (xrf2)  }
0x104: {  	v2 =	vperm.xlane v2, v1;
	_ =	sdelay $0x1  }
0x105: {  	v2 =	vmul.f32 $1.442695020e+00, v2  }
0x106: {  	v3, _, _ =	vpop (xrf2)  }
0x107: {  	v3 =	vperm.xlane v3, v1;
	(erf) = vpow2.f32 v2;
	_ =	sdelay $0x1  }
0x108: {  	v2 =	vmul.f32 $1.442695020e+00, v3;
	_ =	sdelay $0x1  }
0x109: {  	(erf) = vpow2.f32 v2;
	_ =	sdelay $0x4  }
0x10a: {  	v2 =	vpop (erf)  }
0x10b: {  	[tilespmem:s31+$0x0] =	vst v2  }
0x10c: {  	[tilespmem:s31+$0x10] =	vst v2  }
0x10d: {  	[tilespmem:s31+$0x20] =	vst v2  }
0x10e: {  	[tilespmem:s31+$0x30] =	vst v2;
	v2 =	vpop (erf)  }
0x10f: {  	[tilespmem:s31+$0x40] =	vst v2  }
0x110: {  	s28 =	sadd.s32 $0x1, s28;
	[tilespmem:s31+$0x50] =	vst v2  }
0x111: {  	p0 =	sne.s32 s28, $0x51;
	[tilespmem:s31+$0x60] =	vst v2  }
.Ltmp1:
0x112: {  	[tilespmem:s31+$0x70] =	vst v2;
	(pc) =	sbr.rel @p0 .LBB2_2-.Ltmp1, $4  }
0x113: {  	[spmem:s2] =	stream.indirect.scatter.add.f32 [tilespmem:s19], [sflag:$0x3], $0x80, s18, s18, $0xb8;
	[tilespmem:$0x1C200] =	vst v63  }
0x114: {  	_ =	swait.ge [sflag:s17], $0x4000  }
0x115: {  	[sflag:s17] =	ssyncset.done $0x0  }
0x116: {  	[sflag:s17] =	ssyncadd.s32 $0xFFFFC000  }
0x117: {  	s26 =	sadd.s32 $0x1, s26  }
0x118: {  	p0 =	sne.s32 s26, s15  }
.Ltmp2:
0x119: {  	[bflag:$0x0] =	sbarrier.arrive $0xFFFF;
	(pc) =	sbr.rel @p0 .LBB2_1-.Ltmp2, $4  }
0x11a: {  	[hbm:s14], [sflag:s24] =	dma.local [spmem:s25], $0x2800  }
0x11b: {  	_ =	swait.ge [sflag:s17], $0x2800  }
0x11c: {  	[sflag:s17] =	ssyncset.done $0x0  }
0x11d: {  	[sflag:s17] =	ssyncadd.s32 $0xFFFFD800  }
0x11e: {  	_ =	sfence.sel $0x180000  }
0x11f: {  	[bflag:$0x0] =	sbarrier.arrive $0xFFFF  }
0x120: {  	_ =	strace $0x90000047  }
0x121: {  	[bflag:$0x2] =	sbarrier.arrive $0xFFFF  }
0x122: {  	p0 =	sne.s32 s3, $0x0;
	s0 =	rddreg [dreg:$0x3]  }
0x123: {  	s0 =	sadd.s32 @!p0 $0x100000, s0  }
0x124: {  	[sflag:s0] =	ssyncadd.tile.s32 @!p0 $0x1;
	_ =	shalt  }
.Lfunc_end2:
_tile_overlayer_lowered:
.L_overlay_start_2:
0x125: {  	(tag) =	ssettag $0x2  }
0x126: {  	s0 =	rddreg [dreg:$0x0];
	s2 =	stileid.u32  }
0x127: {  	s1 =	rddreg [dreg:$0x1];
	p0 =	sne.s32 s2, $0x0  }
0x128: {  	s3 =	rddreg [dreg:$0x2];
	[bflag:$0x3] =	sbarrier.arrive $0xFFFF;
	s2 =	simm.s32 @!p0 $0x1C03  }
0x129: {  	[timem:s3], [sflag:s2] =	dma.local @!p0 [hbm:s0], s1  }
0x12a: {  	s0 =	simm.s32 @!p0 $0x3  }
0x12b: {  	_ =	swait.ge @!p0 [sflag:s0], s1  }
0x12c: {  	s1 =	ssub.s32 @!p0 $0x0, s1;
	[sflag:s0] =	ssyncset.done @!p0 $0x0  }
0x12d: {  	[sflag:s0] =	ssyncadd.s32 @!p0 s1  }
0x12e: {  	[bflag:$0x3] =	sbarrier.arrive $0xFFFF  }
0x12f: {  	_ =	shalt  }

// kernel: kernel.14.cloned.1.call-start
scs
__scs_entry_jumppad:
0x0: {  	(pc) =	sbr.rel $0x88, $3  }
0x1: {  	(tag) =	ssettag $0x0;
	lr =	simm.s32 $0x1  }
0x2: {  	[smem:$0x3F93] =	sst lr;
	_ =	strace $0xD0000000  }
0x3: {  	_ = 	snop  }
0x4: {  	_ = 	snop  }
0x5: {  	_ = 	snop  }
0x6: {  	_ = 	snop  }
0x7: {  	_ = 	snop  }
__scs_overlays_trampoline_lowered:
0x8: {  	[smem:$0x3FA2] =	sst s0  }
0x9: {  	[smem:$0x3FA3] =	sst s1  }
0xa: {  	[smem:$0x3FA4] =	sst s2  }
0xb: {  	[smem:$0x3FA5] =	sst s3  }
0xc: {  	[smem:$0x3FA6] =	sst s4  }
0xd: {  	[smem:$0x3FA7] =	sst s5  }
0xe: {  	[smem:$0x3FA8] =	sst s6  }
0xf: {  	[smem:$0x3FA9] =	sst s7  }
0x10: {  	[smem:$0x3FAA] =	sst s8  }
0x11: {  	[smem:$0x3FAB] =	sst s9;
	s0 =	simm.s32 @!p0 $0x0  }
0x12: {  	s1 =	sld [smem:$0x3F91];
	s0 =	simm.s32 @p0 $0x1  }
0x13: {  	[smem:$0x3FAC] =	sst s0;
	s0 =	simm.s32 @!p1 $0x0  }
0x14: {  	s2 =	sld [smem:$0x3F90];
	s0 =	simm.s32 @p1 $0x1  }
0x15: {  	[smem:$0x3FAD] =	sst s0;
	s0 =	simm.s32 @!p2 $0x0  }
0x16: {  	s3 =	sld [smem:$0x3FDB];
	s0 =	simm.s32 @p2 $0x1  }
0x17: {  	s4 =	simm.s32 $0x1BF5;
	[smem:$0x3FAF] =	sst s0  }
0x18: {  	s0 =	sld [smem:$0x3F92];
	_ =	swait.ge [sflag:s4], $0x0  }
0x19: {  	s7 =	sld [smem:$0x3F93]  }
0x1a: {  	s8 =	sadd.s32 $0xFFFFE003, lr  }
0x1b: {  	s9 =	sadd.s32 $0xFFFFFEF7, lr;
	s5 =	simm.s32 $0xFFFFFFFF;
	p2 =	slt.u32 s8, $0xFFFFF086  }
0x1c: {  	p1 =	slt.u32 s9, $0xF7A;
	s5 =	simm.s32 @!p2 $0x0  }
0x1d: {  	s5 =	simm.s32 @p1 $0x1;
	p0 =	seq.s32 s7, s2  }
0x1e: {  	s7 =	smul.u32 @!p0 $0xF7A, s2;
	p2 =	seq.s32 @!p0 s5, $0x0  }
0x1f: {  	s9 =	smul.u32 $0xF7A, s1;
	s8 =	simm.s32 @!p0 $0x1BF5;
	p2 =	por !p2, p0  }
0x20: {  	[sflag:s8] =	ssyncset.s32 @!p0 $0xFFFFF086;
	s6 =	sadd.s32 @!p0 s3, s7;
	s7 =	simm.s32 @!p0 $0x108  }
0x21: {  	s3 =	sadd.s32 s3, s9;
	s6 =	sadd.s32 @!p0 $0x88, s6;
	s7 =	simm.s32 @p2 $0x1082  }
0x22: {  	[simem:s7], [sflag:s8] =	dma.local @!p0 [hbm:s6], $0xF7A  }
0x23: {  	s9 =	sor.u32 $0xD0000000, s2;
	s6 =	simm.s32 $0x108;
	_ =	swait.ge @!p0 [sflag:s8], $0x0  }
0x24: {  	s3 =	sadd.s32 $0x88, s3;
	s6 =	simm.s32 @!p1 $0x1082;
	[sflag:s4] =	ssyncset.s32 $0xFFFFF086  }
0x25: {  	[simem:s6], [sflag:s4] =	dma.local [hbm:s3], $0xF7A  }
0x26: {  	[smem:$0x3F93] =	sst s1;
	(tag) =	ssettag s2;
	_ =	strace s9  }
0x27: {  	s1 =	sld [smem:$0x3FA3]  }
0x28: {  	s2 =	sld [smem:$0x3FA4]  }
0x29: {  	s4 =	sld [smem:$0x3FA6]  }
0x2a: {  	p0 =	seq.s32 s5, $0x0;
	s5 =	sld [smem:$0x3FA7]  }
0x2b: {  	s6 =	sld [smem:$0x3FA8]  }
0x2c: {  	s7 =	sld [smem:$0x3FA9]  }
0x2d: {  	s3 =	simm.s32 $0x108;
	s8 =	sld [smem:$0x3FAA]  }
0x2e: {  	s3 =	simm.s32 @!p0 $0x1082;
	s9 =	sld [smem:$0x3FAB]  }
0x2f: {  	lr =	sadd.s32 s0, s3;
	s0 =	sld [smem:$0x3FA2]  }
0x30: {  	s3 =	sld [smem:$0x3FA5]  }
0x31: {  	[smem:$0x3FAE] =	sst s10  }
0x32: {  	s10 =	sld [smem:$0x3FAC];
	_ =	sdelay $0x3  }
0x33: {  	p0 =	seq.s32 s10, $0x1;
	s10 =	sld [smem:$0x3FAE];
	_ =	sdelay $0x3  }
0x34: {  	[smem:$0x3FAE] =	sst s10  }
0x35: {  	s10 =	sld [smem:$0x3FAD];
	_ =	sdelay $0x3  }
0x36: {  	p1 =	seq.s32 s10, $0x1;
	s10 =	sld [smem:$0x3FAE];
	_ =	sdelay $0x3  }
0x37: {  	[smem:$0x3FAE] =	sst s10  }
0x38: {  	s10 =	sld [smem:$0x3FAF]  }
0x39: {  	_ = 	snop;
	(pc) =	sbr.ind lr, $3  }
0x3a: {  	_ = 	snop  }
0x3b: {  	_ = 	snop  }
0x3c: {  	p2 =	seq.s32 s10, $0x1;
	s10 =	sld [smem:$0x3FAE]  }
0x3d: {  	_ =	shalt  }
0x3e: {  	_ =	shalt  }
0x3f: {  	_ =	shalt  }
0x40: {  	_ =	shalt  }
0x41: {  	_ =	shalt  }
0x42: {  	_ =	shalt  }
0x43: {  	_ =	shalt  }
0x44: {  	_ =	shalt  }
0x45: {  	_ =	shalt  }
0x46: {  	_ =	shalt  }
0x47: {  	_ =	shalt  }
0x48: {  	_ =	shalt  }
0x49: {  	_ =	shalt  }
0x4a: {  	_ =	shalt  }
0x4b: {  	_ =	shalt  }
0x4c: {  	_ =	shalt  }
0x4d: {  	_ =	shalt  }
0x4e: {  	_ =	shalt  }
0x4f: {  	_ =	shalt  }
0x50: {  	_ =	shalt  }
0x51: {  	_ =	shalt  }
0x52: {  	_ =	shalt  }
0x53: {  	_ =	shalt  }
0x54: {  	_ =	shalt  }
0x55: {  	_ =	shalt  }
0x56: {  	_ =	shalt  }
0x57: {  	_ =	shalt  }
0x58: {  	_ =	shalt  }
0x59: {  	_ =	shalt  }
0x5a: {  	_ =	shalt  }
0x5b: {  	_ =	shalt  }
0x5c: {  	_ =	shalt  }
0x5d: {  	_ =	shalt  }
0x5e: {  	_ =	shalt  }
0x5f: {  	_ =	shalt  }
0x60: {  	_ =	shalt  }
0x61: {  	_ =	shalt  }
0x62: {  	_ =	shalt  }
0x63: {  	_ =	shalt  }
0x64: {  	_ =	shalt  }
0x65: {  	_ =	shalt  }
0x66: {  	_ =	shalt  }
0x67: {  	_ =	shalt  }
0x68: {  	_ =	shalt  }
0x69: {  	_ =	shalt  }
0x6a: {  	_ =	shalt  }
0x6b: {  	_ =	shalt  }
0x6c: {  	_ =	shalt  }
0x6d: {  	_ =	shalt  }
0x6e: {  	_ =	shalt  }
0x6f: {  	_ =	shalt  }
0x70: {  	_ =	shalt  }
0x71: {  	_ =	shalt  }
0x72: {  	_ =	shalt  }
0x73: {  	_ =	shalt  }
0x74: {  	_ =	shalt  }
0x75: {  	_ =	shalt  }
0x76: {  	_ =	shalt  }
0x77: {  	_ =	shalt  }
0x78: {  	_ =	shalt  }
0x79: {  	_ =	shalt  }
0x7a: {  	_ =	shalt  }
0x7b: {  	_ =	shalt  }
0x7c: {  	_ =	shalt  }
0x7d: {  	_ =	shalt  }
0x7e: {  	_ =	shalt  }
0x7f: {  	_ =	shalt  }
0x80: {  	_ =	shalt  }
0x81: {  	_ =	shalt  }
0x82: {  	_ =	shalt  }
0x83: {  	_ =	shalt  }
0x84: {  	_ =	shalt  }
0x85: {  	_ =	shalt  }
0x86: {  	_ =	shalt  }
0x87: {  	_ =	shalt  }
.Lfunc_end0:
.L_simem_size_0:
called_computation.2_lowered:
.L_overlay_start_0:
0x88: {  	s2 =	sld [smem:$0x3FD9]  }
0x89: {  	s3 =	sld [smem:$0x3FFE];
	_ =	sdelay $0x1  }
0x8a: {  	s1 =	srdreg.scid  }
0x8b: {  	s0 =	sand.u32 $0x1, s1  }
0x8c: {  	s16 =	sshll.u32 s0, $0xA;
	s2 =	sadd.s32 s3, s2  }
0x8d: {  	s2 =	sadd.s32 s2, s16  }
0x8e: {  	[smem:$0x3FBA] =	sst s2  }
0x8f: {  	_ = 	snop  }
0x90: {  	(tm) =	ssettm $0x1  }
0x91: {  	s17 =	sld [smem:$0x3FFB];
	_ =	sdelay $0x3  }
0x92: {  	_ =	strace s17  }
0x93: {  	s2 =	sld [smem:$0x3FFC];
	_ =	sdelay $0x3  }
0x94: {  	_ =	strace s2  }
0x95: {  	s2 =	sld [smem:$0x3FFD];
	_ =	sdelay $0x3  }
0x96: {  	_ =	strace s2  }
0x97: {  	_ =	strace $0x8FFFFFFF  }
0x98: {  	s18 =	sld [smem:$0x3FDB];
	_ =	sdelay $0x1  }
0x99: {  	s19 =	simm.s32 $_scs_section_size  }
0x9a: {  	s4 =	simm.s32 $_size__tile_overlayer_lowered;
	s5 =	simm.s32 $_tile_overlayer_lowered  }
0x9b: {  	s22 =	simm.s32 $0x1BFF;
	s21 =	sshll.u32 s5, $0x1;
	s2 =	sadd.s32 s19, s18  }
0x9c: {  	s6 =	simm.s32 $0x0;
	s20 =	sshll.u32 s4, $0x1;
	s4 =	sadd.s32 s21, s2  }
0x9d: {  	[timem:s6], [sflag:s22] =	dma.local [hbm:s4], s20  }
0x9e: {  	_ =	swait.ge [sflag:s22], s20  }
0x9f: {  	s3 =	ssub.s32 $0x0, s20;
	[sflag:s22] =	ssyncset.done $0x0  }
0xa0: {  	[sflag:s22] =	ssyncadd.s32 s3;
	_ =	sdelay $0x1  }
0xa1: {  	s23 =	simm.s32 $0x1B8B  }
0xa2: {  	_ =	swait.ge [sflag:s23], $0x1  }
0xa3: {  	[sflag:s23] =	ssyncset.done $0x0  }
0xa4: {  	s25 =	simm.s32 $0x1B8E;
	s24 =	sld [smem:$0x3FFE];
	[sflag:s23] =	ssyncadd.s32 $0xFFFFFFFF  }
0xa5: {  	s26 =	simm.s32 $execute0_lowered;
	[smem:$0x3FD2] =	sst s25  }
0xa6: {  	s4 =	sshll.u32 s26, $0x1;
	_ =	strace $0x8000004C;
	[dreg:$0x1] =	wrdreg $0xFFFFFFFF  }
0xa7: {  	s28 =	simm.s32 $_size_execute0_lowered;
	s2 =	sadd.s32 s2, s4;
	[dreg:$0x0] =	wrdreg $0x0  }
0xa8: {  	s4 =	sshll.u32 s28, $0x1;
	[dreg:$0x2] =	wrdreg s2  }
0xa9: {  	[dreg:$0x3] =	wrdreg s4  }
0xaa: {  	[dreg:$0x4] =	wrdreg $0xC0  }
0xab: {  	_ =	task [dreg:s6], $0x5FFFF  }
0xac: {  	[dreg:$0x1] =	wrdreg $0xFFFFFFFF  }
0xad: {  	[dreg:$0x0] =	wrdreg $0x60  }
0xae: {  	[dreg:$0x2] =	wrdreg s24  }
0xaf: {  	[dreg:$0x3] =	wrdreg $0x182000  }
0xb0: {  	[dreg:$0x4] =	wrdreg $0x9  }
0xb1: {  	_ =	task.clear_ibuf [dreg:s6], $0x5FFFF;
	_ =	strace $0x9000004C  }
0xb2: {  	s29 =	simm.s32 $0x9;
	_ =	strace $0x8000004E  }
0xb3: {  	_ =	swait.ge [sflag:s29], $0x1  }
0xb4: {  	[sflag:s29] =	ssyncadd.s32 $0xFFFFFFFF  }
0xb5: {  	_ =	strace $0x9000004E  }
0xb6: {  	_ =	sfence  }
0xb7: {  	s30 =	sld [smem:$0x0];
	_ =	sdelay $0x2  }
0xb8: {  	s31 =	sshll.u32 s1, $0xD;
	s1 =	sshrl.u32 s1, $0x2  }
0xb9: {  	s3 =	sand.u32 $0x4000, s31;
	s1 =	sadd.s32 s1, s30  }
0xba: {  	s0 =	sor.u32 s3, s0;
	s1 =	sshll.u32 s1, $0x11  }
0xbb: {  	s0 =	sor.u32 s1, s0  }
0xbc: {  	s0 =	sadd.s32 $0x8F2B, s0  }
0xbd: {  	[sflag:s0] =	ssyncadd.remote.s32 $0x1  }
0xbe: {  	_ =	sfence.sel $0xFFFF  }
0xbf: {  	[dreg:$0x0] =	wrdreg $0xFFFFFFFF;
	(pc) =	sbr.abs _section_cstart, $3  }
0xc0: {  	[dreg:$0x1] =	wrdreg $0xFFFFFFFF  }
0xc1: {  	_ =	task.clear_ibuf [dreg:s6], $0x2FFFF;
	_ =	strace $0x9FFFFFFF  }
0xc2: {  	(tm) =	ssettm $0x7FFFFFFF  }
0xc3: {  	_ =	shalt  }
tec
execute0_lowered:
.L_overlay_start_1:
0x0: {  	(tag) =	ssettag $0x1  }
0x1: {  	s8 =	rddreg [dreg:$0x0]  }
0x2: {  	s1 =	rddreg [dreg:$0x1]  }
0x3: {  	s2 =	srdreg.scid;
	s0 =	rddreg [dreg:$0x2]  }
0x4: {  	s3 =	simm.s32 $0x0;
	s13 =	simm.s32 $0x1;
	s14 =	simm.s32 $0x180  }
0x5: {  	s15 =	simm.s32 $0x18180;
	s16 =	simm.s32 $0x100;
	s9 =	sand.u32 $0x1, s2  }
0x6: {  	s2 =	stileid.u32;
	[smem:$0x7FF] =	sst s3;
	s4 =	sadd.s32 $0x16C00, s8  }
0x7: {  	s5 =	sadd.s32 $0x2800, s8;
	s7 =	sadd.s32 $0x106C00, s8;
	s10 =	smul.u32 $0x14000, s9  }
0x8: {  	s6 =	sadd.s32 $0xCA00, s8;
	s11 =	smul.u32 $0x1400, s2;
	_ =	strace $0x8000004D  }
0x9: {  	s29 =	ssub.s32 $0x2, s9;
	s12 =	smul.u32 $0x5000, s2;
	s9 =	sshll.u32 s9, $0x4  }
0xa: {  	s30 =	sshrl.u32 s29, $0x1;
	s9 =	sor.u32 s2, s9;
	s10 =	sadd.s32 s11, s10  }
0xb: {  	v0 =	vimm.f32 $0.0e+00;
	s11 =	ssub.s32 s29, s30;
	s31 =	sshrl.u32 s12, $0x2;
	s10 =	sshrl.u32 s10, $0x3  }
0xc: {  	v1 =	vimm.s32 $0x0;
	v2 =	vimm.s32 $0x1;
	v5 =	vlaneseq.u32;
	s9 =	smul.u32 $0x51, s9;
	s12 =	simm.s32 $0x14180;
	s10 =	sadd.s32 s10, s8  }
0xd: {  	v3 =	vimm.s32 $0x2;
	v4 =	vimm.s32 $0x3;
	v5 =	vmul.u32 $0x80, v5;
	s11 =	smax.u32 s11, $0x1;
	s8 =	sadd.s32 s31, s1;
	s10 =	sadd.s32 $0x19400, s10  }
.LBB2_1:
0xe: {  	s17 =	simm.s32 $0x0;
	s18 =	simm.s32 $0x200  }
.LBB2_2:
0xf: {  	p0 =	sne.s32 s18, $0xFE00;
	[tilespmem:s17+$0x141F0] =	vst v0  }
0x10: {  	[tilespmem:s17+$0x14180] =	vst v0  }
0x11: {  	[tilespmem:s17+$0x14190] =	vst v0  }
.Ltmp0:
0x12: {  	[tilespmem:s17+$0x141A0] =	vst v0;
	(pc) =	sbr.rel @p0 .LBB2_2-.Ltmp0, $4  }
0x13: {  	[tilespmem:s17+$0x141B0] =	vst v0  }
0x14: {  	[tilespmem:s17+$0x141C0] =	vst v0  }
0x15: {  	[tilespmem:s17+$0x141D0] =	vst v0  }
0x16: {  	[tilespmem:s17+$0x141E0] =	vst v0;
	s17 =	sshra.s32 s18, $0x2;
	s18 =	sadd.s32 $0x200, s18  }
0x17: {  	[tilespmem:s17+$0x141F0] =	vst v0  }
0x18: {  	[tilespmem:s17+$0x14180] =	vst v0  }
0x19: {  	[tilespmem:s17+$0x14190] =	vst v0  }
0x1a: {  	[tilespmem:s17+$0x141A0] =	vst v0  }
0x1b: {  	[tilespmem:s17+$0x141B0] =	vst v0  }
0x1c: {  	[tilespmem:s17+$0x141C0] =	vst v0  }
0x1d: {  	[tilespmem:s17+$0x141D0] =	vst v0  }
0x1e: {  	[tilespmem:s17+$0x141E0] =	vst v0  }
0x1f: {  	[spmem:s8] =	stream.linear.scatter [tilespmem:s12], [sflag:$0x1], $0x1400, $0x38;
	[tilespmem:$0x19600] =	vst v63  }
0x20: {  	_ =	swait.ge [sflag:s13], $0x1400  }
0x21: {  	[sflag:s13] =	ssyncset.done $0x0  }
0x22: {  	s17 =	simm.s32 $0x0;
	[sflag:s13] =	ssyncadd.s32 $0xFFFFEC00  }
0x23: {  	[tilespmem:s14], [sflag:$0x1] =	stream.linear.gather [hbm4b:s4+s17], $0x14000, $0x38;
	[tilespmem:$0x19600] =	vst v63  }
0x24: {  	_ =	swait.ge [sflag:s13], $0x14000  }
0x25: {  	[sflag:s13] =	ssyncset.done $0x0  }
0x26: {  	[sflag:s13] =	ssyncadd.s32 $0xFFFEC000  }
0x27: {  	[tilespmem:s15], [sflag:$0x1] =	stream.linear.gather [hbm4b:s7+s17], $0x80, $0x38;
	[tilespmem:$0x19600] =	vst v63  }
0x28: {  	_ =	swait.ge [sflag:s13], $0x80  }
0x29: {  	[sflag:s13] =	ssyncset.done $0x0  }
0x2a: {  	[sflag:s13] =	ssyncadd.s32 $0xFFFFFF80  }
0x2b: {  	s18 =	simm.s32 $0x0;
	[bflag:$0x0] =	sbarrier.arrive $0xFFFF  }
.LBB2_4:
0x2c: {  	s19 =	sadd.s32 s9, s18  }
0x2d: {  	s19 =	sshll.u32 s19, $0x4  }
0x2e: {  	s20 =	sadd.s32 s5, s19  }
0x2f: {  	[tilespmem:s17], [sflag:$0x1] =	stream.linear.gather [hbm4b:s20+s17], $0x80, $0x38;
	[tilespmem:$0x19600] =	vst v63  }
0x30: {  	_ =	swait.ge [sflag:s13], $0x80  }
0x31: {  	[sflag:s13] =	ssyncset.done $0x0  }
0x32: {  	s31 =	sadd.s32 s6, s19;
	s19 =	simm.s32 $0x80;
	[sflag:s13] =	ssyncadd.s32 $0xFFFFFF80  }
0x33: {  	[tilespmem:s19], [sflag:$0x1] =	stream.linear.gather [hbm4b:s31+s17], $0x80, $0x38;
	[tilespmem:$0x19600] =	vst v63  }
0x34: {  	_ =	swait.ge [sflag:s13], $0x80  }
0x35: {  	[sflag:s13] =	ssyncset.done $0x0  }
0x36: {  	[sflag:s13] =	ssyncadd.s32 $0xFFFFFF80  }
0x37: {  	v6 =	vld [tilespmem:s17+$0x0]  }
0x38: {  	v7 =	vld [tilespmem:s19+$0x0];
	_ =	sdelay $0x4  }
0x39: {  	v8 =	vshll.u32 v6, $0x3;
	v9 =	vshll.u32 v7, $0x3;
	v6 =	vand.u32 $0x7F, v6  }
0x3a: {  	v10 =	vand.u32 $0x7F, v7;
	v8 =	vand.u32 $0xFFFFFC00, v8;
	v11 =	vand.u32 $0xFFFFFC00, v9  }
0x3b: {  	v6 =	vor.u32 v6, v8;
	v8 =	vor.u32 v10, v11  }
0x3c: {  	v10 =	vor.u32 $0x200, v8  }
0x3d: {  	v11 =	vor.u32 $0x80, v6  }
0x3e: {  	s20 =	simm.s32 $0x100;
	v7 =	vshra.s32 v7, $0x4;
	v12 =	vor.u32 $0x280, v8  }
0x3f: {  	v13 =	vld [tilespmem:$0x18180];
	[tilespmem:s20+$0x0] =	vst v7;
	v14 =	vor.u32 $0x100, v6  }
0x40: {  	v7 =	vor.u32 $0x300, v8;
	v15 =	vld.idx.msk [tilespmem:v6+s14+$0x0], $0xffff  }
0x41: {  	v6 =	vor.u32 $0x180, v6;
	v10 =	vld.idx.msk [tilespmem:v10+s14+$0x0], $0xffff  }
0x42: {  	v8 =	vor.u32 $0x380, v8;
	v11 =	vld.idx.msk [tilespmem:v11+s14+$0x0], $0xffff  }
0x43: {  	v12 =	vld.idx.msk [tilespmem:v12+s14+$0x0], $0xffff  }
0x44: {  	v14 =	vld.idx.msk [tilespmem:v14+s14+$0x0], $0xffff  }
0x45: {  	v7 =	vld.idx.msk [tilespmem:v7+s14+$0x0], $0xffff  }
0x46: {  	v16 =	vld.idx.msk [tilespmem:v6+s14+$0x0], $0xffff;
	v6 =	vadd.f32 v10, v15  }
0x47: {  	v8 =	vld.idx.msk [tilespmem:v8+s14+$0x0], $0xffff  }
0x48: {  	v10 =	vadd.f32 v12, v11;
	v57 =	vmul.f32 $2.000000030e-01, v6  }
0x49: {  	v17 =	vperm.xlane v13, v1  }
0x4a: {  	v7 =	vadd.f32 v7, v14;
	v18 =	vmul.f32 $2.000000030e-01, v10;
	v6 =	vmax.f32 v6, v57  }
0x4b: {  	v58 =	vperm.xlane v13, v2;
	v6 =	vmul.f32 v6, v17  }
0x4c: {  	v59 =	vmul.f32 $2.000000030e-01, v7;
	v10 =	vmax.f32 v10, v18;
	v8 =	vadd.f32 v8, v16  }
0x4d: {  	v60 =	vperm.xlane v13, v3;
	v10 =	vmul.f32 v10, v58;
	v6 =	vadd.f32 $0.0e+00, v6  }
0x4e: {  	v7 =	vmax.f32 v7, v59;
	v61 =	vmul.f32 $2.000000030e-01, v8  }
0x4f: {  	v13 =	vperm.xlane v13, v4;
	v7 =	vmul.f32 v7, v60;
	v6 =	vadd.f32 v10, v6  }
0x50: {  	v8 =	vmax.f32 v8, v61  }
0x51: {  	v6 =	vadd.f32 v7, v6;
	v7 =	vmul.f32 v8, v13;
	_ =	sdelay $0x1  }
0x52: {  	v6 =	vadd.f32 v7, v6;
	_ =	sdelay $0x1  }
0x53: {  	v6 =	vmul.f32 $1.442695020e+00, v6;
	_ =	sdelay $0x1  }
0x54: {  	(erf) = vpow2.f32 v6;
	_ =	sdelay $0x3  }
0x55: {  	v6 =	vmov s17  }
0x56: {  	v6 =	vshll.u32 v6, $0x7  }
0x57: {  	v7 =	vand.u32 $0x78, v9;
	v6 =	vor.u32 v5, v6  }
0x58: {  	v8 =	vor.u32 v6, v7;
	_ =	sdelay $0x1  }
0x59: {  	v10 =	vor.u32 $0x1, v8;
	v6 =	vpop (erf)  }
0x5a: {  	v9 =	vor.u32 $0x2, v8;
	v62 =	vmul.f32 v6, v15  }
0x5b: {  	v7 =	vor.u32 $0x3, v8  }
0x5c: {  	v63 =	vmul.f32 v6, v11;
	[tilespmem:v8+s12+$0x0] =	vst.idx.msk $0xffff, v62;
	v8 =	vor.u32 $0x4, v8  }
0x5d: {  	v11 =	vmul.f32 v6, v14  }
0x5e: {  	s21 =	simm.s32 $0x10;
	s22 =	simm.s32 $0x0;
	[tilespmem:v10+s12+$0x0] =	vst.idx.msk $0xffff, v63;
	v10 =	vmul.f32 v6, v16  }
.LBB2_5:
0x5f: {  	[tilespmem:v9+s12+$0x0] =	vst.idx.msk $0xffff, v11;
	s22 =	sadd.s32 $0x10, s22;
	s19 =	sadd.s32 $0x10, s19;
	s20 =	sadd.s32 $0x10, s20  }
0x60: {  	p0 =	sne.s32 s21, $0x70;
	s23 =	smov.u32 s21;
	s21 =	sadd.s32 $0x10, s21;
	[tilespmem:v7+s12+$0x0] =	vst.idx.msk $0xffff, v10  }
0x61: {  	[tilespmem:v8+s12+$0x0] =	vst.idx.msk $0xffff, v6  }
0x62: {  	v6 =	vld [tilespmem:s22+$0x0]  }
0x63: {  	v7 =	vld [tilespmem:s19+$0x0];
	_ =	sdelay $0x3  }
0x64: {  	v8 =	vshll.u32 v6, $0x3  }
0x65: {  	v6 =	vand.u32 $0x7F, v6;
	v9 =	vshll.u32 v7, $0x3;
	v8 =	vand.u32 $0xFFFFFC00, v8  }
0x66: {  	v6 =	vor.u32 v6, v8;
	v8 =	vand.u32 $0x7F, v7;
	v10 =	vand.u32 $0xFFFFFC00, v9  }
0x67: {  	v8 =	vor.u32 v8, v10;
	v10 =	vor.u32 $0x80, v6;
	v11 =	vor.u32 $0x100, v6  }
0x68: {  	v12 =	vor.u32 $0x200, v8;
	v13 =	vor.u32 $0x280, v8;
	v14 =	vor.u32 $0x300, v8  }
0x69: {  	v7 =	vshra.s32 v7, $0x4;
	v16 =	vor.u32 $0x180, v6;
	v8 =	vor.u32 $0x380, v8;
	v15 =	vld [tilespmem:$0x18180]  }
0x6a: {  	v9 =	vand.u32 $0x78, v9;
	[tilespmem:s20+$0x0] =	vst v7  }
0x6b: {  	v7 =	vld.idx.msk [tilespmem:v6+s14+$0x0], $0xffff  }
0x6c: {  	v10 =	vld.idx.msk [tilespmem:v10+s14+$0x0], $0xffff  }
0x6d: {  	v6 =	vld.idx.msk [tilespmem:v12+s14+$0x0], $0xffff  }
0x6e: {  	v12 =	vld.idx.msk [tilespmem:v13+s14+$0x0], $0xffff;
	_ =	sdelay $0x1  }
0x6f: {  	v11 =	vld.idx.msk [tilespmem:v11+s14+$0x0], $0xffff  }
0x70: {  	v13 =	vld.idx.msk [tilespmem:v14+s14+$0x0], $0xffff  }
0x71: {  	v14 =	vld.idx.msk [tilespmem:v16+s14+$0x0], $0xffff  }
0x72: {  	v6 =	vadd.f32 v6, v7;
	v8 =	vld.idx.msk [tilespmem:v8+s14+$0x0], $0xffff  }
0x73: {  	v12 =	vadd.f32 v12, v10  }
0x74: {  	v16 =	vmul.f32 $2.000000030e-01, v6  }
0x75: {  	v17 =	vperm.xlane v15, v1;
	v18 =	vmul.f32 $2.000000030e-01, v12  }
0x76: {  	v6 =	vmax.f32 v6, v16;
	v13 =	vadd.f32 v13, v11  }
0x77: {  	v16 =	vperm.xlane v15, v2;
	v6 =	vmul.f32 v6, v17;
	v12 =	vmax.f32 v12, v18  }
0x78: {  	v17 =	vmul.f32 $2.000000030e-01, v13;
	v8 =	vadd.f32 v8, v14  }
0x79: {  	v18 =	vperm.xlane v15, v3;
	v12 =	vmul.f32 v12, v16;
	v6 =	vadd.f32 $0.0e+00, v6  }
0x7a: {  	v13 =	vmax.f32 v13, v17;
	v16 =	vmul.f32 $2.000000030e-01, v8  }
0x7b: {  	v15 =	vperm.xlane v15, v4;
	v6 =	vadd.f32 v12, v6;
	v12 =	vmul.f32 v13, v18  }
0x7c: {  	v8 =	vmax.f32 v8, v16  }
0x7d: {  	v6 =	vadd.f32 v12, v6;
	v8 =	vmul.f32 v8, v15;
	_ =	sdelay $0x1  }
0x7e: {  	v6 =	vadd.f32 v8, v6;
	_ =	sdelay $0x1  }
0x7f: {  	v6 =	vmul.f32 $1.442695020e+00, v6;
	_ =	sdelay $0x1  }
0x80: {  	(erf) = vpow2.f32 v6;
	_ =	sdelay $0x3  }
0x81: {  	v6 =	vmov s23  }
0x82: {  	v6 =	vshll.u32 v6, $0x7  }
0x83: {  	v6 =	vor.u32 v5, v6  }
0x84: {  	v12 =	vor.u32 v6, v9  }
0x85: {  	v13 =	vor.u32 $0x1, v12  }
.Ltmp1:
0x86: {  	v9 =	vor.u32 $0x2, v12;
	v6 =	vpop (erf);
	(pc) =	sbr.rel @p0 .LBB2_5-.Ltmp1, $4  }
0x87: {  	v15 =	vmul.f32 v6, v7;
	v7 =	vor.u32 $0x3, v12  }
0x88: {  	v8 =	vor.u32 $0x4, v12;
	v10 =	vmul.f32 v6, v10  }
0x89: {  	v11 =	vmul.f32 v6, v11;
	[tilespmem:v12+s12+$0x0] =	vst.idx.msk $0xffff, v15  }
0x8a: {  	[tilespmem:v13+s12+$0x0] =	vst.idx.msk $0xffff, v10;
	v10 =	vmul.f32 v6, v14  }
0x8b: {  	_ =	sdelay $0x3  }
0x8c: {  	[tilespmem:v9+s12+$0x0] =	vst.idx.msk $0xffff, v11  }
0x8d: {  	[tilespmem:v7+s12+$0x0] =	vst.idx.msk $0xffff, v10  }
0x8e: {  	s19 =	simm.s32 $0x80;
	[tilespmem:v8+s12+$0x0] =	vst.idx.msk $0xffff, v6  }
0x8f: {  	[spmem:s1] =	stream.indirect.scatter.add.f32 [tilespmem:s12], [sflag:$0x1], $0x80, s16, s19, $0xb8;
	[tilespmem:$0x19600] =	vst v63  }
0x90: {  	_ =	swait.ge [sflag:s13], $0x4000  }
0x91: {  	[sflag:s13] =	ssyncset.done $0x0  }
0x92: {  	[sflag:s13] =	ssyncadd.s32 $0xFFFFC000  }
0x93: {  	v6 =	vld [tilespmem:s19+$0x0];
	_ =	sdelay $0x2  }
0x94: {  	s20 =	simm.s32 $0x0  }
0x95: {  	v7 =	vmov s20  }
0x96: {  	v7 =	vshll.u32 v7, $0x7;
	v6 =	vshll.u32 v6, $0x3  }
0x97: {  	v7 =	vor.u32 v5, v7;
	v6 =	vand.u32 $0x78, v6  }
0x98: {  	v6 =	vor.u32 v7, v6  }
0x99: {  	v7 =	vor.u32 $0x1, v6  }
0x9a: {  	v8 =	vor.u32 $0x2, v6  }
0x9b: {  	v63 =	vor.u32 $0x3, v6;
	_ =	sdelay $0x1  }
0x9c: {  	[tilespmem:v6+s12+$0x0] =	vst.idx.msk $0xffff, v0;
	v6 =	vor.u32 $0x4, v6  }
0x9d: {  	[tilespmem:v7+s12+$0x0] =	vst.idx.msk $0xffff, v0  }
0x9e: {  	[tilespmem:v8+s12+$0x0] =	vst.idx.msk $0xffff, v0  }
0x9f: {  	s20 =	simm.s32 $0x10;
	[tilespmem:v63+s12+$0x0] =	vst.idx.msk $0xffff, v0  }
.LBB2_7:
0xa0: {  	p0 =	sne.s32 s20, $0x70  }
0xa1: {  	[tilespmem:v6+s12+$0x0] =	vst.idx.msk $0xffff, v0;
	s19 =	sadd.s32 $0x10, s19;
	s21 =	smov.u32 s20;
	s20 =	sadd.s32 $0x10, s20  }
0xa2: {  	v6 =	vld [tilespmem:s19+$0x0];
	_ =	sdelay $0x3  }
0xa3: {  	v7 =	vmov s21  }
0xa4: {  	v7 =	vshll.u32 v7, $0x7;
	v6 =	vshll.u32 v6, $0x3  }
0xa5: {  	v7 =	vor.u32 v5, v7;
	v6 =	vand.u32 $0x78, v6  }
0xa6: {  	v7 =	vor.u32 v7, v6  }
0xa7: {  	v8 =	vor.u32 $0x1, v7  }
0xa8: {  	v9 =	vor.u32 $0x2, v7  }
0xa9: {  	v10 =	vor.u32 $0x3, v7  }
.Ltmp2:
0xaa: {  	v6 =	vor.u32 $0x4, v7;
	(pc) =	sbr.rel @p0 .LBB2_7-.Ltmp2, $4  }
0xab: {  	[tilespmem:v7+s12+$0x0] =	vst.idx.msk $0xffff, v0  }
0xac: {  	[tilespmem:v8+s12+$0x0] =	vst.idx.msk $0xffff, v0  }
0xad: {  	[tilespmem:v9+s12+$0x0] =	vst.idx.msk $0xffff, v0  }
0xae: {  	[tilespmem:v10+s12+$0x0] =	vst.idx.msk $0xffff, v0  }
0xaf: {  	s18 =	sadd.s32 $0x1, s18  }
0xb0: {  	p0 =	sne.s32 s18, $0x51  }
.Ltmp3:
0xb1: {  	_ = 	snop;
	(pc) =	sbr.rel @p0 .LBB2_4-.Ltmp3, $2  }
0xb2: {  	_ =	sdelay $0x2  }
0xb3: {  	[tilespmem:v6+s12+$0x0] =	vst.idx.msk $0xffff, v0  }
0xb4: {  	s3 =	sadd.s32 $0x1, s3  }
0xb5: {  	s17 =	sshll.u32 s2, $0x6;
	[bflag:$0x0] =	sbarrier.arrive $0xFFFF;
	p0 =	sne.s32 s3, s11  }
.Ltmp4:
0xb6: {  	s18 =	sshrl.u32 s8, $0x3;
	s17 =	sor.u32 $0x1C01, s17;
	(pc) =	sbr.rel @p0 .LBB2_1-.Ltmp4, $4  }
0xb7: {  	[hbm:s10], [sflag:s17] =	dma.local [spmem:s18], $0x280  }
0xb8: {  	_ =	swait.ge [sflag:s13], $0x280  }
0xb9: {  	[sflag:s13] =	ssyncset.done $0x0  }
0xba: {  	[sflag:s13] =	ssyncadd.s32 $0xFFFFFD80  }
0xbb: {  	_ =	sfence.sel $0x180000  }
0xbc: {  	[bflag:$0x0] =	sbarrier.arrive $0xFFFF  }
0xbd: {  	p0 =	sne.s32 s2, $0x0;
	_ =	strace $0x9000004D  }
0xbe: {  	s0 =	sadd.s32 @!p0 $0x100000, s0;
	[bflag:$0x2] =	sbarrier.arrive $0xFFFF  }
0xbf: {  	[sflag:s0] =	ssyncadd.tile.s32 @!p0 $0x1;
	_ =	shalt  }
.Lfunc_end2:
_tile_overlayer_lowered:
.L_overlay_start_2:
0xc0: {  	(tag) =	ssettag $0x2  }
0xc1: {  	s0 =	rddreg [dreg:$0x0];
	s2 =	stileid.u32  }
0xc2: {  	s1 =	rddreg [dreg:$0x1];
	p0 =	sne.s32 s2, $0x0  }
0xc3: {  	s3 =	rddreg [dreg:$0x2];
	[bflag:$0x3] =	sbarrier.arrive $0xFFFF;
	s2 =	simm.s32 @!p0 $0x1C01  }
0xc4: {  	[timem:s3], [sflag:s2] =	dma.local @!p0 [hbm:s0], s1  }
0xc5: {  	s0 =	simm.s32 @!p0 $0x1  }
0xc6: {  	_ =	swait.ge @!p0 [sflag:s0], s1  }
0xc7: {  	s1 =	ssub.s32 @!p0 $0x0, s1;
	[sflag:s0] =	ssyncset.done @!p0 $0x0  }
0xc8: {  	[sflag:s0] =	ssyncadd.s32 @!p0 s1  }
0xc9: {  	[bflag:$0x3] =	sbarrier.arrive $0xFFFF  }
0xca: {  	_ =	shalt  }

// kernel: kernel.8.cloned.1.call-start
scs
__scs_entry_jumppad:
0x0: {  	(pc) =	sbr.rel $0x88, $3  }
0x1: {  	(tag) =	ssettag $0x0;
	lr =	simm.s32 $0x1  }
0x2: {  	[smem:$0x3F93] =	sst lr;
	_ =	strace $0xD0000000  }
0x3: {  	_ = 	snop  }
0x4: {  	_ = 	snop  }
0x5: {  	_ = 	snop  }
0x6: {  	_ = 	snop  }
0x7: {  	_ = 	snop  }
__scs_overlays_trampoline_lowered:
0x8: {  	[smem:$0x3FA2] =	sst s0  }
0x9: {  	[smem:$0x3FA3] =	sst s1  }
0xa: {  	[smem:$0x3FA4] =	sst s2  }
0xb: {  	[smem:$0x3FA5] =	sst s3  }
0xc: {  	[smem:$0x3FA6] =	sst s4  }
0xd: {  	[smem:$0x3FA7] =	sst s5  }
0xe: {  	[smem:$0x3FA8] =	sst s6  }
0xf: {  	[smem:$0x3FA9] =	sst s7  }
0x10: {  	[smem:$0x3FAA] =	sst s8  }
0x11: {  	[smem:$0x3FAB] =	sst s9;
	s0 =	simm.s32 @!p0 $0x0  }
0x12: {  	s1 =	sld [smem:$0x3F91];
	s0 =	simm.s32 @p0 $0x1  }
0x13: {  	[smem:$0x3FAC] =	sst s0;
	s0 =	simm.s32 @!p1 $0x0  }
0x14: {  	s2 =	sld [smem:$0x3F90];
	s0 =	simm.s32 @p1 $0x1  }
0x15: {  	[smem:$0x3FAD] =	sst s0;
	s0 =	simm.s32 @!p2 $0x0  }
0x16: {  	s3 =	sld [smem:$0x3FDB];
	s0 =	simm.s32 @p2 $0x1  }
0x17: {  	s4 =	simm.s32 $0x1BF5;
	[smem:$0x3FAF] =	sst s0  }
0x18: {  	s0 =	sld [smem:$0x3F92];
	_ =	swait.ge [sflag:s4], $0x0  }
0x19: {  	s7 =	sld [smem:$0x3F93]  }
0x1a: {  	s8 =	sadd.s32 $0xFFFFE003, lr  }
0x1b: {  	s9 =	sadd.s32 $0xFFFFFEF7, lr;
	s5 =	simm.s32 $0xFFFFFFFF;
	p2 =	slt.u32 s8, $0xFFFFF086  }
0x1c: {  	p1 =	slt.u32 s9, $0xF7A;
	s5 =	simm.s32 @!p2 $0x0  }
0x1d: {  	s5 =	simm.s32 @p1 $0x1;
	p0 =	seq.s32 s7, s2  }
0x1e: {  	s7 =	smul.u32 @!p0 $0xF7A, s2;
	p2 =	seq.s32 @!p0 s5, $0x0  }
0x1f: {  	s9 =	smul.u32 $0xF7A, s1;
	s8 =	simm.s32 @!p0 $0x1BF5;
	p2 =	por !p2, p0  }
0x20: {  	[sflag:s8] =	ssyncset.s32 @!p0 $0xFFFFF086;
	s6 =	sadd.s32 @!p0 s3, s7;
	s7 =	simm.s32 @!p0 $0x108  }
0x21: {  	s3 =	sadd.s32 s3, s9;
	s6 =	sadd.s32 @!p0 $0x88, s6;
	s7 =	simm.s32 @p2 $0x1082  }
0x22: {  	[simem:s7], [sflag:s8] =	dma.local @!p0 [hbm:s6], $0xF7A  }
0x23: {  	s9 =	sor.u32 $0xD0000000, s2;
	s6 =	simm.s32 $0x108;
	_ =	swait.ge @!p0 [sflag:s8], $0x0  }
0x24: {  	s3 =	sadd.s32 $0x88, s3;
	s6 =	simm.s32 @!p1 $0x1082;
	[sflag:s4] =	ssyncset.s32 $0xFFFFF086  }
0x25: {  	[simem:s6], [sflag:s4] =	dma.local [hbm:s3], $0xF7A  }
0x26: {  	[smem:$0x3F93] =	sst s1;
	(tag) =	ssettag s2;
	_ =	strace s9  }
0x27: {  	s1 =	sld [smem:$0x3FA3]  }
0x28: {  	s2 =	sld [smem:$0x3FA4]  }
0x29: {  	s4 =	sld [smem:$0x3FA6]  }
0x2a: {  	p0 =	seq.s32 s5, $0x0;
	s5 =	sld [smem:$0x3FA7]  }
0x2b: {  	s6 =	sld [smem:$0x3FA8]  }
0x2c: {  	s7 =	sld [smem:$0x3FA9]  }
0x2d: {  	s3 =	simm.s32 $0x108;
	s8 =	sld [smem:$0x3FAA]  }
0x2e: {  	s3 =	simm.s32 @!p0 $0x1082;
	s9 =	sld [smem:$0x3FAB]  }
0x2f: {  	lr =	sadd.s32 s0, s3;
	s0 =	sld [smem:$0x3FA2]  }
0x30: {  	s3 =	sld [smem:$0x3FA5]  }
0x31: {  	[smem:$0x3FAE] =	sst s10  }
0x32: {  	s10 =	sld [smem:$0x3FAC];
	_ =	sdelay $0x3  }
0x33: {  	p0 =	seq.s32 s10, $0x1;
	s10 =	sld [smem:$0x3FAE];
	_ =	sdelay $0x3  }
0x34: {  	[smem:$0x3FAE] =	sst s10  }
0x35: {  	s10 =	sld [smem:$0x3FAD];
	_ =	sdelay $0x3  }
0x36: {  	p1 =	seq.s32 s10, $0x1;
	s10 =	sld [smem:$0x3FAE];
	_ =	sdelay $0x3  }
0x37: {  	[smem:$0x3FAE] =	sst s10  }
0x38: {  	s10 =	sld [smem:$0x3FAF]  }
0x39: {  	_ = 	snop;
	(pc) =	sbr.ind lr, $3  }
0x3a: {  	_ = 	snop  }
0x3b: {  	_ = 	snop  }
0x3c: {  	p2 =	seq.s32 s10, $0x1;
	s10 =	sld [smem:$0x3FAE]  }
0x3d: {  	_ =	shalt  }
0x3e: {  	_ =	shalt  }
0x3f: {  	_ =	shalt  }
0x40: {  	_ =	shalt  }
0x41: {  	_ =	shalt  }
0x42: {  	_ =	shalt  }
0x43: {  	_ =	shalt  }
0x44: {  	_ =	shalt  }
0x45: {  	_ =	shalt  }
0x46: {  	_ =	shalt  }
0x47: {  	_ =	shalt  }
0x48: {  	_ =	shalt  }
0x49: {  	_ =	shalt  }
0x4a: {  	_ =	shalt  }
0x4b: {  	_ =	shalt  }
0x4c: {  	_ =	shalt  }
0x4d: {  	_ =	shalt  }
0x4e: {  	_ =	shalt  }
0x4f: {  	_ =	shalt  }
0x50: {  	_ =	shalt  }
0x51: {  	_ =	shalt  }
0x52: {  	_ =	shalt  }
0x53: {  	_ =	shalt  }
0x54: {  	_ =	shalt  }
0x55: {  	_ =	shalt  }
0x56: {  	_ =	shalt  }
0x57: {  	_ =	shalt  }
0x58: {  	_ =	shalt  }
0x59: {  	_ =	shalt  }
0x5a: {  	_ =	shalt  }
0x5b: {  	_ =	shalt  }
0x5c: {  	_ =	shalt  }
0x5d: {  	_ =	shalt  }
0x5e: {  	_ =	shalt  }
0x5f: {  	_ =	shalt  }
0x60: {  	_ =	shalt  }
0x61: {  	_ =	shalt  }
0x62: {  	_ =	shalt  }
0x63: {  	_ =	shalt  }
0x64: {  	_ =	shalt  }
0x65: {  	_ =	shalt  }
0x66: {  	_ =	shalt  }
0x67: {  	_ =	shalt  }
0x68: {  	_ =	shalt  }
0x69: {  	_ =	shalt  }
0x6a: {  	_ =	shalt  }
0x6b: {  	_ =	shalt  }
0x6c: {  	_ =	shalt  }
0x6d: {  	_ =	shalt  }
0x6e: {  	_ =	shalt  }
0x6f: {  	_ =	shalt  }
0x70: {  	_ =	shalt  }
0x71: {  	_ =	shalt  }
0x72: {  	_ =	shalt  }
0x73: {  	_ =	shalt  }
0x74: {  	_ =	shalt  }
0x75: {  	_ =	shalt  }
0x76: {  	_ =	shalt  }
0x77: {  	_ =	shalt  }
0x78: {  	_ =	shalt  }
0x79: {  	_ =	shalt  }
0x7a: {  	_ =	shalt  }
0x7b: {  	_ =	shalt  }
0x7c: {  	_ =	shalt  }
0x7d: {  	_ =	shalt  }
0x7e: {  	_ =	shalt  }
0x7f: {  	_ =	shalt  }
0x80: {  	_ =	shalt  }
0x81: {  	_ =	shalt  }
0x82: {  	_ =	shalt  }
0x83: {  	_ =	shalt  }
0x84: {  	_ =	shalt  }
0x85: {  	_ =	shalt  }
0x86: {  	_ =	shalt  }
0x87: {  	_ =	shalt  }
.Lfunc_end0:
.L_simem_size_0:
called_computation_lowered:
.L_overlay_start_0:
0x88: {  	s2 =	sld [smem:$0x3FD9]  }
0x89: {  	s3 =	sld [smem:$0x3FFE];
	_ =	sdelay $0x1  }
0x8a: {  	s1 =	srdreg.scid  }
0x8b: {  	s0 =	sand.u32 $0x1, s1  }
0x8c: {  	s17 =	sshll.u32 s0, $0xA;
	s2 =	sadd.s32 s3, s2  }
0x8d: {  	s2 =	sadd.s32 s2, s17  }
0x8e: {  	[smem:$0x3FBA] =	sst s2  }
0x8f: {  	_ = 	snop  }
0x90: {  	s18 =	sld [smem:$0x3FD0];
	(tm) =	ssettm $0x1  }
0x91: {  	s19 =	sld [smem:$0x3FFB];
	_ =	sdelay $0x3  }
0x92: {  	_ =	strace s19  }
0x93: {  	s2 =	sld [smem:$0x3FFC];
	_ =	sdelay $0x3  }
0x94: {  	_ =	strace s2  }
0x95: {  	s2 =	sld [smem:$0x3FFD];
	_ =	sdelay $0x3  }
0x96: {  	_ =	strace s2  }
0x97: {  	_ =	strace $0x8FFFFFFF  }
0x98: {  	s20 =	sld [smem:$0x3FDB];
	_ =	sdelay $0x1  }
0x99: {  	s4 =	simm.s32 $_scs_section_size  }
0x9a: {  	s5 =	simm.s32 $_size__tile_overlayer_lowered;
	s6 =	simm.s32 $_tile_overlayer_lowered  }
0x9b: {  	s7 =	simm.s32 $0x1BFF;
	s21 =	sshll.u32 s6, $0x1;
	s4 =	sadd.s32 s4, s20  }
0x9c: {  	s22 =	simm.s32 $0x0;
	s5 =	sshll.u32 s5, $0x1;
	s6 =	sadd.s32 s21, s4  }
0x9d: {  	[timem:s22], [sflag:s7] =	dma.local [hbm:s6], s5  }
0x9e: {  	_ =	swait.ge [sflag:s7], s5  }
0x9f: {  	s5 =	ssub.s32 $0x0, s5;
	[sflag:s7] =	ssyncset.done $0x0  }
0xa0: {  	[sflag:s7] =	ssyncadd.s32 s5;
	_ =	sdelay $0x1  }
0xa1: {  	s23 =	simm.s32 $0x1B8B  }
0xa2: {  	_ =	swait.ge [sflag:s23], $0x1  }
0xa3: {  	[sflag:s23] =	ssyncset.done $0x0  }
0xa4: {  	[sflag:s23] =	ssyncadd.s32 $0xFFFFFFFF  }
0xa5: {  	s5 =	sld [smem:$0x0]  }
0xa6: {  	s6 =	sand.u32 $0xFFFFFFFE, s1  }
0xa7: {  	p0 =	sne.s32 s1, s6  }
0xa8: {  	s6 =	sshll.u32 @p0 s6, $0xE  }
0xa9: {  	s6 =	sadd.s32 @p0 $0x11B8D, s6;
	s7 =	sshll.u32 @p0 s5, $0x11  }
0xaa: {  	s6 =	sor.u32 @p0 s7, s6  }
0xab: {  	[sflag:s6] =	ssyncadd.remote.s32 @p0 $0x1;
	_ =	sdelay $0x1  }
0xac: {  	s6 =	simm.s32 @p0 $0x1B8D  }
0xad: {  	_ =	swait.eq @p0 [sflag:s6], $0x1  }
0xae: {  	[sflag:s6] =	ssyncadd.s32 @p0 $0xFFFFFFFF  }
0xaf: {  	s7 =	sshll.u32 @!p0 s1, $0xE  }
0xb0: {  	s7 =	sor.u32 @!p0 $0x4000, s7;
	s6 =	simm.s32 @!p0 $0x1B8D  }
0xb1: {  	s5 =	sshll.u32 @!p0 s5, $0x11;
	s7 =	sadd.s32 @!p0 $0x11B8D, s7;
	_ =	swait.eq @!p0 [sflag:s6], $0x1  }
0xb2: {  	s5 =	sor.u32 @!p0 s5, s7;
	[sflag:s6] =	ssyncadd.s32 @!p0 $0xFFFFFFFF  }
0xb3: {  	s25 =	simm.s32 $0x1B8E;
	s24 =	sld [smem:$0x3FFE];
	[sflag:s5] =	ssyncadd.remote.s32 @!p0 $0x1  }
0xb4: {  	s26 =	simm.s32 $execute0_lowered;
	[smem:$0x3FD2] =	sst s25  }
0xb5: {  	s6 =	sshll.u32 s26, $0x1;
	_ =	strace $0x80000049;
	[dreg:$0x1] =	wrdreg $0xFFFFFFFF  }
0xb6: {  	s28 =	simm.s32 $_size_execute0_lowered;
	s4 =	sadd.s32 s4, s6;
	[dreg:$0x0] =	wrdreg $0x0  }
0xb7: {  	s6 =	sshll.u32 s28, $0x1;
	[dreg:$0x2] =	wrdreg s4  }
0xb8: {  	[dreg:$0x3] =	wrdreg s6  }
0xb9: {  	[dreg:$0x4] =	wrdreg $0xC0  }
0xba: {  	_ =	task [dreg:s22], $0x5FFFF  }
0xbb: {  	[dreg:$0x1] =	wrdreg $0xFFFFFFFF  }
0xbc: {  	[dreg:$0x0] =	wrdreg $0x60  }
0xbd: {  	[dreg:$0x2] =	wrdreg s24  }
0xbe: {  	[dreg:$0x3] =	wrdreg s18  }
0xbf: {  	[dreg:$0x4] =	wrdreg $0x82000  }
0xc0: {  	[dreg:$0x5] =	wrdreg $0x9  }
0xc1: {  	_ =	task.clear_ibuf [dreg:s22], $0x6FFFF;
	_ =	strace $0x90000049  }
0xc2: {  	s29 =	simm.s32 $0x9;
	_ =	strace $0x8000004B  }
0xc3: {  	_ =	swait.ge [sflag:s29], $0x1  }
0xc4: {  	[sflag:s29] =	ssyncadd.s32 $0xFFFFFFFF  }
0xc5: {  	_ =	strace $0x9000004B  }
0xc6: {  	_ =	sfence  }
0xc7: {  	s30 =	sld [smem:$0x0];
	_ =	sdelay $0x2  }
0xc8: {  	s31 =	sshll.u32 s1, $0xD;
	s1 =	sshrl.u32 s1, $0x2  }
0xc9: {  	s4 =	sand.u32 $0x4000, s31;
	s1 =	sadd.s32 s1, s30  }
0xca: {  	s0 =	sor.u32 s4, s0;
	s1 =	sshll.u32 s1, $0x11  }
0xcb: {  	s0 =	sor.u32 s1, s0  }
0xcc: {  	s0 =	sadd.s32 $0x8F2B, s0  }
0xcd: {  	[sflag:s0] =	ssyncadd.remote.s32 $0x1  }
0xce: {  	_ =	sfence.sel $0xFFFF  }
0xcf: {  	[dreg:$0x0] =	wrdreg $0xFFFFFFFF;
	(pc) =	sbr.abs _section_cstart, $3  }
0xd0: {  	[dreg:$0x1] =	wrdreg $0xFFFFFFFF  }
0xd1: {  	_ =	task.clear_ibuf [dreg:s22], $0x2FFFF;
	_ =	strace $0x9FFFFFFF  }
0xd2: {  	(tm) =	ssettm $0x7FFFFFFF  }
0xd3: {  	_ =	shalt  }
tec
execute0_lowered:
.L_overlay_start_1:
0x0: {  	(tag) =	ssettag $0x1  }
0x1: {  	s0 =	rddreg [dreg:$0x0]  }
0x2: {  	s1 =	rddreg [dreg:$0x1]  }
0x3: {  	s2 =	rddreg [dreg:$0x2];
	s3 =	srdreg.scid;
	s4 =	simm.s32 $0x0  }
0x4: {  	s16 =	simm.s32 $0x8180;
	s17 =	simm.s32 $0x3;
	s18 =	simm.s32 $0x80  }
0x5: {  	s19 =	simm.s32 $0x180;
	s20 =	simm.s32 $0x1;
	s21 =	simm.s32 $0x2  }
0x6: {  	s22 =	simm.s32 $0x100;
	s23 =	simm.s32 $0x4180;
	s8 =	sand.u32 $0x1, s3  }
0x7: {  	s26 =	simm.s32 $0x0;
	s3 =	stileid.u32;
	s6 =	smul.u32 $0x140000, s8  }
0x8: {  	[smem:$0x7FF] =	sst s4;
	s5 =	sadd.s32 $0x16C00, s0;
	s7 =	smul.u32 $0x14000, s3  }
0x9: {  	_ =	strace $0x8000004A;
	s10 =	smul.u32 $0x50000, s3;
	s30 =	ssub.s32 $0x2, s8  }
0xa: {  	s12 =	sshll.u32 s8, $0x4;
	s31 =	sshll.u32 s3, $0x6;
	s11 =	sshrl.u32 s30, $0x1  }
0xb: {  	s13 =	sor.u32 s3, s12;
	s24 =	sor.u32 $0x1C03, s31;
	s9 =	sadd.s32 s7, s6  }
0xc: {  	s6 =	sadd.s32 $0x2800, s0;
	s7 =	sadd.s32 $0xCA00, s0;
	s10 =	sshrl.u32 s10, $0x2  }
0xd: {  	s15 =	ssub.s32 s30, s11;
	s13 =	smul.u32 $0x51, s13;
	s9 =	sshrl.u32 s9, $0x3  }
0xe: {  	s8 =	sadd.s32 s10, s2;
	s15 =	smax.u32 s15, $0x1;
	s0 =	sadd.s32 s9, s0  }
0xf: {  	s9 =	sadd.s32 $0x4000, s8;
	s10 =	sadd.s32 $0x8000, s8;
	s11 =	sadd.s32 $0xC000, s8  }
0x10: {  	v0 =	vimm.s32 $0x2710;
	v1 =	vimm.s32 $0xF;
	s12 =	sadd.s32 $0x10000, s8;
	s25 =	sshrl.u32 s8, $0x3;
	s14 =	sadd.s32 $0xB6C00, s0  }
.LBB2_1:
0x11: {  	[tilespmem:$0x0] =	vst v0  }
0x12: {  	[tilespmem:$0x10] =	vst v0  }
0x13: {  	[tilespmem:$0x20] =	vst v0  }
0x14: {  	[tilespmem:$0x30] =	vst v0  }
0x15: {  	[tilespmem:$0x40] =	vst v0  }
0x16: {  	[tilespmem:$0x50] =	vst v0  }
0x17: {  	[tilespmem:$0x60] =	vst v0  }
0x18: {  	[tilespmem:$0x70] =	vst v0  }
0x19: {  	[tilespmem:s16], [sflag:$0x3] =	stream.linear.gather [hbm4b:s1+s4], $0x80, $0x38;
	[tilespmem:$0x1C200] =	vst v63  }
0x1a: {  	_ =	swait.ge [sflag:s17], $0x80  }
0x1b: {  	[sflag:s17] =	ssyncset.done $0x0  }
0x1c: {  	[sflag:s17] =	ssyncadd.s32 $0xFFFFFF80  }
0x1d: {  	[tilespmem:s19], [sflag:$0x1] =	stream.indirect.gather [hbm4b:s5+s18], $0x80, s4, s18, $0xb8;
	[tilespmem:$0x1C200] =	vst v63  }
0x1e: {  	_ =	swait.ge [sflag:s20], $0x4000  }
0x1f: {  	[sflag:s20] =	ssyncset.done $0x0  }
0x20: {  	[sflag:s20] =	ssyncadd.s32 $0xFFFFC000  }
0x21: {  	[spmem:s8] =	stream.linear.scatter [tilespmem:s19], [sflag:$0x3], $0x4000, $0x38;
	[tilespmem:$0x1C200] =	vst v63  }
0x22: {  	_ =	swait.ge [sflag:s17], $0x4000  }
0x23: {  	[sflag:s17] =	ssyncset.done $0x0  }
0x24: {  	[sflag:s17] =	ssyncadd.s32 $0xFFFFC000  }
0x25: {  	[spmem:s9] =	stream.linear.scatter [tilespmem:s19], [sflag:$0x3], $0x4000, $0x38;
	[tilespmem:$0x1C200] =	vst v63  }
0x26: {  	_ =	swait.ge [sflag:s17], $0x4000  }
0x27: {  	[sflag:s17] =	ssyncset.done $0x0  }
0x28: {  	[sflag:s17] =	ssyncadd.s32 $0xFFFFC000  }
0x29: {  	[spmem:s10] =	stream.linear.scatter [tilespmem:s19], [sflag:$0x3], $0x4000, $0x38;
	[tilespmem:$0x1C200] =	vst v63  }
0x2a: {  	_ =	swait.ge [sflag:s17], $0x4000  }
0x2b: {  	[sflag:s17] =	ssyncset.done $0x0  }
0x2c: {  	[sflag:s17] =	ssyncadd.s32 $0xFFFFC000  }
0x2d: {  	[spmem:s11] =	stream.linear.scatter [tilespmem:s19], [sflag:$0x3], $0x4000, $0x38;
	[tilespmem:$0x1C200] =	vst v63  }
0x2e: {  	_ =	swait.ge [sflag:s17], $0x4000  }
0x2f: {  	[sflag:s17] =	ssyncset.done $0x0  }
0x30: {  	[sflag:s17] =	ssyncadd.s32 $0xFFFFC000  }
0x31: {  	[spmem:s12] =	stream.linear.scatter [tilespmem:s19], [sflag:$0x3], $0x4000, $0x38;
	[tilespmem:$0x1C200] =	vst v63  }
0x32: {  	_ =	swait.ge [sflag:s17], $0x4000  }
0x33: {  	[sflag:s17] =	ssyncset.done $0x0  }
0x34: {  	[sflag:s17] =	ssyncadd.s32 $0xFFFFC000  }
0x35: {  	s28 =	simm.s32 $0x0;
	[bflag:$0x0] =	sbarrier.arrive $0xFFFF  }
.LBB2_2:
0x36: {  	s0 =	sadd.s32 s13, s28  }
0x37: {  	s0 =	sshll.u32 s0, $0x4  }
0x38: {  	s29 =	sadd.s32 s6, s0  }
0x39: {  	[tilespmem:s4], [sflag:$0x1] =	stream.linear.gather [hbm4b:s29+s4], $0x80, $0x38;
	[tilespmem:$0x1C200] =	vst v63  }
0x3a: {  	s0 =	sadd.s32 s7, s0  }
0x3b: {  	[tilespmem:s18], [sflag:$0x2] =	stream.linear.gather [hbm4b:s0+s4], $0x80, $0x38;
	[tilespmem:$0x1C200] =	vst v63  }
0x3c: {  	_ =	swait.ge [sflag:s20], $0x80  }
0x3d: {  	[sflag:s20] =	ssyncset.done $0x0  }
0x3e: {  	[sflag:s20] =	ssyncadd.s32 $0xFFFFFF80  }
0x3f: {  	_ =	swait.ge [sflag:s21], $0x80  }
0x40: {  	[sflag:s21] =	ssyncset.done $0x0  }
0x41: {  	[sflag:s21] =	ssyncadd.s32 $0xFFFFFF80  }
0x42: {  	v2 =	vld [tilespmem:$0x80]  }
0x43: {  	v3 =	vld [tilespmem:$0x90]  }
0x44: {  	v4 =	vld [tilespmem:$0xA0]  }
0x45: {  	v5 =	vld [tilespmem:$0xB0]  }
0x46: {  	v6 =	vld [tilespmem:$0xC0]  }
0x47: {  	v7 =	vld [tilespmem:$0xD0];
	v2 =	vadd.s32 $0x2800, v2  }
0x48: {  	[tilespmem:$0x100] =	vst v2;
	v2 =	vadd.s32 $0x2800, v3;
	v3 =	vld [tilespmem:$0xE0]  }
0x49: {  	[tilespmem:$0x110] =	vst v2;
	v2 =	vadd.s32 $0x2800, v4;
	v4 =	vld [tilespmem:$0xF0]  }
0x4a: {  	[tilespmem:$0x120] =	vst v2;
	v2 =	vadd.s32 $0x2800, v5  }
0x4b: {  	[tilespmem:$0x130] =	vst v2;
	v2 =	vadd.s32 $0x2800, v6  }
0x4c: {  	[tilespmem:$0x140] =	vst v2;
	v2 =	vadd.s32 $0x2800, v7  }
0x4d: {  	[tilespmem:$0x150] =	vst v2;
	v2 =	vadd.s32 $0x2800, v3  }
0x4e: {  	[tilespmem:$0x160] =	vst v2;
	v2 =	vadd.s32 $0x2800, v4  }
0x4f: {  	[tilespmem:$0x170] =	vst v2  }
0x50: {  	[tilespmem:s19], [sflag:$0x1] =	stream.indirect.gather [hbm4b:s5+s18], $0x80, s4, s18, $0xb8;
	[tilespmem:$0x1C200] =	vst v63  }
0x51: {  	_ = 	snop  }
0x52: {  	[tilespmem:s23], [sflag:$0x2] =	stream.indirect.gather [hbm4b:s5+s18], $0x80, s22, s18, $0xb8;
	[tilespmem:$0x1C200] =	vst v63  }
0x53: {  	_ =	swait.ge [sflag:s20], $0x4000  }
0x54: {  	[sflag:s20] =	ssyncset.done $0x0  }
0x55: {  	[sflag:s20] =	ssyncadd.s32 $0xFFFFC000  }
0x56: {  	_ =	swait.ge [sflag:s21], $0x4000  }
0x57: {  	[sflag:s21] =	ssyncset.done $0x0  }
0x58: {  	s29 =	simm.s32 $0x200;
	[sflag:s21] =	ssyncadd.s32 $0xFFFFC000  }
0x59: {  	v5 =	vld [tilespmem:s29+$0xFFFFFFB0]  }
0x5a: {  	v3 =	vld [tilespmem:s29+$0xFFFFFF80]  }
0x5b: {  	v2 =	vld [tilespmem:s29+$0xFFFFFFC0]  }
0x5c: {  	v4 =	vld [tilespmem:s29+$0xFFFFFFF0]  }
0x5d: {  	v6 =	vld [tilespmem:s29+$0xFFFFFFA0]  }
0x5e: {  	v7 =	vld [tilespmem:s29+$0xFFFFFFE0]  }
0x5f: {  	v8 =	vld [tilespmem:s29+$0xFFFFFFD0]  }
0x60: {  	s30 =	simm.s32 $0x4200;
	v9 =	vld [tilespmem:s29+$0xFFFFFF90]  }
0x61: {  	v10 =	vld [tilespmem:s30+$0xFFFFFF80]  }
0x62: {  	v11 =	vld [tilespmem:s30+$0xFFFFFFD0]  }
0x63: {  	v12 =	vld [tilespmem:s30+$0xFFFFFF90]  }
0x64: {  	v14 =	vld [tilespmem:s30+$0xFFFFFFE0]  }
0x65: {  	v15 =	vld [tilespmem:s30+$0xFFFFFFA0]  }
0x66: {  	v16 =	vld [tilespmem:s30+$0xFFFFFFF0]  }
0x67: {  	v17 =	vld [tilespmem:s30+$0xFFFFFFC0]  }
0x68: {  	v13 =	vld [tilespmem:$0x8190]  }
0x69: {  	v18 =	vld [tilespmem:s30+$0xFFFFFFB0]  }
0x6a: {  	v19 =	vld [tilespmem:$0x81F0];
	v12 =	vadd.f32 v12, v9;
	v11 =	vadd.f32 v11, v8  }
0x6b: {  	v21 =	vld [tilespmem:$0x81C0];
	v14 =	vadd.f32 v14, v7;
	v15 =	vadd.f32 v15, v6  }
0x6c: {  	v23 =	vld [tilespmem:$0x81D0];
	v16 =	vadd.f32 v16, v4;
	v61 =	vadd.f32 v17, v2;
	v20 =	vmul.f32 $2.000000030e-01, v12  }
0x6d: {  	v24 =	vld [tilespmem:$0x81E0];
	v10 =	vadd.f32 v10, v3;
	v22 =	vmul.f32 $2.000000030e-01, v11;
	v60 =	vmul.f32 $2.000000030e-01, v14  }
0x6e: {  	v18 =	vadd.f32 v18, v5;
	v63 =	vmul.f32 $2.000000030e-01, v16;
	v27 =	vmul.f32 $2.000000030e-01, v61  }
0x6f: {  	v62 =	vld [tilespmem:$0x8180];
	v28 =	vmul.f32 $2.000000030e-01, v10;
	v12 =	vmax.f32 v12, v20;
	v11 =	vmax.f32 v11, v22  }
0x70: {  	v25 =	vld [tilespmem:$0x81A0];
	v14 =	vmax.f32 v14, v60;
	v16 =	vmax.f32 v16, v63;
	v12 =	vmul.f32 v13, v12  }
0x71: {  	v32 =	vld [tilespmem:$0x81B0];
	v13 =	vmax.f32 v61, v27;
	v16 =	vmul.f32 v19, v16;
	v11 =	vmul.f32 v23, v11  }
0x72: {  	v14 =	vmul.f32 v24, v14;
	v13 =	vmul.f32 v21, v13  }
0x73: {  	v26 =	vmul.f32 $2.000000030e-01, v15;
	v33 =	vmul.f32 $2.000000030e-01, v18  }
0x74: {  	v10 =	vmax.f32 v10, v28;
	v14 =	vadd.f32 v16, v14;
	v11 =	vadd.f32 v11, v13  }
0x75: {  	v15 =	vmax.f32 v15, v26;
	v18 =	vmax.f32 v18, v33;
	v10 =	vmul.f32 v62, v10  }
0x76: {  	v34 =	vmul.f32 v32, v18;
	v15 =	vmul.f32 v25, v15;
	v11 =	vadd.f32 v14, v11;
	_ =	sdelay $0x1  }
0x77: {  	v10 =	vadd.f32 v12, v10;
	v35 =	vadd.f32 v34, v15;
	(xrf2) =	vadd.scan.msk.f32 $0xffff, v11;
	_ =	sdelay $0x1  }
0x78: {  	v10 =	vadd.f32 v35, v10;
	_ =	sdelay $0x1  }
0x79: {  	(xrf2) =	vadd.scan.msk.f32 $0xffff, v10;
	_ =	sdelay $0x5  }
0x7a: {  	v10, _, _ =	vpop (xrf2)  }
0x7b: {  	v10 =	vperm.xlane v10, v1;
	_ =	sdelay $0x1  }
0x7c: {  	v10 =	vmul.f32 $1.442695020e+00, v10  }
0x7d: {  	v11, _, _ =	vpop (xrf2)  }
0x7e: {  	v11 =	vperm.xlane v11, v1;
	(erf) = vpow2.f32 v10;
	_ =	sdelay $0x1  }
0x7f: {  	v10 =	vmul.f32 $1.442695020e+00, v11;
	_ =	sdelay $0x1  }
0x80: {  	(erf) = vpow2.f32 v10;
	_ =	sdelay $0x4  }
0x81: {  	v10 =	vpop (erf)  }
0x82: {  	v4 =	vmul.f32 v10, v4  }
0x83: {  	v2 =	vmul.f32 v10, v2  }
0x84: {  	v8 =	vmul.f32 v10, v8;
	[tilespmem:s29+$0xFFFFFFF0] =	vst v4  }
0x85: {  	v7 =	vmul.f32 v10, v7;
	v11 =	vpop (erf);
	[tilespmem:s29+$0xFFFFFFC0] =	vst v2;
	v2 =	vld [tilespmem:s29+$0x50]  }
0x86: {  	v4 =	vmul.f32 v11, v9;
	[tilespmem:s29+$0xFFFFFFD0] =	vst v8;
	v8 =	vmul.f32 v11, v3;
	v3 =	vld [tilespmem:s29+$0x60]  }
0x87: {  	v6 =	vmul.f32 v11, v6;
	v9 =	vmul.f32 v11, v5;
	v5 =	vld [tilespmem:s29+$0x30];
	[tilespmem:s29+$0xFFFFFFE0] =	vst v7  }
0x88: {  	v7 =	vld [tilespmem:s29+$0x10];
	[tilespmem:s29+$0xFFFFFF90] =	vst v4  }
0x89: {  	[tilespmem:s29+$0xFFFFFFA0] =	vst v6;
	v4 =	vld [tilespmem:s29+$0x40]  }
0x8a: {  	[tilespmem:s29+$0xFFFFFF80] =	vst v8;
	v6 =	vld [tilespmem:s29+$0x20]  }
0x8b: {  	[tilespmem:s29+$0xFFFFFFB0] =	vst v9;
	v9 =	vld [tilespmem:s29+$0x0]  }
0x8c: {  	v10 =	vld [tilespmem:$0x8190]  }
0x8d: {  	v8 =	vld [tilespmem:s30+$0x10]  }
0x8e: {  	v11 =	vld [tilespmem:s30+$0x20]  }
0x8f: {  	v36 =	vld [tilespmem:s30+$0x30]  }
0x90: {  	v37 =	vld [tilespmem:s30+$0x40]  }
0x91: {  	v40 =	vld [tilespmem:s30+$0x0]  }
0x92: {  	v44 =	vld [tilespmem:s30+$0x60]  }
0x93: {  	v45 =	vld [tilespmem:s30+$0x50]  }
0x94: {  	v39 =	vld [tilespmem:$0x81A0]  }
0x95: {  	v42 =	vld [tilespmem:s30+$0x70];
	v41 =	vadd.f32 v8, v7;
	v11 =	vadd.f32 v11, v6  }
0x96: {  	v46 =	vld [tilespmem:$0x81B0];
	v12 =	vadd.f32 v36, v5;
	v13 =	vadd.f32 v37, v4  }
0x97: {  	v8 =	vld [tilespmem:s29+$0x70];
	v16 =	vadd.f32 v40, v9;
	v20 =	vadd.f32 v44, v3;
	v43 =	vmul.f32 $2.000000030e-01, v41  }
0x98: {  	v49 =	vld [tilespmem:$0x8180];
	v21 =	vadd.f32 v45, v2;
	v47 =	vmul.f32 $2.000000030e-01, v11;
	v48 =	vmul.f32 $2.000000030e-01, v12  }
0x99: {  	v38 =	vld [tilespmem:$0x81C0];
	v50 =	vmul.f32 $2.000000030e-01, v13;
	v54 =	vmul.f32 $2.000000030e-01, v16  }
0x9a: {  	v51 =	vld [tilespmem:$0x81F0];
	v57 =	vmul.f32 $2.000000030e-01, v20;
	v58 =	vmul.f32 $2.000000030e-01, v21;
	v17 =	vmax.f32 v41, v43  }
0x9b: {  	v55 =	vld [tilespmem:$0x81D0];
	v11 =	vmax.f32 v11, v47;
	v12 =	vmax.f32 v12, v48;
	v16 =	vmax.f32 v16, v54  }
0x9c: {  	v53 =	vld [tilespmem:$0x81E0];
	v10 =	vmul.f32 v10, v17;
	v11 =	vmul.f32 v39, v11;
	v52 =	vadd.f32 v42, v8  }
0x9d: {  	v12 =	vmul.f32 v46, v12;
	v59 =	vmul.f32 v49, v16  }
0x9e: {  	v13 =	vmax.f32 v13, v50;
	v60 =	vmax.f32 v20, v57;
	v56 =	vmul.f32 $2.000000030e-01, v52  }
0x9f: {  	v61 =	vmax.f32 v21, v58;
	v11 =	vadd.f32 v12, v11;
	v10 =	vadd.f32 v10, v59  }
0xa0: {  	v13 =	vmul.f32 v38, v13;
	v17 =	vmul.f32 v55, v61;
	v15 =	vmax.f32 v52, v56  }
0xa1: {  	v16 =	vmul.f32 v53, v60;
	v10 =	vadd.f32 v11, v10;
	v15 =	vmul.f32 v51, v15;
	_ =	sdelay $0x1  }
0xa2: {  	v62 =	vadd.f32 v17, v13;
	(xrf2) =	vadd.scan.msk.f32 $0xffff, v10;
	v63 =	vadd.f32 v15, v16;
	_ =	sdelay $0x1  }
0xa3: {  	v11 =	vadd.f32 v63, v62;
	_ =	sdelay $0x1  }
0xa4: {  	s31 =	simm.s32 $0x200;
	s0 =	simm.s32 $0x0;
	(xrf2) =	vadd.scan.msk.f32 $0xffff, v11  }
.LBB2_3:
0xa5: {  	s0 =	sadd.s32 $0x2, s0;
	s30 =	sadd.s32 $0x100, s30;
	s29 =	sadd.s32 $0x100, s29  }
0xa6: {  	p0 =	slt.u32 s0, $0x7E;
	_ =	sdelay $0x3  }
0xa7: {  	v10, _, _ =	vpop (xrf2)  }
0xa8: {  	v10 =	vperm.xlane v10, v1;
	_ =	sdelay $0x1  }
0xa9: {  	v10 =	vmul.f32 $1.442695020e+00, v10  }
0xaa: {  	v11, _, _ =	vpop (xrf2)  }
0xab: {  	v11 =	vperm.xlane v11, v1;
	(erf) = vpow2.f32 v10;
	_ =	sdelay $0x1  }
0xac: {  	v10 =	vmul.f32 $1.442695020e+00, v11;
	_ =	sdelay $0x1  }
0xad: {  	(erf) = vpow2.f32 v10;
	_ =	sdelay $0x4  }
0xae: {  	v10 =	vpop (erf)  }
0xaf: {  	v12 =	vmul.f32 v10, v9;
	v11 =	vmul.f32 v10, v7  }
0xb0: {  	v7 =	vmul.f32 v10, v6;
	v10 =	vmul.f32 v10, v5  }
0xb1: {  	v5 =	vld [tilespmem:s29+$0xFFFFFFB0];
	[tilespmem:s31+$0x0] =	vst v12  }
0xb2: {  	v6 =	vld [tilespmem:s29+$0xFFFFFF80];
	[tilespmem:s31+$0x20] =	vst v7;
	v9 =	vpop (erf)  }
0xb3: {  	v7 =	vld [tilespmem:s29+$0xFFFFFFC0];
	[tilespmem:s31+$0x10] =	vst v11;
	v11 =	vmul.f32 v9, v4;
	v12 =	vmul.f32 v9, v2  }
0xb4: {  	v3 =	vmul.f32 v9, v3;
	v9 =	vmul.f32 v9, v8;
	v4 =	vld [tilespmem:s29+$0xFFFFFFF0];
	[tilespmem:s31+$0x30] =	vst v10  }
0xb5: {  	v2 =	vld [tilespmem:s29+$0xFFFFFFA0];
	[tilespmem:s31+$0x40] =	vst v11  }
0xb6: {  	v8 =	vld [tilespmem:s29+$0xFFFFFFE0];
	[tilespmem:s31+$0x60] =	vst v3  }
0xb7: {  	v10 =	vld [tilespmem:s29+$0xFFFFFFD0];
	[tilespmem:s31+$0x70] =	vst v9  }
0xb8: {  	v3 =	vld [tilespmem:s29+$0xFFFFFF90];
	[tilespmem:s31+$0x50] =	vst v12;
	s31 =	smov.u32 s29  }
0xb9: {  	v9 =	vld [tilespmem:s30+$0xFFFFFF80]  }
0xba: {  	v11 =	vld [tilespmem:s30+$0xFFFFFFD0]  }
0xbb: {  	v12 =	vld [tilespmem:s30+$0xFFFFFF90]  }
0xbc: {  	v13 =	vld [tilespmem:$0x8190]  }
0xbd: {  	v14 =	vld [tilespmem:s30+$0xFFFFFFE0]  }
0xbe: {  	v15 =	vld [tilespmem:s30+$0xFFFFFFF0]  }
0xbf: {  	v16 =	vld [tilespmem:s30+$0xFFFFFFA0]  }
0xc0: {  	v17 =	vld [tilespmem:s30+$0xFFFFFFC0]  }
0xc1: {  	v12 =	vadd.f32 v12, v3;
	v18 =	vld [tilespmem:s30+$0xFFFFFFB0]  }
0xc2: {  	v11 =	vadd.f32 v11, v10;
	v19 =	vld [tilespmem:$0x81F0]  }
0xc3: {  	v21 =	vmul.f32 $2.000000030e-01, v12;
	v14 =	vadd.f32 v14, v8;
	v20 =	vld [tilespmem:$0x8180]  }
0xc4: {  	v23 =	vmul.f32 $2.000000030e-01, v11;
	v15 =	vadd.f32 v15, v4;
	v22 =	vld [tilespmem:$0x81C0];
	v16 =	vadd.f32 v16, v2  }
0xc5: {  	v12 =	vmax.f32 v12, v21;
	v21 =	vmul.f32 $2.000000030e-01, v14;
	v24 =	vld [tilespmem:$0x81D0]  }
0xc6: {  	v11 =	vmax.f32 v11, v23;
	v12 =	vmul.f32 v13, v12;
	v13 =	vadd.f32 v17, v7;
	v25 =	vld [tilespmem:$0x81E0]  }
0xc7: {  	v9 =	vadd.f32 v9, v6;
	v26 =	vmul.f32 $2.000000030e-01, v15;
	v23 =	vmul.f32 $2.000000030e-01, v16;
	v17 =	vld [tilespmem:$0x81A0]  }
0xc8: {  	v18 =	vadd.f32 v18, v5;
	v14 =	vmax.f32 v14, v21;
	v28 =	vmul.f32 $2.000000030e-01, v13;
	v27 =	vld [tilespmem:$0x81B0]  }
0xc9: {  	v21 =	vmul.f32 $2.000000030e-01, v9;
	v15 =	vmax.f32 v15, v26;
	v16 =	vmax.f32 v16, v23  }
0xca: {  	v23 =	vmul.f32 $2.000000030e-01, v18;
	v15 =	vmul.f32 v19, v15;
	v13 =	vmax.f32 v13, v28  }
0xcb: {  	v11 =	vmul.f32 v24, v11;
	v14 =	vmul.f32 v25, v14  }
0xcc: {  	v9 =	vmax.f32 v9, v21;
	v18 =	vmax.f32 v18, v23;
	v13 =	vmul.f32 v22, v13  }
0xcd: {  	v9 =	vmul.f32 v20, v9;
	v18 =	vmul.f32 v27, v18;
	v14 =	vadd.f32 v15, v14  }
0xce: {  	v11 =	vadd.f32 v11, v13;
	v15 =	vmul.f32 v17, v16  }
0xcf: {  	v9 =	vadd.f32 v12, v9  }
0xd0: {  	v12 =	vadd.f32 v18, v15;
	v11 =	vadd.f32 v14, v11;
	_ =	sdelay $0x1  }
0xd1: {  	v9 =	vadd.f32 v12, v9;
	(xrf2) =	vadd.scan.msk.f32 $0xffff, v11;
	_ =	sdelay $0x2  }
0xd2: {  	(xrf2) =	vadd.scan.msk.f32 $0xffff, v9;
	_ =	sdelay $0x6  }
0xd3: {  	v9, _, _ =	vpop (xrf2)  }
0xd4: {  	v9 =	vperm.xlane v9, v1;
	_ =	sdelay $0x1  }
0xd5: {  	v9 =	vmul.f32 $1.442695020e+00, v9;
	v11, _, _ =	vpop (xrf2)  }
0xd6: {  	v11 =	vperm.xlane v11, v1  }
0xd7: {  	(erf) = vpow2.f32 v9  }
0xd8: {  	v9 =	vmul.f32 $1.442695020e+00, v11;
	_ =	sdelay $0x1  }
0xd9: {  	(erf) = vpow2.f32 v9;
	_ =	sdelay $0x5  }
0xda: {  	v9 =	vpop (erf)  }
0xdb: {  	v7 =	vmul.f32 v9, v7;
	v11 =	vmul.f32 v9, v4  }
0xdc: {  	v10 =	vmul.f32 v9, v10;
	v8 =	vmul.f32 v9, v8  }
0xdd: {  	[tilespmem:s29+$0xFFFFFFF0] =	vst v11;
	v4 =	vpop (erf)  }
0xde: {  	v6 =	vmul.f32 v4, v6;
	v3 =	vmul.f32 v4, v3;
	[tilespmem:s29+$0xFFFFFFC0] =	vst v7  }
0xdf: {  	v7 =	vmul.f32 v4, v2;
	v9 =	vmul.f32 v4, v5;
	[tilespmem:s29+$0xFFFFFFD0] =	vst v10;
	v2 =	vld [tilespmem:s29+$0x50]  }
0xe0: {  	[tilespmem:s29+$0xFFFFFF90] =	vst v3;
	v3 =	vld [tilespmem:s29+$0x60]  }
0xe1: {  	[tilespmem:s29+$0xFFFFFFA0] =	vst v7;
	v4 =	vld [tilespmem:s29+$0x40]  }
0xe2: {  	[tilespmem:s29+$0xFFFFFF80] =	vst v6;
	v5 =	vld [tilespmem:s29+$0x30]  }
0xe3: {  	[tilespmem:s29+$0xFFFFFFE0] =	vst v8;
	v6 =	vld [tilespmem:s29+$0x20]  }
0xe4: {  	[tilespmem:s29+$0xFFFFFFB0] =	vst v9;
	v7 =	vld [tilespmem:s29+$0x10]  }
0xe5: {  	v10 =	vld [tilespmem:$0x8190]  }
0xe6: {  	v8 =	vld [tilespmem:s30+$0x10]  }
0xe7: {  	v9 =	vld [tilespmem:s30+$0x20]  }
0xe8: {  	v11 =	vld [tilespmem:s30+$0x30]  }
0xe9: {  	v12 =	vld [tilespmem:s30+$0x40]  }
0xea: {  	v13 =	vld [tilespmem:$0x81C0]  }
0xeb: {  	v14 =	vld [tilespmem:$0x81B0];
	v15 =	vadd.f32 v8, v7  }
0xec: {  	v16 =	vld [tilespmem:$0x81A0];
	v17 =	vadd.f32 v9, v6  }
0xed: {  	v18 =	vld [tilespmem:s30+$0x0];
	v19 =	vmul.f32 $2.000000030e-01, v15;
	v11 =	vadd.f32 v11, v5  }
0xee: {  	v9 =	vld [tilespmem:s29+$0x0];
	v20 =	vmul.f32 $2.000000030e-01, v17;
	v12 =	vadd.f32 v12, v4  }
0xef: {  	v8 =	vld [tilespmem:s29+$0x70];
	v15 =	vmax.f32 v15, v19;
	v19 =	vmul.f32 $2.000000030e-01, v11  }
0xf0: {  	v21 =	vld [tilespmem:s30+$0x70];
	v10 =	vmul.f32 v10, v15;
	v15 =	vmax.f32 v17, v20;
	v17 =	vmul.f32 $2.000000030e-01, v12  }
0xf1: {  	v20 =	vld [tilespmem:s30+$0x60];
	v11 =	vmax.f32 v11, v19  }
0xf2: {  	v15 =	vmul.f32 v16, v15;
	v19 =	vld [tilespmem:s30+$0x50];
	v11 =	vmul.f32 v14, v11;
	v12 =	vmax.f32 v12, v17  }
0xf3: {  	v14 =	vld [tilespmem:$0x8180];
	v16 =	vadd.f32 v18, v9;
	v12 =	vmul.f32 v13, v12  }
0xf4: {  	v11 =	vadd.f32 v11, v15  }
0xf5: {  	v13 =	vld [tilespmem:$0x81F0];
	v15 =	vmul.f32 $2.000000030e-01, v16;
	v17 =	vadd.f32 v21, v8  }
0xf6: {  	v18 =	vld [tilespmem:$0x81E0];
	v20 =	vadd.f32 v20, v3  }
0xf7: {  	v21 =	vld [tilespmem:$0x81D0];
	v15 =	vmax.f32 v16, v15;
	v16 =	vadd.f32 v19, v2;
	v19 =	vmul.f32 $2.000000030e-01, v17  }
0xf8: {  	v14 =	vmul.f32 v14, v15;
	v15 =	vmul.f32 $2.000000030e-01, v20  }
0xf9: {  	v22 =	vmul.f32 $2.000000030e-01, v16;
	v17 =	vmax.f32 v17, v19  }
0xfa: {  	v15 =	vmax.f32 v20, v15;
	v10 =	vadd.f32 v10, v14  }
0xfb: {  	v13 =	vmul.f32 v13, v17;
	v14 =	vmax.f32 v16, v22  }
0xfc: {  	v15 =	vmul.f32 v18, v15;
	v14 =	vmul.f32 v21, v14;
	v10 =	vadd.f32 v11, v10;
	_ =	sdelay $0x1  }
.Ltmp0:
0xfd: {  	v11 =	vadd.f32 v14, v12;
	v12 =	vadd.f32 v13, v15;
	(xrf2) =	vadd.scan.msk.f32 $0xffff, v10;
	(pc) =	sbr.rel @p0 .LBB2_3-.Ltmp0, $3  }
0xfe: {  	_ = 	snop  }
0xff: {  	v10 =	vadd.f32 v12, v11;
	_ =	sdelay $0x1  }
0x100: {  	(xrf2) =	vadd.scan.msk.f32 $0xffff, v10  }
0x101: {  	_ =	sdelay $0x4  }
0x102: {  	v10, _, _ =	vpop (xrf2)  }
0x103: {  	v10 =	vperm.xlane v10, v1;
	_ =	sdelay $0x1  }
0x104: {  	v10 =	vmul.f32 $1.442695020e+00, v10  }
0x105: {  	v11, _, _ =	vpop (xrf2)  }
0x106: {  	v11 =	vperm.xlane v11, v1;
	(erf) = vpow2.f32 v10;
	_ =	sdelay $0x1  }
0x107: {  	v60 =	vmul.f32 $1.442695020e+00, v11;
	_ =	sdelay $0x1  }
0x108: {  	(erf) = vpow2.f32 v60;
	_ =	sdelay $0x4  }
0x109: {  	v61 =	vpop (erf)  }
0x10a: {  	v9 =	vmul.f32 v61, v9  }
0x10b: {  	v6 =	vmul.f32 v61, v6  }
0x10c: {  	v7 =	vmul.f32 v61, v7;
	[tilespmem:s31+$0x0] =	vst v9  }
0x10d: {  	v5 =	vmul.f32 v61, v5;
	[tilespmem:s31+$0x20] =	vst v6;
	v62 =	vpop (erf)  }
0x10e: {  	[tilespmem:s31+$0x10] =	vst v7;
	v4 =	vmul.f32 v62, v4  }
0x10f: {  	[tilespmem:s31+$0x30] =	vst v5;
	v3 =	vmul.f32 v62, v3  }
0x110: {  	v63 =	vmul.f32 v62, v8;
	[tilespmem:s31+$0x40] =	vst v4  }
0x111: {  	s28 =	sadd.s32 $0x1, s28;
	v2 =	vmul.f32 v62, v2;
	[tilespmem:s31+$0x60] =	vst v3  }
0x112: {  	p0 =	sne.s32 s28, $0x51;
	[tilespmem:s31+$0x70] =	vst v63  }
.Ltmp1:
0x113: {  	[tilespmem:s31+$0x50] =	vst v2;
	(pc) =	sbr.rel @p0 .LBB2_2-.Ltmp1, $4  }
0x114: {  	[spmem:s2] =	stream.indirect.scatter.add.f32 [tilespmem:s19], [sflag:$0x3], $0x80, s18, s18, $0xb8;
	[tilespmem:$0x1C200] =	vst v63  }
0x115: {  	_ =	swait.ge [sflag:s17], $0x4000  }
0x116: {  	[sflag:s17] =	ssyncset.done $0x0  }
0x117: {  	[sflag:s17] =	ssyncadd.s32 $0xFFFFC000  }
0x118: {  	s26 =	sadd.s32 $0x1, s26  }
0x119: {  	p0 =	sne.s32 s26, s15  }
.Ltmp2:
0x11a: {  	[bflag:$0x0] =	sbarrier.arrive $0xFFFF;
	(pc) =	sbr.rel @p0 .LBB2_1-.Ltmp2, $4  }
0x11b: {  	[hbm:s14], [sflag:s24] =	dma.local [spmem:s25], $0x2800  }
0x11c: {  	_ =	swait.ge [sflag:s17], $0x2800  }
0x11d: {  	[sflag:s17] =	ssyncset.done $0x0  }
0x11e: {  	[sflag:s17] =	ssyncadd.s32 $0xFFFFD800  }
0x11f: {  	_ =	sfence.sel $0x180000  }
0x120: {  	[bflag:$0x0] =	sbarrier.arrive $0xFFFF  }
0x121: {  	_ =	strace $0x9000004A  }
0x122: {  	[bflag:$0x2] =	sbarrier.arrive $0xFFFF  }
0x123: {  	p0 =	sne.s32 s3, $0x0;
	s0 =	rddreg [dreg:$0x3]  }
0x124: {  	s0 =	sadd.s32 @!p0 $0x100000, s0  }
0x125: {  	[sflag:s0] =	ssyncadd.tile.s32 @!p0 $0x1;
	_ =	shalt  }
.Lfunc_end2:
_tile_overlayer_lowered:
.L_overlay_start_2:
0x126: {  	(tag) =	ssettag $0x2  }
0x127: {  	s0 =	rddreg [dreg:$0x0];
	s2 =	stileid.u32  }
0x128: {  	s1 =	rddreg [dreg:$0x1];
	p0 =	sne.s32 s2, $0x0  }
0x129: {  	s3 =	rddreg [dreg:$0x2];
	[bflag:$0x3] =	sbarrier.arrive $0xFFFF;
	s2 =	simm.s32 @!p0 $0x1C03  }
0x12a: {  	[timem:s3], [sflag:s2] =	dma.local @!p0 [hbm:s0], s1  }
0x12b: {  	s0 =	simm.s32 @!p0 $0x3  }
0x12c: {  	_ =	swait.ge @!p0 [sflag:s0], s1  }
0x12d: {  	s1 =	ssub.s32 @!p0 $0x0, s1;
	[sflag:s0] =	ssyncset.done @!p0 $0x0  }
0x12e: {  	[sflag:s0] =	ssyncadd.s32 @!p0 s1  }
0x12f: {  	[bflag:$0x3] =	sbarrier.arrive $0xFFFF  }
0x130: {  	_ =	shalt  }

</sc_bundles>
